<compile_context>
chip_gen: v7x
topology: tpu7x:2x2x1
jax: 0.10.2.dev20260603
libtpu: 0.0.44.dev20260713+nightly
codegen_flags: <defaults>
</compile_context>

<pallas_src>
import jax
import jax.numpy as jnp
from jax import lax
from jax.experimental import pallas as pl
from jax.experimental.pallas import tpu as pltpu
from jax.experimental.pallas import tpu_sc as plsc

N_NODES = 10000
N_EDGES = 320000
D_IN = 128
D_HALF = 64
N_CLASSES = 40
D_P = 48
NPAD = 10240
NC, NS = 2, 16
NW = NC * NS
K = 80
ROWS_PER_SUB = NPAD // NS
B_TC = 1000


def _sc_mesh():
    return plsc.VectorSubcoreMesh(core_axis_name="c", subcore_axis_name="s",
                                  num_cores=NC, num_subcores=NS)


def _sc_layer1(xs, src, dst):
    nchunk = N_EDGES // NS // K

    def body(xs_hbm, src_hbm, dst_hbm, agg_out, deg_out,
             src_v, dst_v, rows_v, rows_w, ones_v, z16_v, agg_s, deg_s,
             sem, sem_b):
        zero16 = jnp.zeros((16,), jnp.float32)
        one16 = jnp.ones((16,), jnp.float32)
        c = lax.axis_index("c")
        s = lax.axis_index("s")

        def zrow(r, _):
            for j in range(D_HALF // 16):
                rows_v[r, pl.ds(j * 16, 16)] = zero16
            ones_v[r, ...] = one16
            z16_v[r, ...] = zero16
            return 0
        lax.fori_loop(0, K, zrow, 0)

        r0 = s * ROWS_PER_SUB
        for t in range(ROWS_PER_SUB // K):
            pltpu.sync_copy(rows_v, agg_s.at[pl.ds(r0 + t * K, K), :])
            pltpu.sync_copy(z16_v, deg_s.at[pl.ds(r0 + t * K, K), :])
        plsc.subcore_barrier()

        pltpu.sync_copy(src_hbm.at[s], src_v)
        pltpu.sync_copy(dst_hbm.at[s], dst_v)
        offv = jnp.broadcast_to(c * N_NODES, (16,)).astype(jnp.int32)

        def bias_row(r, _):
            for j in range(K // 16):
                sl = pl.ds(j * 16, 16)
                src_v[r, sl] = src_v[r, sl] + offv
            return 0
        lax.fori_loop(0, nchunk, bias_row, 0)

        pltpu.async_copy(xs_hbm.at[src_v.at[0]], rows_v, sem)

        def pair(i, _):
            j = 2 * i
            pltpu.make_async_copy(xs_hbm.at[src_v.at[j]], rows_v, sem).wait()
            pltpu.async_copy(xs_hbm.at[src_v.at[j + 1]], rows_w, sem_b)
            pltpu.sync_copy(rows_v, agg_s.at[dst_v.at[j]], add=True)

            @pl.when(c == 0)
            def _():
                pltpu.sync_copy(ones_v, deg_s.at[dst_v.at[j]], add=True)
            pltpu.make_async_copy(
                xs_hbm.at[src_v.at[j + 1]], rows_w, sem_b).wait()

            @pl.when(j + 2 < nchunk)
            def _():
                pltpu.async_copy(xs_hbm.at[src_v.at[j + 2]], rows_v, sem)
            pltpu.sync_copy(rows_w, agg_s.at[dst_v.at[j + 1]], add=True)

            @pl.when(c == 1)
            def _():
                pltpu.sync_copy(ones_v, deg_s.at[dst_v.at[j + 1]], add=True)
            return 0
        lax.fori_loop(0, nchunk // 2, pair, 0)
        plsc.subcore_barrier()

        for t in range(ROWS_PER_SUB // K):
            rr = r0 + t * K
            pltpu.sync_copy(agg_s.at[pl.ds(rr, K), :], rows_v)
            pltpu.sync_copy(rows_v, agg_out.at[c, pl.ds(rr, K), :])
            pltpu.sync_copy(deg_s.at[pl.ds(rr, K), :], z16_v)
            pltpu.sync_copy(z16_v, deg_out.at[c, pl.ds(rr, K), :])

    f = pl.kernel(
        body,
        out_type=(jax.ShapeDtypeStruct((NC, NPAD, D_HALF), jnp.float32),
                  jax.ShapeDtypeStruct((NC, NPAD, 16), jnp.float32)),
        mesh=_sc_mesh(),
        compiler_params=pltpu.CompilerParams(use_tc_tiling_on_sc=False),
        scratch_types=(
            pltpu.VMEM((nchunk, K), jnp.int32),
            pltpu.VMEM((nchunk, K), jnp.int32),
            pltpu.VMEM((K, D_HALF), jnp.float32),
            pltpu.VMEM((K, D_HALF), jnp.float32),
            pltpu.VMEM((K, 16), jnp.float32),
            pltpu.VMEM((K, 16), jnp.float32),
            pltpu.VMEM_SHARED((NPAD, D_HALF), jnp.float32),
            pltpu.VMEM_SHARED((NPAD, 16), jnp.float32),
            pltpu.SemaphoreType.DMA,
            pltpu.SemaphoreType.DMA,
        ),
    )
    return f(xs, src, dst)


def _sc_layer2(p, src, dst):
    nchunk = N_EDGES // NW // K

    def body(p_hbm, src_hbm, dst_hbm, agg_out,
             src_v, dst_v, rows_v, rows_w, agg_s, sem, sem_b):
        zero16 = jnp.zeros((16,), jnp.float32)
        c = lax.axis_index("c")
        s = lax.axis_index("s")
        wid = c * NS + s

        def zrow(r, _):
            for j in range(D_P // 16):
                rows_v[r, pl.ds(j * 16, 16)] = zero16
            return 0
        lax.fori_loop(0, K, zrow, 0)

        r0 = s * ROWS_PER_SUB
        for t in range(ROWS_PER_SUB // K):
            pltpu.sync_copy(rows_v, agg_s.at[pl.ds(r0 + t * K, K), :])
        plsc.subcore_barrier()

        pltpu.sync_copy(src_hbm.at[wid], src_v)
        pltpu.sync_copy(dst_hbm.at[wid], dst_v)

        pltpu.async_copy(p_hbm.at[src_v.at[0]], rows_v, sem)

        def pair(i, _):
            j = 2 * i
            pltpu.make_async_copy(p_hbm.at[src_v.at[j]], rows_v, sem).wait()
            pltpu.async_copy(p_hbm.at[src_v.at[j + 1]], rows_w, sem_b)
            pltpu.sync_copy(rows_v, agg_s.at[dst_v.at[j]], add=True)
            pltpu.make_async_copy(
                p_hbm.at[src_v.at[j + 1]], rows_w, sem_b).wait()
            pltpu.async_copy(p_hbm.at[src_v.at[j + 2]], rows_v, sem)
            pltpu.sync_copy(rows_w, agg_s.at[dst_v.at[j + 1]], add=True)
            return 0
        lax.fori_loop(0, nchunk // 2, pair, 0)
        jl = nchunk - 1
        pltpu.make_async_copy(p_hbm.at[src_v.at[jl]], rows_v, sem).wait()
        pltpu.sync_copy(rows_v, agg_s.at[dst_v.at[jl]], add=True)
        plsc.subcore_barrier()

        for t in range(ROWS_PER_SUB // K):
            rr = r0 + t * K
            pltpu.sync_copy(agg_s.at[pl.ds(rr, K), :], rows_v)
            pltpu.sync_copy(rows_v, agg_out.at[c, pl.ds(rr, K), :])

    f = pl.kernel(
        body,
        out_type=jax.ShapeDtypeStruct((NC, NPAD, D_P), jnp.float32),
        mesh=_sc_mesh(),
        compiler_params=pltpu.CompilerParams(use_tc_tiling_on_sc=False),
        scratch_types=(
            pltpu.VMEM((nchunk, K), jnp.int32),
            pltpu.VMEM((nchunk, K), jnp.int32),
            pltpu.VMEM((K, D_P), jnp.float32),
            pltpu.VMEM((K, D_P), jnp.float32),
            pltpu.VMEM_SHARED((NPAD, D_P), jnp.float32),
            pltpu.SemaphoreType.DMA,
            pltpu.SemaphoreType.DMA,
        ),
    )
    return f(p, src, dst)


def _tc1(x, agg, deg, W_self1, W_neigh1, b1, W_self2, W_neigh2, b2):
    def body(x_r, agg_r, deg_r, ws1_r, wn1_r, b1_r, ws2_r, wn2_r, b2_r,
             q_r, p_r):
        d = deg_r[0, :, 0:1] + deg_r[1, :, 0:1]
        inv = jnp.where(d > 0, 1.0 / jnp.maximum(d, 1.0), 0.0)
        a = jnp.concatenate([agg_r[0], agg_r[1]], axis=1)
        hn = a * inv
        h = x_r[...] @ ws1_r[...] + hn @ wn1_r[...] + b1_r[...]
        h = jnp.maximum(h, 0.0)
        q = h @ ws2_r[...] + b2_r[...]
        p = h @ wn2_r[...]
        zpad7 = jnp.zeros((q.shape[0], 7), jnp.float32)
        zpad8 = jnp.zeros((q.shape[0], 8), jnp.float32)
        q_r[...] = jnp.concatenate([q, inv, zpad7], axis=1)
        p_r[...] = jnp.concatenate([p, zpad8], axis=1)

    grid = (N_NODES // B_TC,)
    return pl.pallas_call(
        body,
        grid=grid,
        in_specs=[
            pl.BlockSpec((B_TC, D_IN), lambda i: (i, 0)),
            pl.BlockSpec((NC, B_TC, D_HALF), lambda i: (0, i, 0)),
            pl.BlockSpec((NC, B_TC, 16), lambda i: (0, i, 0)),
            pl.BlockSpec((D_IN, D_IN), lambda i: (0, 0)),
            pl.BlockSpec((D_IN, D_IN), lambda i: (0, 0)),
            pl.BlockSpec((1, D_IN), lambda i: (0, 0)),
            pl.BlockSpec((D_IN, N_CLASSES), lambda i: (0, 0)),
            pl.BlockSpec((D_IN, N_CLASSES), lambda i: (0, 0)),
            pl.BlockSpec((1, N_CLASSES), lambda i: (0, 0)),
        ],
        out_specs=[
            pl.BlockSpec((B_TC, D_P), lambda i: (i, 0)),
            pl.BlockSpec((B_TC, D_P), lambda i: (i, 0)),
        ],
        out_shape=[
            jax.ShapeDtypeStruct((N_NODES, D_P), jnp.float32),
            jax.ShapeDtypeStruct((N_NODES, D_P), jnp.float32),
        ],
    )(x, agg, deg, W_self1, W_neigh1, b1.reshape(1, D_IN), W_self2,
      W_neigh2, b2.reshape(1, N_CLASSES))


def _tc2(q, agg2):
    def body(q_r, agg_r, o_r):
        inv = q_r[:, 40:41]
        a = agg_r[0, :, :N_CLASSES] + agg_r[1, :, :N_CLASSES]
        o_r[...] = q_r[:, :N_CLASSES] + a * inv

    grid = (N_NODES // B_TC,)
    return pl.pallas_call(
        body,
        grid=grid,
        in_specs=[
            pl.BlockSpec((B_TC, D_P), lambda i: (i, 0)),
            pl.BlockSpec((NC, B_TC, D_P), lambda i: (0, i, 0)),
        ],
        out_specs=pl.BlockSpec((B_TC, N_CLASSES), lambda i: (i, 0)),
        out_shape=jax.ShapeDtypeStruct((N_NODES, N_CLASSES), jnp.float32),
    )(q, agg2)


@jax.jit
def kernel(x, edge_index, W_self1, W_neigh1, b1, W_self2, W_neigh2, b2):
    xs = jnp.concatenate([x[:, :D_HALF], x[:, D_HALF:]], axis=0)
    src1 = edge_index[0].reshape(NS, N_EDGES // NS // K, K)
    dst1 = edge_index[1].reshape(NS, N_EDGES // NS // K, K)
    src2 = edge_index[0].reshape(NW, N_EDGES // NW // K, K)
    dst2 = edge_index[1].reshape(NW, N_EDGES // NW // K, K)

    agg1, deg = _sc_layer1(xs, src1, dst1)
    q, p = _tc1(x, agg1, deg, W_self1, W_neigh1, b1, W_self2, W_neigh2, b2)
    agg2 = _sc_layer2(p, src2, dst2)
    return _tc2(q, agg2)

# --- scband reference (transcript-rebuilt; emitter-appended) ---
"""Pipeline reference for scband-sage-full-dgl-38225208934548 (READ-ONLY COPY).

The authoritative reference and input builder live on the scoring server;
editing this copy changes nothing except your own understanding.
"""

import jax, jax.numpy as jnp
import numpy as np

N_NODES = 10000
N_EDGES = 320000
D_IN = 128
D_HID = 128
N_CLASSES = 40


def setup_inputs(seed: int = 0) -> dict:
    key = jax.random.key(seed)
    ks = jax.random.split(key, 8)
    x = jax.random.normal(ks[0], (N_NODES, D_IN), dtype=jnp.float32)
    edge_index = jax.random.randint(ks[1], (2, N_EDGES), 0, N_NODES, dtype=jnp.int64 if jax.config.jax_enable_x64 else jnp.int32).astype(jnp.int32)
    s1 = 1.0 / np.sqrt(D_IN)
    s2 = 1.0 / np.sqrt(D_HID)
    W_self1 = jax.random.normal(ks[2], (D_IN, D_HID), dtype=jnp.float32) * s1
    W_neigh1 = jax.random.normal(ks[3], (D_IN, D_HID), dtype=jnp.float32) * s1
    b1 = jnp.zeros((D_HID,), dtype=jnp.float32)
    W_self2 = jax.random.normal(ks[4], (D_HID, N_CLASSES), dtype=jnp.float32) * s2
    W_neigh2 = jax.random.normal(ks[5], (D_HID, N_CLASSES), dtype=jnp.float32) * s2
    b2 = jnp.zeros((N_CLASSES,), dtype=jnp.float32)
    return {"x": x, "edge_index": edge_index, "W_self1": W_self1, "W_neigh1": W_neigh1, "b1": b1, "W_self2": W_self2, "W_neigh2": W_neigh2, "b2": b2}


def reference(x, edge_index, W_self1, W_neigh1, b1, W_self2, W_neigh2, b2):
    # SAGE_FULL_DGL with two dgl SAGEConv('mean') layers, eval mode (dropout = identity).
    src = edge_index[0]
    dst = edge_index[1]
    n = x.shape[0]
    deg = jax.ops.segment_sum(jnp.ones((src.shape[0],), dtype=jnp.float32), dst, num_segments=n)
    inv_deg = jnp.where(deg > 0, 1.0 / jnp.maximum(deg, 1.0), 0.0)

    def sage_conv(h, W_self, W_neigh, b):
        # mean aggregation of incoming neighbor features (DGL 'mean' aggregator)
        agg = jax.ops.segment_sum(jnp.take(h, src, axis=0), dst, num_segments=n)
        h_neigh = agg * inv_deg[:, None]
        return h @ W_self + h_neigh @ W_neigh + b

    h = sage_conv(x, W_self1, W_neigh1, b1)
    h = jax.nn.relu(h)
    h = sage_conv(h, W_self2, W_neigh2, b2)
    return h

if __name__ == "__main__":
    import jax
    _d = setup_inputs()
    print(jax.jit(kernel)(*tuple(_d.values())))

</pallas_src>

<mosaic_0001>
#map = affine_map<(d0, d1) -> (0, 0)>
#map1 = affine_map<(d0, d1) -> (0, 0, 0)>
module attributes {stable_mosaic.version = 14 : i64} {
  func.func @body(%arg0: i32, %arg1: i32, %arg2: memref<20000x64xf32, #tpu.memory_space<hbm>>, %arg3: memref<16x250x80xi32, #tpu.memory_space<hbm>>, %arg4: memref<16x250x80xi32, #tpu.memory_space<hbm>>, %arg5: memref<2x10240x64xf32, #tpu.memory_space<hbm>>, %arg6: memref<2x10240x16xf32, #tpu.memory_space<hbm>>, %arg7: memref<250x80xi32, #tpu.memory_space<vmem>>, %arg8: memref<250x80xi32, #tpu.memory_space<vmem>>, %arg9: memref<80x64xf32, #tpu.memory_space<vmem>>, %arg10: memref<80x64xf32, #tpu.memory_space<vmem>>, %arg11: memref<80x16xf32, #tpu.memory_space<vmem>>, %arg12: memref<80x16xf32, #tpu.memory_space<vmem>>, %arg13: memref<10240x64xf32, #tpu.memory_space<vmem_shared>>, %arg14: memref<10240x16xf32, #tpu.memory_space<vmem_shared>>, %arg15: memref<!tpu.dma_semaphore, #tpu.memory_space<semaphore_mem>>, %arg16: memref<!tpu.dma_semaphore, #tpu.memory_space<semaphore_mem>>) attributes {dimension_semantics = [#tpu.dimension_semantics<core_parallel>, #tpu.dimension_semantics<subcore_parallel>], iteration_bounds = array<i64: 2, 16>, scalar_prefetch = 0 : i64, scratch_operands = 10 : i64, tpu.core_type = #tpu.core_type<sc_vector_subcore>, window_params = [{transform_indices = #map}, {transform_indices = #map1}, {transform_indices = #map1}, {transform_indices = #map1}, {transform_indices = #map1}]} {
    %broadcast_in_dim3A = arith.constant 0.000000e+00 : f32
    %broadcast_in_dim3A_0 = vector.broadcast %broadcast_in_dim3A : f32 to vector<16xf32>
    %broadcast_in_dim3A_1 = arith.constant 1.000000e+00 : f32
    %broadcast_in_dim3A_2 = vector.broadcast %broadcast_in_dim3A_1 : f32 to vector<16xf32>
    %scan3A = arith.constant 0 : i32
    %scan3A_3 = arith.constant 0 : i32
    %scan3A_4 = arith.constant 80 : i32
    %scan3A_5 = arith.addi %scan3A_3, %scan3A_4 : i32
    %scan3A_6 = arith.constant 1 : i32
    %scan3A_7 = scf.for %scan3A_81 = %scan3A_3 to %scan3A_5 step %scan3A_6 iter_args(%scan3A_82 = %scan3A) -> (i32)  : i32 {
      %swap3A = arith.index_cast %scan3A_81 : i32 to index
      %swap3A_83 = arith.constant 0 : index
      %swap3A_84 = tpu.vector_load %arg9[%swap3A, %swap3A_83] {strides = array<i32>} : memref<80x64xf32, #tpu.memory_space<vmem>>, vector<1x16xf32>,
      %swap3A_85 = vector.shape_cast %swap3A_84 : vector<1x16xf32> to vector<16xf32>
      %swap3A_86 = vector.shape_cast %broadcast_in_dim3A_0 : vector<16xf32> to vector<1x16xf32>
      tpu.vector_store %arg9[%swap3A, %swap3A_83], %swap3A_86 {strides = array<i32>} : memref<80x64xf32, #tpu.memory_space<vmem>>, vector<1x16xf32>,
      %swap3A_87 = arith.index_cast %scan3A_81 : i32 to index
      %swap3A_88 = arith.constant 16 : index
      %swap3A_89 = tpu.vector_load %arg9[%swap3A_87, %swap3A_88] {strides = array<i32>} : memref<80x64xf32, #tpu.memory_space<vmem>>, vector<1x16xf32>,
      %swap3A_90 = vector.shape_cast %swap3A_89 : vector<1x16xf32> to vector<16xf32>
      %swap3A_91 = vector.shape_cast %broadcast_in_dim3A_0 : vector<16xf32> to vector<1x16xf32>
      tpu.vector_store %arg9[%swap3A_87, %swap3A_88], %swap3A_91 {strides = array<i32>} : memref<80x64xf32, #tpu.memory_space<vmem>>, vector<1x16xf32>,
      %swap3A_92 = arith.index_cast %scan3A_81 : i32 to index
      %swap3A_93 = arith.constant 32 : index
      %swap3A_94 = tpu.vector_load %arg9[%swap3A_92, %swap3A_93] {strides = array<i32>} : memref<80x64xf32, #tpu.memory_space<vmem>>, vector<1x16xf32>,
      %swap3A_95 = vector.shape_cast %swap3A_94 : vector<1x16xf32> to vector<16xf32>
      %swap3A_96 = vector.shape_cast %broadcast_in_dim3A_0 : vector<16xf32> to vector<1x16xf32>
      tpu.vector_store %arg9[%swap3A_92, %swap3A_93], %swap3A_96 {strides = array<i32>} : memref<80x64xf32, #tpu.memory_space<vmem>>, vector<1x16xf32>,
      %swap3A_97 = arith.index_cast %scan3A_81 : i32 to index
      %swap3A_98 = arith.constant 48 : index
      %swap3A_99 = tpu.vector_load %arg9[%swap3A_97, %swap3A_98] {strides = array<i32>} : memref<80x64xf32, #tpu.memory_space<vmem>>, vector<1x16xf32>,
      %swap3A_100 = vector.shape_cast %swap3A_99 : vector<1x16xf32> to vector<16xf32>
      %swap3A_101 = vector.shape_cast %broadcast_in_dim3A_0 : vector<16xf32> to vector<1x16xf32>
      tpu.vector_store %arg9[%swap3A_97, %swap3A_98], %swap3A_101 {strides = array<i32>} : memref<80x64xf32, #tpu.memory_space<vmem>>, vector<1x16xf32>,
      %swap3A_102 = arith.index_cast %scan3A_81 : i32 to index
      %swap3A_103 = arith.constant 0 : index
      %swap3A_104 = tpu.vector_load %arg11[%swap3A_102, %swap3A_103] {strides = array<i32>} : memref<80x16xf32, #tpu.memory_space<vmem>>, vector<1x16xf32>,
      %swap3A_105 = vector.shape_cast %swap3A_104 : vector<1x16xf32> to vector<16xf32>
      %swap3A_106 = vector.shape_cast %broadcast_in_dim3A_2 : vector<16xf32> to vector<1x16xf32>
      tpu.vector_store %arg11[%swap3A_102, %swap3A_103], %swap3A_106 {strides = array<i32>} : memref<80x16xf32, #tpu.memory_space<vmem>>, vector<1x16xf32>,
      %swap3A_107 = arith.index_cast %scan3A_81 : i32 to index
      %swap3A_108 = arith.constant 0 : index
      %swap3A_109 = tpu.vector_load %arg12[%swap3A_107, %swap3A_108] {strides = array<i32>} : memref<80x16xf32, #tpu.memory_space<vmem>>, vector<1x16xf32>,
      %swap3A_110 = vector.shape_cast %swap3A_109 : vector<1x16xf32> to vector<16xf32>
      %swap3A_111 = vector.shape_cast %broadcast_in_dim3A_0 : vector<16xf32> to vector<1x16xf32>
      tpu.vector_store %arg12[%swap3A_107, %swap3A_108], %swap3A_111 {strides = array<i32>} : memref<80x16xf32, #tpu.memory_space<vmem>>, vector<1x16xf32>,
      %scan3A_112 = arith.constant 0 : i32
      scf.yield %scan3A_112 : i32
    }
    %scan3A_8 = arith.constant 80 : i32
    %mul3A = arith.constant 640 : i32
    %mul3A_9 = arith.muli %arg1, %mul3A : i32
    %add3A = arith.constant 0 : i32
    %add3A_10 = arith.addi %mul3A_9, %add3A : i32
    "tpu.region"() ({
      %run_scoped3A = tpu.sem_alloc : memref<!tpu.dma_semaphore, #tpu.memory_space<semaphore_mem>>
      %dma_start3A_81 = arith.constant 0 : i32
      %dma_start3A_82 = tpu.memref_slice %arg13[%add3A_10, %dma_start3A_81] : memref<10240x64xf32, #tpu.memory_space<vmem_shared>> -> memref<80x64xf32, #tpu.memory_space<vmem_shared>>
      %dma_start3A_83 = arith.constant 0 : i32
      %dma_start3A_84 = tpu.memref_slice %arg13[%add3A_10, %dma_start3A_83] : memref<10240x64xf32, #tpu.memory_space<vmem_shared>> -> memref<80x64xf32, #tpu.memory_space<vmem_shared>>
      tpu.enqueue_dma source(%arg9 : memref<80x64xf32, #tpu.memory_space<vmem>>) target(%dma_start3A_84 : memref<80x64xf32, #tpu.memory_space<vmem_shared>>) target_semaphore(%run_scoped3A : memref<!tpu.dma_semaphore, #tpu.memory_space<semaphore_mem>>)
      %dma_wait3A = arith.constant 0 : i32
      %dma_wait3A_85 = tpu.memref_slice %arg13[%add3A_10, %dma_wait3A] : memref<10240x64xf32, #tpu.memory_space<vmem_shared>> -> memref<80x64xf32, #tpu.memory_space<vmem_shared>>
      %dma_wait3A_86 = arith.constant 0 : i32
      %dma_wait3A_87 = tpu.memref_slice %arg13[%add3A_10, %dma_wait3A_86] : memref<10240x64xf32, #tpu.memory_space<vmem_shared>> -> memref<80x64xf32, #tpu.memory_space<vmem_shared>>
      tpu.wait_dma2 semaphore(%run_scoped3A : memref<!tpu.dma_semaphore, #tpu.memory_space<semaphore_mem>>) src(%arg9 : memref<80x64xf32, #tpu.memory_space<vmem>>) dst(%dma_wait3A_87 : memref<80x64xf32, #tpu.memory_space<vmem_shared>>)
      tpu.yield
    }) : () -> ()
    %add3A_11 = arith.constant 0 : i32
    %add3A_12 = arith.addi %mul3A_9, %add3A_11 : i32
    "tpu.region"() ({
      %run_scoped3A = tpu.sem_alloc : memref<!tpu.dma_semaphore, #tpu.memory_space<semaphore_mem>>
      %dma_start3A_81 = arith.constant 0 : i32
      %dma_start3A_82 = tpu.memref_slice %arg14[%add3A_12, %dma_start3A_81] : memref<10240x16xf32, #tpu.memory_space<vmem_shared>> -> memref<80x16xf32, #tpu.memory_space<vmem_shared>>
      %dma_start3A_83 = arith.constant 0 : i32
      %dma_start3A_84 = tpu.memref_slice %arg14[%add3A_12, %dma_start3A_83] : memref<10240x16xf32, #tpu.memory_space<vmem_shared>> -> memref<80x16xf32, #tpu.memory_space<vmem_shared>>
      tpu.enqueue_dma source(%arg12 : memref<80x16xf32, #tpu.memory_space<vmem>>) target(%dma_start3A_84 : memref<80x16xf32, #tpu.memory_space<vmem_shared>>) target_semaphore(%run_scoped3A : memref<!tpu.dma_semaphore, #tpu.memory_space<semaphore_mem>>)
      %dma_wait3A = arith.constant 0 : i32
      %dma_wait3A_85 = tpu.memref_slice %arg14[%add3A_12, %dma_wait3A] : memref<10240x16xf32, #tpu.memory_space<vmem_shared>> -> memref<80x16xf32, #tpu.memory_space<vmem_shared>>
      %dma_wait3A_86 = arith.constant 0 : i32
      %dma_wait3A_87 = tpu.memref_slice %arg14[%add3A_12, %dma_wait3A_86] : memref<10240x16xf32, #tpu.memory_space<vmem_shared>> -> memref<80x16xf32, #tpu.memory_space<vmem_shared>>
      tpu.wait_dma2 semaphore(%run_scoped3A : memref<!tpu.dma_semaphore, #tpu.memory_space<semaphore_mem>>) src(%arg12 : memref<80x16xf32, #tpu.memory_space<vmem>>) dst(%dma_wait3A_87 : memref<80x16xf32, #tpu.memory_space<vmem_shared>>)
      tpu.yield
    }) : () -> ()
    %add3A_13 = arith.constant 80 : i32
    %add3A_14 = arith.addi %mul3A_9, %add3A_13 : i32
    "tpu.region"() ({
      %run_scoped3A = tpu.sem_alloc : memref<!tpu.dma_semaphore, #tpu.memory_space<semaphore_mem>>
      %dma_start3A_81 = arith.constant 0 : i32
      %dma_start3A_82 = tpu.memref_slice %arg13[%add3A_14, %dma_start3A_81] : memref<10240x64xf32, #tpu.memory_space<vmem_shared>> -> memref<80x64xf32, #tpu.memory_space<vmem_shared>>
      %dma_start3A_83 = arith.constant 0 : i32
      %dma_start3A_84 = tpu.memref_slice %arg13[%add3A_14, %dma_start3A_83] : memref<10240x64xf32, #tpu.memory_space<vmem_shared>> -> memref<80x64xf32, #tpu.memory_space<vmem_shared>>
      tpu.enqueue_dma source(%arg9 : memref<80x64xf32, #tpu.memory_space<vmem>>) target(%dma_start3A_84 : memref<80x64xf32, #tpu.memory_space<vmem_shared>>) target_semaphore(%run_scoped3A : memref<!tpu.dma_semaphore, #tpu.memory_space<semaphore_mem>>)
      %dma_wait3A = arith.constant 0 : i32
      %dma_wait3A_85 = tpu.memref_slice %arg13[%add3A_14, %dma_wait3A] : memref<10240x64xf32, #tpu.memory_space<vmem_shared>> -> memref<80x64xf32, #tpu.memory_space<vmem_shared>>
      %dma_wait3A_86 = arith.constant 0 : i32
      %dma_wait3A_87 = tpu.memref_slice %arg13[%add3A_14, %dma_wait3A_86] : memref<10240x64xf32, #tpu.memory_space<vmem_shared>> -> memref<80x64xf32, #tpu.memory_space<vmem_shared>>
      tpu.wait_dma2 semaphore(%run_scoped3A : memref<!tpu.dma_semaphore, #tpu.memory_space<semaphore_mem>>) src(%arg9 : memref<80x64xf32, #tpu.memory_space<vmem>>) dst(%dma_wait3A_87 : memref<80x64xf32, #tpu.memory_space<vmem_shared>>)
      tpu.yield
    }) : () -> ()
    %add3A_15 = arith.constant 80 : i32
    %add3A_16 = arith.addi %mul3A_9, %add3A_15 : i32
    "tpu.region"() ({
      %run_scoped3A = tpu.sem_alloc : memref<!tpu.dma_semaphore, #tpu.memory_space<semaphore_mem>>
      %dma_start3A_81 = arith.constant 0 : i32
      %dma_start3A_82 = tpu.memref_slice %arg14[%add3A_16, %dma_start3A_81] : memref<10240x16xf32, #tpu.memory_space<vmem_shared>> -> memref<80x16xf32, #tpu.memory_space<vmem_shared>>
      %dma_start3A_83 = arith.constant 0 : i32
      %dma_start3A_84 = tpu.memref_slice %arg14[%add3A_16, %dma_start3A_83] : memref<10240x16xf32, #tpu.memory_space<vmem_shared>> -> memref<80x16xf32, #tpu.memory_space<vmem_shared>>
      tpu.enqueue_dma source(%arg12 : memref<80x16xf32, #tpu.memory_space<vmem>>) target(%dma_start3A_84 : memref<80x16xf32, #tpu.memory_space<vmem_shared>>) target_semaphore(%run_scoped3A : memref<!tpu.dma_semaphore, #tpu.memory_space<semaphore_mem>>)
      %dma_wait3A = arith.constant 0 : i32
      %dma_wait3A_85 = tpu.memref_slice %arg14[%add3A_16, %dma_wait3A] : memref<10240x16xf32, #tpu.memory_space<vmem_shared>> -> memref<80x16xf32, #tpu.memory_space<vmem_shared>>
      %dma_wait3A_86 = arith.constant 0 : i32
      %dma_wait3A_87 = tpu.memref_slice %arg14[%add3A_16, %dma_wait3A_86] : memref<10240x16xf32, #tpu.memory_space<vmem_shared>> -> memref<80x16xf32, #tpu.memory_space<vmem_shared>>
      tpu.wait_dma2 semaphore(%run_scoped3A : memref<!tpu.dma_semaphore, #tpu.memory_space<semaphore_mem>>) src(%arg12 : memref<80x16xf32, #tpu.memory_space<vmem>>) dst(%dma_wait3A_87 : memref<80x16xf32, #tpu.memory_space<vmem_shared>>)
      tpu.yield
    }) : () -> ()
    %add3A_17 = arith.constant 160 : i32
    %add3A_18 = arith.addi %mul3A_9, %add3A_17 : i32
    "tpu.region"() ({
      %run_scoped3A = tpu.sem_alloc : memref<!tpu.dma_semaphore, #tpu.memory_space<semaphore_mem>>
      %dma_start3A_81 = arith.constant 0 : i32
      %dma_start3A_82 = tpu.memref_slice %arg13[%add3A_18, %dma_start3A_81] : memref<10240x64xf32, #tpu.memory_space<vmem_shared>> -> memref<80x64xf32, #tpu.memory_space<vmem_shared>>
      %dma_start3A_83 = arith.constant 0 : i32
      %dma_start3A_84 = tpu.memref_slice %arg13[%add3A_18, %dma_start3A_83] : memref<10240x64xf32, #tpu.memory_space<vmem_shared>> -> memref<80x64xf32, #tpu.memory_space<vmem_shared>>
      tpu.enqueue_dma source(%arg9 : memref<80x64xf32, #tpu.memory_space<vmem>>) target(%dma_start3A_84 : memref<80x64xf32, #tpu.memory_space<vmem_shared>>) target_semaphore(%run_scoped3A : memref<!tpu.dma_semaphore, #tpu.memory_space<semaphore_mem>>)
      %dma_wait3A = arith.constant 0 : i32
      %dma_wait3A_85 = tpu.memref_slice %arg13[%add3A_18, %dma_wait3A] : memref<10240x64xf32, #tpu.memory_space<vmem_shared>> -> memref<80x64xf32, #tpu.memory_space<vmem_shared>>
      %dma_wait3A_86 = arith.constant 0 : i32
      %dma_wait3A_87 = tpu.memref_slice %arg13[%add3A_18, %dma_wait3A_86] : memref<10240x64xf32, #tpu.memory_space<vmem_shared>> -> memref<80x64xf32, #tpu.memory_space<vmem_shared>>
      tpu.wait_dma2 semaphore(%run_scoped3A : memref<!tpu.dma_semaphore, #tpu.memory_space<semaphore_mem>>) src(%arg9 : memref<80x64xf32, #tpu.memory_space<vmem>>) dst(%dma_wait3A_87 : memref<80x64xf32, #tpu.memory_space<vmem_shared>>)
      tpu.yield
    }) : () -> ()
    %add3A_19 = arith.constant 160 : i32
    %add3A_20 = arith.addi %mul3A_9, %add3A_19 : i32
    "tpu.region"() ({
      %run_scoped3A = tpu.sem_alloc : memref<!tpu.dma_semaphore, #tpu.memory_space<semaphore_mem>>
      %dma_start3A_81 = arith.constant 0 : i32
      %dma_start3A_82 = tpu.memref_slice %arg14[%add3A_20, %dma_start3A_81] : memref<10240x16xf32, #tpu.memory_space<vmem_shared>> -> memref<80x16xf32, #tpu.memory_space<vmem_shared>>
      %dma_start3A_83 = arith.constant 0 : i32
      %dma_start3A_84 = tpu.memref_slice %arg14[%add3A_20, %dma_start3A_83] : memref<10240x16xf32, #tpu.memory_space<vmem_shared>> -> memref<80x16xf32, #tpu.memory_space<vmem_shared>>
      tpu.enqueue_dma source(%arg12 : memref<80x16xf32, #tpu.memory_space<vmem>>) target(%dma_start3A_84 : memref<80x16xf32, #tpu.memory_space<vmem_shared>>) target_semaphore(%run_scoped3A : memref<!tpu.dma_semaphore, #tpu.memory_space<semaphore_mem>>)
      %dma_wait3A = arith.constant 0 : i32
      %dma_wait3A_85 = tpu.memref_slice %arg14[%add3A_20, %dma_wait3A] : memref<10240x16xf32, #tpu.memory_space<vmem_shared>> -> memref<80x16xf32, #tpu.memory_space<vmem_shared>>
      %dma_wait3A_86 = arith.constant 0 : i32
      %dma_wait3A_87 = tpu.memref_slice %arg14[%add3A_20, %dma_wait3A_86] : memref<10240x16xf32, #tpu.memory_space<vmem_shared>> -> memref<80x16xf32, #tpu.memory_space<vmem_shared>>
      tpu.wait_dma2 semaphore(%run_scoped3A : memref<!tpu.dma_semaphore, #tpu.memory_space<semaphore_mem>>) src(%arg12 : memref<80x16xf32, #tpu.memory_space<vmem>>) dst(%dma_wait3A_87 : memref<80x16xf32, #tpu.memory_space<vmem_shared>>)
      tpu.yield
    }) : () -> ()
    %add3A_21 = arith.constant 240 : i32
    %add3A_22 = arith.addi %mul3A_9, %add3A_21 : i32
    "tpu.region"() ({
      %run_scoped3A = tpu.sem_alloc : memref<!tpu.dma_semaphore, #tpu.memory_space<semaphore_mem>>
      %dma_start3A_81 = arith.constant 0 : i32
      %dma_start3A_82 = tpu.memref_slice %arg13[%add3A_22, %dma_start3A_81] : memref<10240x64xf32, #tpu.memory_space<vmem_shared>> -> memref<80x64xf32, #tpu.memory_space<vmem_shared>>
      %dma_start3A_83 = arith.constant 0 : i32
      %dma_start3A_84 = tpu.memref_slice %arg13[%add3A_22, %dma_start3A_83] : memref<10240x64xf32, #tpu.memory_space<vmem_shared>> -> memref<80x64xf32, #tpu.memory_space<vmem_shared>>
      tpu.enqueue_dma source(%arg9 : memref<80x64xf32, #tpu.memory_space<vmem>>) target(%dma_start3A_84 : memref<80x64xf32, #tpu.memory_space<vmem_shared>>) target_semaphore(%run_scoped3A : memref<!tpu.dma_semaphore, #tpu.memory_space<semaphore_mem>>)
      %dma_wait3A = arith.constant 0 : i32
      %dma_wait3A_85 = tpu.memref_slice %arg13[%add3A_22, %dma_wait3A] : memref<10240x64xf32, #tpu.memory_space<vmem_shared>> -> memref<80x64xf32, #tpu.memory_space<vmem_shared>>
      %dma_wait3A_86 = arith.constant 0 : i32
      %dma_wait3A_87 = tpu.memref_slice %arg13[%add3A_22, %dma_wait3A_86] : memref<10240x64xf32, #tpu.memory_space<vmem_shared>> -> memref<80x64xf32, #tpu.memory_space<vmem_shared>>
      tpu.wait_dma2 semaphore(%run_scoped3A : memref<!tpu.dma_semaphore, #tpu.memory_space<semaphore_mem>>) src(%arg9 : memref<80x64xf32, #tpu.memory_space<vmem>>) dst(%dma_wait3A_87 : memref<80x64xf32, #tpu.memory_space<vmem_shared>>)
      tpu.yield
    }) : () -> ()
    %add3A_23 = arith.constant 240 : i32
    %add3A_24 = arith.addi %mul3A_9, %add3A_23 : i32
    "tpu.region"() ({
      %run_scoped3A = tpu.sem_alloc : memref<!tpu.dma_semaphore, #tpu.memory_space<semaphore_mem>>
      %dma_start3A_81 = arith.constant 0 : i32
      %dma_start3A_82 = tpu.memref_slice %arg14[%add3A_24, %dma_start3A_81] : memref<10240x16xf32, #tpu.memory_space<vmem_shared>> -> memref<80x16xf32, #tpu.memory_space<vmem_shared>>
      %dma_start3A_83 = arith.constant 0 : i32
      %dma_start3A_84 = tpu.memref_slice %arg14[%add3A_24, %dma_start3A_83] : memref<10240x16xf32, #tpu.memory_space<vmem_shared>> -> memref<80x16xf32, #tpu.memory_space<vmem_shared>>
      tpu.enqueue_dma source(%arg12 : memref<80x16xf32, #tpu.memory_space<vmem>>) target(%dma_start3A_84 : memref<80x16xf32, #tpu.memory_space<vmem_shared>>) target_semaphore(%run_scoped3A : memref<!tpu.dma_semaphore, #tpu.memory_space<semaphore_mem>>)
      %dma_wait3A = arith.constant 0 : i32
      %dma_wait3A_85 = tpu.memref_slice %arg14[%add3A_24, %dma_wait3A] : memref<10240x16xf32, #tpu.memory_space<vmem_shared>> -> memref<80x16xf32, #tpu.memory_space<vmem_shared>>
      %dma_wait3A_86 = arith.constant 0 : i32
      %dma_wait3A_87 = tpu.memref_slice %arg14[%add3A_24, %dma_wait3A_86] : memref<10240x16xf32, #tpu.memory_space<vmem_shared>> -> memref<80x16xf32, #tpu.memory_space<vmem_shared>>
      tpu.wait_dma2 semaphore(%run_scoped3A : memref<!tpu.dma_semaphore, #tpu.memory_space<semaphore_mem>>) src(%arg12 : memref<80x16xf32, #tpu.memory_space<vmem>>) dst(%dma_wait3A_87 : memref<80x16xf32, #tpu.memory_space<vmem_shared>>)
      tpu.yield
    }) : () -> ()
    %add3A_25 = arith.constant 320 : i32
    %add3A_26 = arith.addi %mul3A_9, %add3A_25 : i32
    "tpu.region"() ({
      %run_scoped3A = tpu.sem_alloc : memref<!tpu.dma_semaphore, #tpu.memory_space<semaphore_mem>>
      %dma_start3A_81 = arith.constant 0 : i32
      %dma_start3A_82 = tpu.memref_slice %arg13[%add3A_26, %dma_start3A_81] : memref<10240x64xf32, #tpu.memory_space<vmem_shared>> -> memref<80x64xf32, #tpu.memory_space<vmem_shared>>
      %dma_start3A_83 = arith.constant 0 : i32
      %dma_start3A_84 = tpu.memref_slice %arg13[%add3A_26, %dma_start3A_83] : memref<10240x64xf32, #tpu.memory_space<vmem_shared>> -> memref<80x64xf32, #tpu.memory_space<vmem_shared>>
      tpu.enqueue_dma source(%arg9 : memref<80x64xf32, #tpu.memory_space<vmem>>) target(%dma_start3A_84 : memref<80x64xf32, #tpu.memory_space<vmem_shared>>) target_semaphore(%run_scoped3A : memref<!tpu.dma_semaphore, #tpu.memory_space<semaphore_mem>>)
      %dma_wait3A = arith.constant 0 : i32
      %dma_wait3A_85 = tpu.memref_slice %arg13[%add3A_26, %dma_wait3A] : memref<10240x64xf32, #tpu.memory_space<vmem_shared>> -> memref<80x64xf32, #tpu.memory_space<vmem_shared>>
      %dma_wait3A_86 = arith.constant 0 : i32
      %dma_wait3A_87 = tpu.memref_slice %arg13[%add3A_26, %dma_wait3A_86] : memref<10240x64xf32, #tpu.memory_space<vmem_shared>> -> memref<80x64xf32, #tpu.memory_space<vmem_shared>>
      tpu.wait_dma2 semaphore(%run_scoped3A : memref<!tpu.dma_semaphore, #tpu.memory_space<semaphore_mem>>) src(%arg9 : memref<80x64xf32, #tpu.memory_space<vmem>>) dst(%dma_wait3A_87 : memref<80x64xf32, #tpu.memory_space<vmem_shared>>)
      tpu.yield
    }) : () -> ()
    %add3A_27 = arith.constant 320 : i32
    %add3A_28 = arith.addi %mul3A_9, %add3A_27 : i32
    "tpu.region"() ({
      %run_scoped3A = tpu.sem_alloc : memref<!tpu.dma_semaphore, #tpu.memory_space<semaphore_mem>>
      %dma_start3A_81 = arith.constant 0 : i32
      %dma_start3A_82 = tpu.memref_slice %arg14[%add3A_28, %dma_start3A_81] : memref<10240x16xf32, #tpu.memory_space<vmem_shared>> -> memref<80x16xf32, #tpu.memory_space<vmem_shared>>
      %dma_start3A_83 = arith.constant 0 : i32
      %dma_start3A_84 = tpu.memref_slice %arg14[%add3A_28, %dma_start3A_83] : memref<10240x16xf32, #tpu.memory_space<vmem_shared>> -> memref<80x16xf32, #tpu.memory_space<vmem_shared>>
      tpu.enqueue_dma source(%arg12 : memref<80x16xf32, #tpu.memory_space<vmem>>) target(%dma_start3A_84 : memref<80x16xf32, #tpu.memory_space<vmem_shared>>) target_semaphore(%run_scoped3A : memref<!tpu.dma_semaphore, #tpu.memory_space<semaphore_mem>>)
      %dma_wait3A = arith.constant 0 : i32
      %dma_wait3A_85 = tpu.memref_slice %arg14[%add3A_28, %dma_wait3A] : memref<10240x16xf32, #tpu.memory_space<vmem_shared>> -> memref<80x16xf32, #tpu.memory_space<vmem_shared>>
      %dma_wait3A_86 = arith.constant 0 : i32
      %dma_wait3A_87 = tpu.memref_slice %arg14[%add3A_28, %dma_wait3A_86] : memref<10240x16xf32, #tpu.memory_space<vmem_shared>> -> memref<80x16xf32, #tpu.memory_space<vmem_shared>>
      tpu.wait_dma2 semaphore(%run_scoped3A : memref<!tpu.dma_semaphore, #tpu.memory_space<semaphore_mem>>) src(%arg12 : memref<80x16xf32, #tpu.memory_space<vmem>>) dst(%dma_wait3A_87 : memref<80x16xf32, #tpu.memory_space<vmem_shared>>)
      tpu.yield
    }) : () -> ()
    %add3A_29 = arith.constant 400 : i32
    %add3A_30 = arith.addi %mul3A_9, %add3A_29 : i32
    "tpu.region"() ({
      %run_scoped3A = tpu.sem_alloc : memref<!tpu.dma_semaphore, #tpu.memory_space<semaphore_mem>>
      %dma_start3A_81 = arith.constant 0 : i32
      %dma_start3A_82 = tpu.memref_slice %arg13[%add3A_30, %dma_start3A_81] : memref<10240x64xf32, #tpu.memory_space<vmem_shared>> -> memref<80x64xf32, #tpu.memory_space<vmem_shared>>
      %dma_start3A_83 = arith.constant 0 : i32
      %dma_start3A_84 = tpu.memref_slice %arg13[%add3A_30, %dma_start3A_83] : memref<10240x64xf32, #tpu.memory_space<vmem_shared>> -> memref<80x64xf32, #tpu.memory_space<vmem_shared>>
      tpu.enqueue_dma source(%arg9 : memref<80x64xf32, #tpu.memory_space<vmem>>) target(%dma_start3A_84 : memref<80x64xf32, #tpu.memory_space<vmem_shared>>) target_semaphore(%run_scoped3A : memref<!tpu.dma_semaphore, #tpu.memory_space<semaphore_mem>>)
      %dma_wait3A = arith.constant 0 : i32
      %dma_wait3A_85 = tpu.memref_slice %arg13[%add3A_30, %dma_wait3A] : memref<10240x64xf32, #tpu.memory_space<vmem_shared>> -> memref<80x64xf32, #tpu.memory_space<vmem_shared>>
      %dma_wait3A_86 = arith.constant 0 : i32
      %dma_wait3A_87 = tpu.memref_slice %arg13[%add3A_30, %dma_wait3A_86] : memref<10240x64xf32, #tpu.memory_space<vmem_shared>> -> memref<80x64xf32, #tpu.memory_space<vmem_shared>>
      tpu.wait_dma2 semaphore(%run_scoped3A : memref<!tpu.dma_semaphore, #tpu.memory_space<semaphore_mem>>) src(%arg9 : memref<80x64xf32, #tpu.memory_space<vmem>>) dst(%dma_wait3A_87 : memref<80x64xf32, #tpu.memory_space<vmem_shared>>)
      tpu.yield
    }) : () -> ()
    %add3A_31 = arith.constant 400 : i32
    %add3A_32 = arith.addi %mul3A_9, %add3A_31 : i32
    "tpu.region"() ({
      %run_scoped3A = tpu.sem_alloc : memref<!tpu.dma_semaphore, #tpu.memory_space<semaphore_mem>>
      %dma_start3A_81 = arith.constant 0 : i32
      %dma_start3A_82 = tpu.memref_slice %arg14[%add3A_32, %dma_start3A_81] : memref<10240x16xf32, #tpu.memory_space<vmem_shared>> -> memref<80x16xf32, #tpu.memory_space<vmem_shared>>
      %dma_start3A_83 = arith.constant 0 : i32
      %dma_start3A_84 = tpu.memref_slice %arg14[%add3A_32, %dma_start3A_83] : memref<10240x16xf32, #tpu.memory_space<vmem_shared>> -> memref<80x16xf32, #tpu.memory_space<vmem_shared>>
      tpu.enqueue_dma source(%arg12 : memref<80x16xf32, #tpu.memory_space<vmem>>) target(%dma_start3A_84 : memref<80x16xf32, #tpu.memory_space<vmem_shared>>) target_semaphore(%run_scoped3A : memref<!tpu.dma_semaphore, #tpu.memory_space<semaphore_mem>>)
      %dma_wait3A = arith.constant 0 : i32
      %dma_wait3A_85 = tpu.memref_slice %arg14[%add3A_32, %dma_wait3A] : memref<10240x16xf32, #tpu.memory_space<vmem_shared>> -> memref<80x16xf32, #tpu.memory_space<vmem_shared>>
      %dma_wait3A_86 = arith.constant 0 : i32
      %dma_wait3A_87 = tpu.memref_slice %arg14[%add3A_32, %dma_wait3A_86] : memref<10240x16xf32, #tpu.memory_space<vmem_shared>> -> memref<80x16xf32, #tpu.memory_space<vmem_shared>>
      tpu.wait_dma2 semaphore(%run_scoped3A : memref<!tpu.dma_semaphore, #tpu.memory_space<semaphore_mem>>) src(%arg12 : memref<80x16xf32, #tpu.memory_space<vmem>>) dst(%dma_wait3A_87 : memref<80x16xf32, #tpu.memory_space<vmem_shared>>)
      tpu.yield
    }) : () -> ()
    %add3A_33 = arith.constant 480 : i32
    %add3A_34 = arith.addi %mul3A_9, %add3A_33 : i32
    "tpu.region"() ({
      %run_scoped3A = tpu.sem_alloc : memref<!tpu.dma_semaphore, #tpu.memory_space<semaphore_mem>>
      %dma_start3A_81 = arith.constant 0 : i32
      %dma_start3A_82 = tpu.memref_slice %arg13[%add3A_34, %dma_start3A_81] : memref<10240x64xf32, #tpu.memory_space<vmem_shared>> -> memref<80x64xf32, #tpu.memory_space<vmem_shared>>
      %dma_start3A_83 = arith.constant 0 : i32
      %dma_start3A_84 = tpu.memref_slice %arg13[%add3A_34, %dma_start3A_83] : memref<10240x64xf32, #tpu.memory_space<vmem_shared>> -> memref<80x64xf32, #tpu.memory_space<vmem_shared>>
      tpu.enqueue_dma source(%arg9 : memref<80x64xf32, #tpu.memory_space<vmem>>) target(%dma_start3A_84 : memref<80x64xf32, #tpu.memory_space<vmem_shared>>) target_semaphore(%run_scoped3A : memref<!tpu.dma_semaphore, #tpu.memory_space<semaphore_mem>>)
      %dma_wait3A = arith.constant 0 : i32
      %dma_wait3A_85 = tpu.memref_slice %arg13[%add3A_34, %dma_wait3A] : memref<10240x64xf32, #tpu.memory_space<vmem_shared>> -> memref<80x64xf32, #tpu.memory_space<vmem_shared>>
      %dma_wait3A_86 = arith.constant 0 : i32
      %dma_wait3A_87 = tpu.memref_slice %arg13[%add3A_34, %dma_wait3A_86] : memref<10240x64xf32, #tpu.memory_space<vmem_shared>> -> memref<80x64xf32, #tpu.memory_space<vmem_shared>>
      tpu.wait_dma2 semaphore(%run_scoped3A : memref<!tpu.dma_semaphore, #tpu.memory_space<semaphore_mem>>) src(%arg9 : memref<80x64xf32, #tpu.memory_space<vmem>>) dst(%dma_wait3A_87 : memref<80x64xf32, #tpu.memory_space<vmem_shared>>)
      tpu.yield
    }) : () -> ()
    %add3A_35 = arith.constant 480 : i32
    %add3A_36 = arith.addi %mul3A_9, %add3A_35 : i32
    "tpu.region"() ({
      %run_scoped3A = tpu.sem_alloc : memref<!tpu.dma_semaphore, #tpu.memory_space<semaphore_mem>>
      %dma_start3A_81 = arith.constant 0 : i32
      %dma_start3A_82 = tpu.memref_slice %arg14[%add3A_36, %dma_start3A_81] : memref<10240x16xf32, #tpu.memory_space<vmem_shared>> -> memref<80x16xf32, #tpu.memory_space<vmem_shared>>
      %dma_start3A_83 = arith.constant 0 : i32
      %dma_start3A_84 = tpu.memref_slice %arg14[%add3A_36, %dma_start3A_83] : memref<10240x16xf32, #tpu.memory_space<vmem_shared>> -> memref<80x16xf32, #tpu.memory_space<vmem_shared>>
      tpu.enqueue_dma source(%arg12 : memref<80x16xf32, #tpu.memory_space<vmem>>) target(%dma_start3A_84 : memref<80x16xf32, #tpu.memory_space<vmem_shared>>) target_semaphore(%run_scoped3A : memref<!tpu.dma_semaphore, #tpu.memory_space<semaphore_mem>>)
      %dma_wait3A = arith.constant 0 : i32
      %dma_wait3A_85 = tpu.memref_slice %arg14[%add3A_36, %dma_wait3A] : memref<10240x16xf32, #tpu.memory_space<vmem_shared>> -> memref<80x16xf32, #tpu.memory_space<vmem_shared>>
      %dma_wait3A_86 = arith.constant 0 : i32
      %dma_wait3A_87 = tpu.memref_slice %arg14[%add3A_36, %dma_wait3A_86] : memref<10240x16xf32, #tpu.memory_space<vmem_shared>> -> memref<80x16xf32, #tpu.memory_space<vmem_shared>>
      tpu.wait_dma2 semaphore(%run_scoped3A : memref<!tpu.dma_semaphore, #tpu.memory_space<semaphore_mem>>) src(%arg12 : memref<80x16xf32, #tpu.memory_space<vmem>>) dst(%dma_wait3A_87 : memref<80x16xf32, #tpu.memory_space<vmem_shared>>)
      tpu.yield
    }) : () -> ()
    %add3A_37 = arith.constant 560 : i32
    %add3A_38 = arith.addi %mul3A_9, %add3A_37 : i32
    "tpu.region"() ({
      %run_scoped3A = tpu.sem_alloc : memref<!tpu.dma_semaphore, #tpu.memory_space<semaphore_mem>>
      %dma_start3A_81 = arith.constant 0 : i32
      %dma_start3A_82 = tpu.memref_slice %arg13[%add3A_38, %dma_start3A_81] : memref<10240x64xf32, #tpu.memory_space<vmem_shared>> -> memref<80x64xf32, #tpu.memory_space<vmem_shared>>
      %dma_start3A_83 = arith.constant 0 : i32
      %dma_start3A_84 = tpu.memref_slice %arg13[%add3A_38, %dma_start3A_83] : memref<10240x64xf32, #tpu.memory_space<vmem_shared>> -> memref<80x64xf32, #tpu.memory_space<vmem_shared>>
      tpu.enqueue_dma source(%arg9 : memref<80x64xf32, #tpu.memory_space<vmem>>) target(%dma_start3A_84 : memref<80x64xf32, #tpu.memory_space<vmem_shared>>) target_semaphore(%run_scoped3A : memref<!tpu.dma_semaphore, #tpu.memory_space<semaphore_mem>>)
      %dma_wait3A = arith.constant 0 : i32
      %dma_wait3A_85 = tpu.memref_slice %arg13[%add3A_38, %dma_wait3A] : memref<10240x64xf32, #tpu.memory_space<vmem_shared>> -> memref<80x64xf32, #tpu.memory_space<vmem_shared>>
      %dma_wait3A_86 = arith.constant 0 : i32
      %dma_wait3A_87 = tpu.memref_slice %arg13[%add3A_38, %dma_wait3A_86] : memref<10240x64xf32, #tpu.memory_space<vmem_shared>> -> memref<80x64xf32, #tpu.memory_space<vmem_shared>>
      tpu.wait_dma2 semaphore(%run_scoped3A : memref<!tpu.dma_semaphore, #tpu.memory_space<semaphore_mem>>) src(%arg9 : memref<80x64xf32, #tpu.memory_space<vmem>>) dst(%dma_wait3A_87 : memref<80x64xf32, #tpu.memory_space<vmem_shared>>)
      tpu.yield
    }) : () -> ()
    %add3A_39 = arith.constant 560 : i32
    %add3A_40 = arith.addi %mul3A_9, %add3A_39 : i32
    "tpu.region"() ({
      %run_scoped3A = tpu.sem_alloc : memref<!tpu.dma_semaphore, #tpu.memory_space<semaphore_mem>>
      %dma_start3A_81 = arith.constant 0 : i32
      %dma_start3A_82 = tpu.memref_slice %arg14[%add3A_40, %dma_start3A_81] : memref<10240x16xf32, #tpu.memory_space<vmem_shared>> -> memref<80x16xf32, #tpu.memory_space<vmem_shared>>
      %dma_start3A_83 = arith.constant 0 : i32
      %dma_start3A_84 = tpu.memref_slice %arg14[%add3A_40, %dma_start3A_83] : memref<10240x16xf32, #tpu.memory_space<vmem_shared>> -> memref<80x16xf32, #tpu.memory_space<vmem_shared>>
      tpu.enqueue_dma source(%arg12 : memref<80x16xf32, #tpu.memory_space<vmem>>) target(%dma_start3A_84 : memref<80x16xf32, #tpu.memory_space<vmem_shared>>) target_semaphore(%run_scoped3A : memref<!tpu.dma_semaphore, #tpu.memory_space<semaphore_mem>>)
      %dma_wait3A = arith.constant 0 : i32
      %dma_wait3A_85 = tpu.memref_slice %arg14[%add3A_40, %dma_wait3A] : memref<10240x16xf32, #tpu.memory_space<vmem_shared>> -> memref<80x16xf32, #tpu.memory_space<vmem_shared>>
      %dma_wait3A_86 = arith.constant 0 : i32
      %dma_wait3A_87 = tpu.memref_slice %arg14[%add3A_40, %dma_wait3A_86] : memref<10240x16xf32, #tpu.memory_space<vmem_shared>> -> memref<80x16xf32, #tpu.memory_space<vmem_shared>>
      tpu.wait_dma2 semaphore(%run_scoped3A : memref<!tpu.dma_semaphore, #tpu.memory_space<semaphore_mem>>) src(%arg12 : memref<80x16xf32, #tpu.memory_space<vmem>>) dst(%dma_wait3A_87 : memref<80x16xf32, #tpu.memory_space<vmem_shared>>)
      tpu.yield
    }) : () -> ()
    %barrier3A = arith.constant 0 : index
    tpu.barrier barrier_id(%barrier3A)
    "tpu.region"() ({
      %run_scoped3A = tpu.sem_alloc : memref<!tpu.dma_semaphore, #tpu.memory_space<semaphore_mem>>
      %dma_start3A_81 = arith.constant 0 : i32
      %dma_start3A_82 = arith.constant 0 : i32
      %dma_start3A_83 = tpu.memref_slice %arg3[%arg1, %dma_start3A_81, %dma_start3A_82] : memref<16x250x80xi32, #tpu.memory_space<hbm>> -> memref<1x250x80xi32, #tpu.memory_space<hbm>>
      %dma_start3A_84 = tpu.memref_squeeze %dma_start3A_83 : memref<1x250x80xi32, #tpu.memory_space<hbm>> -> memref<250x80xi32, #tpu.memory_space<hbm>>
      %dma_start3A_85 = arith.constant 0 : i32
      %dma_start3A_86 = arith.constant 0 : i32
      %dma_start3A_87 = tpu.memref_slice %arg3[%arg1, %dma_start3A_85, %dma_start3A_86] : memref<16x250x80xi32, #tpu.memory_space<hbm>> -> memref<1x250x80xi32, #tpu.memory_space<hbm>>
      %dma_start3A_88 = tpu.memref_squeeze %dma_start3A_87 : memref<1x250x80xi32, #tpu.memory_space<hbm>> -> memref<250x80xi32, #tpu.memory_space<hbm>>
      tpu.enqueue_dma source(%dma_start3A_88 : memref<250x80xi32, #tpu.memory_space<hbm>>) target(%arg7 : memref<250x80xi32, #tpu.memory_space<vmem>>) target_semaphore(%run_scoped3A : memref<!tpu.dma_semaphore, #tpu.memory_space<semaphore_mem>>)
      %dma_wait3A = arith.constant 0 : i32
      %dma_wait3A_89 = arith.constant 0 : i32
      %dma_wait3A_90 = tpu.memref_slice %arg3[%arg1, %dma_wait3A, %dma_wait3A_89] : memref<16x250x80xi32, #tpu.memory_space<hbm>> -> memref<1x250x80xi32, #tpu.memory_space<hbm>>
      %dma_wait3A_91 = tpu.memref_squeeze %dma_wait3A_90 : memref<1x250x80xi32, #tpu.memory_space<hbm>> -> memref<250x80xi32, #tpu.memory_space<hbm>>
      %dma_wait3A_92 = arith.constant 0 : i32
      %dma_wait3A_93 = arith.constant 0 : i32
      %dma_wait3A_94 = tpu.memref_slice %arg3[%arg1, %dma_wait3A_92, %dma_wait3A_93] : memref<16x250x80xi32, #tpu.memory_space<hbm>> -> memref<1x250x80xi32, #tpu.memory_space<hbm>>
      %dma_wait3A_95 = tpu.memref_squeeze %dma_wait3A_94 : memref<1x250x80xi32, #tpu.memory_space<hbm>> -> memref<250x80xi32, #tpu.memory_space<hbm>>
      tpu.wait_dma2 semaphore(%run_scoped3A : memref<!tpu.dma_semaphore, #tpu.memory_space<semaphore_mem>>) src(%dma_wait3A_95 : memref<250x80xi32, #tpu.memory_space<hbm>>) dst(%arg7 : memref<250x80xi32, #tpu.memory_space<vmem>>)
      tpu.yield
    }) : () -> ()
    "tpu.region"() ({
      %run_scoped3A = tpu.sem_alloc : memref<!tpu.dma_semaphore, #tpu.memory_space<semaphore_mem>>
      %dma_start3A_81 = arith.constant 0 : i32
      %dma_start3A_82 = arith.constant 0 : i32
      %dma_start3A_83 = tpu.memref_slice %arg4[%arg1, %dma_start3A_81, %dma_start3A_82] : memref<16x250x80xi32, #tpu.memory_space<hbm>> -> memref<1x250x80xi32, #tpu.memory_space<hbm>>
      %dma_start3A_84 = tpu.memref_squeeze %dma_start3A_83 : memref<1x250x80xi32, #tpu.memory_space<hbm>> -> memref<250x80xi32, #tpu.memory_space<hbm>>
      %dma_start3A_85 = arith.constant 0 : i32
      %dma_start3A_86 = arith.constant 0 : i32
      %dma_start3A_87 = tpu.memref_slice %arg4[%arg1, %dma_start3A_85, %dma_start3A_86] : memref<16x250x80xi32, #tpu.memory_space<hbm>> -> memref<1x250x80xi32, #tpu.memory_space<hbm>>
      %dma_start3A_88 = tpu.memref_squeeze %dma_start3A_87 : memref<1x250x80xi32, #tpu.memory_space<hbm>> -> memref<250x80xi32, #tpu.memory_space<hbm>>
      tpu.enqueue_dma source(%dma_start3A_88 : memref<250x80xi32, #tpu.memory_space<hbm>>) target(%arg8 : memref<250x80xi32, #tpu.memory_space<vmem>>) target_semaphore(%run_scoped3A : memref<!tpu.dma_semaphore, #tpu.memory_space<semaphore_mem>>)
      %dma_wait3A = arith.constant 0 : i32
      %dma_wait3A_89 = arith.constant 0 : i32
      %dma_wait3A_90 = tpu.memref_slice %arg4[%arg1, %dma_wait3A, %dma_wait3A_89] : memref<16x250x80xi32, #tpu.memory_space<hbm>> -> memref<1x250x80xi32, #tpu.memory_space<hbm>>
      %dma_wait3A_91 = tpu.memref_squeeze %dma_wait3A_90 : memref<1x250x80xi32, #tpu.memory_space<hbm>> -> memref<250x80xi32, #tpu.memory_space<hbm>>
      %dma_wait3A_92 = arith.constant 0 : i32
      %dma_wait3A_93 = arith.constant 0 : i32
      %dma_wait3A_94 = tpu.memref_slice %arg4[%arg1, %dma_wait3A_92, %dma_wait3A_93] : memref<16x250x80xi32, #tpu.memory_space<hbm>> -> memref<1x250x80xi32, #tpu.memory_space<hbm>>
      %dma_wait3A_95 = tpu.memref_squeeze %dma_wait3A_94 : memref<1x250x80xi32, #tpu.memory_space<hbm>> -> memref<250x80xi32, #tpu.memory_space<hbm>>
      tpu.wait_dma2 semaphore(%run_scoped3A : memref<!tpu.dma_semaphore, #tpu.memory_space<semaphore_mem>>) src(%dma_wait3A_95 : memref<250x80xi32, #tpu.memory_space<hbm>>) dst(%arg8 : memref<250x80xi32, #tpu.memory_space<vmem>>)
      tpu.yield
    }) : () -> ()
    %mul3A_41 = arith.constant 10000 : i32
    %mul3A_42 = arith.muli %arg0, %mul3A_41 : i32
    %broadcast_in_dim3A_43 = vector.broadcast %mul3A_42 : i32 to vector<16xi32>
    %scan3A_44 = arith.constant 0 : i32
    %scan3A_45 = arith.constant 0 : i32
    %scan3A_46 = arith.constant 250 : i32
    %scan3A_47 = arith.addi %scan3A_45, %scan3A_46 : i32
    %scan3A_48 = arith.constant 1 : i32
    %scan3A_49 = scf.for %scan3A_81 = %scan3A_45 to %scan3A_47 step %scan3A_48 iter_args(%scan3A_82 = %scan3A_44) -> (i32)  : i32 {
      %get3A = arith.index_cast %scan3A_81 : i32 to index
      %get3A_83 = arith.constant 0 : index
      %get3A_84 = tpu.vector_load %arg7[%get3A, %get3A_83] {strides = array<i32>} : memref<250x80xi32, #tpu.memory_space<vmem>>, vector<1x16xi32>,
      %get3A_85 = vector.shape_cast %get3A_84 : vector<1x16xi32> to vector<16xi32>
      %add3A_86 = arith.addi %get3A_85, %broadcast_in_dim3A_43 : vector<16xi32>
      %swap3A = arith.index_cast %scan3A_81 : i32 to index
      %swap3A_87 = arith.constant 0 : index
      %swap3A_88 = tpu.vector_load %arg7[%swap3A, %swap3A_87] {strides = array<i32>} : memref<250x80xi32, #tpu.memory_space<vmem>>, vector<1x16xi32>,
      %swap3A_89 = vector.shape_cast %swap3A_88 : vector<1x16xi32> to vector<16xi32>
      %swap3A_90 = vector.shape_cast %add3A_86 : vector<16xi32> to vector<1x16xi32>
      tpu.vector_store %arg7[%swap3A, %swap3A_87], %swap3A_90 {strides = array<i32>} : memref<250x80xi32, #tpu.memory_space<vmem>>, vector<1x16xi32>,
      %get3A_91 = arith.index_cast %scan3A_81 : i32 to index
      %get3A_92 = arith.constant 16 : index
      %get3A_93 = tpu.vector_load %arg7[%get3A_91, %get3A_92] {strides = array<i32>} : memref<250x80xi32, #tpu.memory_space<vmem>>, vector<1x16xi32>,
      %get3A_94 = vector.shape_cast %get3A_93 : vector<1x16xi32> to vector<16xi32>
      %add3A_95 = arith.addi %get3A_94, %broadcast_in_dim3A_43 : vector<16xi32>
      %swap3A_96 = arith.index_cast %scan3A_81 : i32 to index
      %swap3A_97 = arith.constant 16 : index
      %swap3A_98 = tpu.vector_load %arg7[%swap3A_96, %swap3A_97] {strides = array<i32>} : memref<250x80xi32, #tpu.memory_space<vmem>>, vector<1x16xi32>,
      %swap3A_99 = vector.shape_cast %swap3A_98 : vector<1x16xi32> to vector<16xi32>
      %swap3A_100 = vector.shape_cast %add3A_95 : vector<16xi32> to vector<1x16xi32>
      tpu.vector_store %arg7[%swap3A_96, %swap3A_97], %swap3A_100 {strides = array<i32>} : memref<250x80xi32, #tpu.memory_space<vmem>>, vector<1x16xi32>,
      %get3A_101 = arith.index_cast %scan3A_81 : i32 to index
      %get3A_102 = arith.constant 32 : index
      %get3A_103 = tpu.vector_load %arg7[%get3A_101, %get3A_102] {strides = array<i32>} : memref<250x80xi32, #tpu.memory_space<vmem>>, vector<1x16xi32>,
      %get3A_104 = vector.shape_cast %get3A_103 : vector<1x16xi32> to vector<16xi32>
      %add3A_105 = arith.addi %get3A_104, %broadcast_in_dim3A_43 : vector<16xi32>
      %swap3A_106 = arith.index_cast %scan3A_81 : i32 to index
      %swap3A_107 = arith.constant 32 : index
      %swap3A_108 = tpu.vector_load %arg7[%swap3A_106, %swap3A_107] {strides = array<i32>} : memref<250x80xi32, #tpu.memory_space<vmem>>, vector<1x16xi32>,
      %swap3A_109 = vector.shape_cast %swap3A_108 : vector<1x16xi32> to vector<16xi32>
      %swap3A_110 = vector.shape_cast %add3A_105 : vector<16xi32> to vector<1x16xi32>
      tpu.vector_store %arg7[%swap3A_106, %swap3A_107], %swap3A_110 {strides = array<i32>} : memref<250x80xi32, #tpu.memory_space<vmem>>, vector<1x16xi32>,
      %get3A_111 = arith.index_cast %scan3A_81 : i32 to index
      %get3A_112 = arith.constant 48 : index
      %get3A_113 = tpu.vector_load %arg7[%get3A_111, %get3A_112] {strides = array<i32>} : memref<250x80xi32, #tpu.memory_space<vmem>>, vector<1x16xi32>,
      %get3A_114 = vector.shape_cast %get3A_113 : vector<1x16xi32> to vector<16xi32>
      %add3A_115 = arith.addi %get3A_114, %broadcast_in_dim3A_43 : vector<16xi32>
      %swap3A_116 = arith.index_cast %scan3A_81 : i32 to index
      %swap3A_117 = arith.constant 48 : index
      %swap3A_118 = tpu.vector_load %arg7[%swap3A_116, %swap3A_117] {strides = array<i32>} : memref<250x80xi32, #tpu.memory_space<vmem>>, vector<1x16xi32>,
      %swap3A_119 = vector.shape_cast %swap3A_118 : vector<1x16xi32> to vector<16xi32>
      %swap3A_120 = vector.shape_cast %add3A_115 : vector<16xi32> to vector<1x16xi32>
      tpu.vector_store %arg7[%swap3A_116, %swap3A_117], %swap3A_120 {strides = array<i32>} : memref<250x80xi32, #tpu.memory_space<vmem>>, vector<1x16xi32>,
      %get3A_121 = arith.index_cast %scan3A_81 : i32 to index
      %get3A_122 = arith.constant 64 : index
      %get3A_123 = tpu.vector_load %arg7[%get3A_121, %get3A_122] {strides = array<i32>} : memref<250x80xi32, #tpu.memory_space<vmem>>, vector<1x16xi32>,
      %get3A_124 = vector.shape_cast %get3A_123 : vector<1x16xi32> to vector<16xi32>
      %add3A_125 = arith.addi %get3A_124, %broadcast_in_dim3A_43 : vector<16xi32>
      %swap3A_126 = arith.index_cast %scan3A_81 : i32 to index
      %swap3A_127 = arith.constant 64 : index
      %swap3A_128 = tpu.vector_load %arg7[%swap3A_126, %swap3A_127] {strides = array<i32>} : memref<250x80xi32, #tpu.memory_space<vmem>>, vector<1x16xi32>,
      %swap3A_129 = vector.shape_cast %swap3A_128 : vector<1x16xi32> to vector<16xi32>
      %swap3A_130 = vector.shape_cast %add3A_125 : vector<16xi32> to vector<1x16xi32>
      tpu.vector_store %arg7[%swap3A_126, %swap3A_127], %swap3A_130 {strides = array<i32>} : memref<250x80xi32, #tpu.memory_space<vmem>>, vector<1x16xi32>,
      %scan3A_131 = arith.constant 0 : i32
      scf.yield %scan3A_131 : i32
    }
    %scan3A_50 = arith.constant 250 : i32
    %dma_start3A = arith.constant 0 : i32
    %dma_start3A_51 = arith.constant 0 : i32
    %dma_start3A_52 = tpu.memref_slice %arg7[%dma_start3A, %dma_start3A_51] : memref<250x80xi32, #tpu.memory_space<vmem>> -> memref<1x80xi32, #tpu.memory_space<vmem>>
    %dma_start3A_53 = tpu.memref_squeeze %dma_start3A_52 : memref<1x80xi32, #tpu.memory_space<vmem>> -> memref<80xi32, #tpu.memory_space<vmem>>
    %dma_start3A_54 = arith.constant 0 : i32
    %dma_start3A_55 = arith.constant 0 : i32
    %dma_start3A_56 = tpu.memref_slice %arg2[%dma_start3A_54, %dma_start3A_55] : memref<20000x64xf32, #tpu.memory_space<hbm>> -> memref<20000x64xf32, #tpu.memory_space<hbm>>
    tpu.enqueue_indirect_dma source(%dma_start3A_56 : memref<20000x64xf32, #tpu.memory_space<hbm>>) target(%arg9 : memref<80x64xf32, #tpu.memory_space<vmem>>) offsets(%dma_start3A_53 : memref<80xi32, #tpu.memory_space<vmem>>) semaphore(%arg15 : memref<!tpu.dma_semaphore, #tpu.memory_space<semaphore_mem>>)
    %scan3A_57 = arith.constant 0 : i32
    %scan3A_58 = arith.constant 0 : i32
    %scan3A_59 = arith.constant 125 : i32
    %scan3A_60 = arith.addi %scan3A_58, %scan3A_59 : i32
    %scan3A_61 = arith.constant 1 : i32
    %scan3A_62 = scf.for %scan3A_81 = %scan3A_58 to %scan3A_60 step %scan3A_61 iter_args(%scan3A_82 = %scan3A_57) -> (i32)  : i32 {
      %mul3A_83 = arith.constant 2 : i32
      %mul3A_84 = arith.muli %mul3A_83, %scan3A_81 : i32
      %dma_wait3A = arith.constant 0 : i32
      %dma_wait3A_85 = tpu.memref_slice %arg7[%mul3A_84, %dma_wait3A] : memref<250x80xi32, #tpu.memory_space<vmem>> -> memref<1x80xi32, #tpu.memory_space<vmem>>
      %dma_wait3A_86 = tpu.memref_squeeze %dma_wait3A_85 : memref<1x80xi32, #tpu.memory_space<vmem>> -> memref<80xi32, #tpu.memory_space<vmem>>
      %dma_wait3A_87 = arith.constant 0 : i32
      %dma_wait3A_88 = arith.constant 0 : i32
      %dma_wait3A_89 = tpu.memref_slice %arg2[%dma_wait3A_87, %dma_wait3A_88] : memref<20000x64xf32, #tpu.memory_space<hbm>> -> memref<20000x64xf32, #tpu.memory_space<hbm>>
      tpu.wait_indirect_dma semaphore(%arg15 : memref<!tpu.dma_semaphore, #tpu.memory_space<semaphore_mem>>) src(%dma_wait3A_89 : memref<20000x64xf32, #tpu.memory_space<hbm>>) dst(%arg9 : memref<80x64xf32, #tpu.memory_space<vmem>>)
      %add3A_90 = arith.constant 1 : i32
      %add3A_91 = arith.addi %mul3A_84, %add3A_90 : i32
      %dma_start3A_92 = arith.constant 0 : i32
      %dma_start3A_93 = tpu.memref_slice %arg7[%add3A_91, %dma_start3A_92] : memref<250x80xi32, #tpu.memory_space<vmem>> -> memref<1x80xi32, #tpu.memory_space<vmem>>
      %dma_start3A_94 = tpu.memref_squeeze %dma_start3A_93 : memref<1x80xi32, #tpu.memory_space<vmem>> -> memref<80xi32, #tpu.memory_space<vmem>>
      %dma_start3A_95 = arith.constant 0 : i32
      %dma_start3A_96 = arith.constant 0 : i32
      %dma_start3A_97 = tpu.memref_slice %arg2[%dma_start3A_95, %dma_start3A_96] : memref<20000x64xf32, #tpu.memory_space<hbm>> -> memref<20000x64xf32, #tpu.memory_space<hbm>>
      tpu.enqueue_indirect_dma source(%dma_start3A_97 : memref<20000x64xf32, #tpu.memory_space<hbm>>) target(%arg10 : memref<80x64xf32, #tpu.memory_space<vmem>>) offsets(%dma_start3A_94 : memref<80xi32, #tpu.memory_space<vmem>>) semaphore(%arg16 : memref<!tpu.dma_semaphore, #tpu.memory_space<semaphore_mem>>)
      "tpu.region"() ({
        %run_scoped3A = tpu.sem_alloc : memref<!tpu.dma_semaphore, #tpu.memory_space<semaphore_mem>>
        %dma_start3A_122 = arith.constant 0 : i32
        %dma_start3A_123 = tpu.memref_slice %arg8[%mul3A_84, %dma_start3A_122] : memref<250x80xi32, #tpu.memory_space<vmem>> -> memref<1x80xi32, #tpu.memory_space<vmem>>
        %dma_start3A_124 = tpu.memref_squeeze %dma_start3A_123 : memref<1x80xi32, #tpu.memory_space<vmem>> -> memref<80xi32, #tpu.memory_space<vmem>>
        %dma_start3A_125 = arith.constant 0 : i32
        %dma_start3A_126 = arith.constant 0 : i32
        %dma_start3A_127 = tpu.memref_slice %arg13[%dma_start3A_125, %dma_start3A_126] : memref<10240x64xf32, #tpu.memory_space<vmem_shared>> -> memref<10240x64xf32, #tpu.memory_space<vmem_shared>>
        tpu.enqueue_indirect_dma source(%arg9 : memref<80x64xf32, #tpu.memory_space<vmem>>) target(%dma_start3A_127 : memref<10240x64xf32, #tpu.memory_space<vmem_shared>>) offsets(%dma_start3A_124 : memref<80xi32, #tpu.memory_space<vmem>>) semaphore(%run_scoped3A : memref<!tpu.dma_semaphore, #tpu.memory_space<semaphore_mem>>) {add = true}
        %dma_wait3A_128 = arith.constant 0 : i32
        %dma_wait3A_129 = tpu.memref_slice %arg8[%mul3A_84, %dma_wait3A_128] : memref<250x80xi32, #tpu.memory_space<vmem>> -> memref<1x80xi32, #tpu.memory_space<vmem>>
        %dma_wait3A_130 = tpu.memref_squeeze %dma_wait3A_129 : memref<1x80xi32, #tpu.memory_space<vmem>> -> memref<80xi32, #tpu.memory_space<vmem>>
        %dma_wait3A_131 = arith.constant 0 : i32
        %dma_wait3A_132 = arith.constant 0 : i32
        %dma_wait3A_133 = tpu.memref_slice %arg13[%dma_wait3A_131, %dma_wait3A_132] : memref<10240x64xf32, #tpu.memory_space<vmem_shared>> -> memref<10240x64xf32, #tpu.memory_space<vmem_shared>>
        tpu.wait_indirect_dma semaphore(%run_scoped3A : memref<!tpu.dma_semaphore, #tpu.memory_space<semaphore_mem>>) src(%arg9 : memref<80x64xf32, #tpu.memory_space<vmem>>) dst(%dma_wait3A_133 : memref<10240x64xf32, #tpu.memory_space<vmem_shared>>)
        tpu.yield
      }) : () -> ()
      %eq3A = arith.constant 0 : i32
      %eq3A_98 = arith.cmpi eq, %arg0, %eq3A : i32
      %convert_element_type3A = arith.extui %eq3A_98 : i1 to i32
      %cond3A = arith.constant 0 : i32
      %cond3A_99 = arith.cmpi ne, %convert_element_type3A, %cond3A : i32
      scf.if %cond3A_99 {
        "tpu.region"() ({
          %run_scoped3A = tpu.sem_alloc : memref<!tpu.dma_semaphore, #tpu.memory_space<semaphore_mem>>
          %dma_start3A_122 = arith.constant 0 : i32
          %dma_start3A_123 = tpu.memref_slice %arg8[%mul3A_84, %dma_start3A_122] : memref<250x80xi32, #tpu.memory_space<vmem>> -> memref<1x80xi32, #tpu.memory_space<vmem>>
          %dma_start3A_124 = tpu.memref_squeeze %dma_start3A_123 : memref<1x80xi32, #tpu.memory_space<vmem>> -> memref<80xi32, #tpu.memory_space<vmem>>
          %dma_start3A_125 = arith.constant 0 : i32
          %dma_start3A_126 = arith.constant 0 : i32
          %dma_start3A_127 = tpu.memref_slice %arg14[%dma_start3A_125, %dma_start3A_126] : memref<10240x16xf32, #tpu.memory_space<vmem_shared>> -> memref<10240x16xf32, #tpu.memory_space<vmem_shared>>
          tpu.enqueue_indirect_dma source(%arg11 : memref<80x16xf32, #tpu.memory_space<vmem>>) target(%dma_start3A_127 : memref<10240x16xf32, #tpu.memory_space<vmem_shared>>) offsets(%dma_start3A_124 : memref<80xi32, #tpu.memory_space<vmem>>) semaphore(%run_scoped3A : memref<!tpu.dma_semaphore, #tpu.memory_space<semaphore_mem>>) {add = true}
          %dma_wait3A_128 = arith.constant 0 : i32
          %dma_wait3A_129 = tpu.memref_slice %arg8[%mul3A_84, %dma_wait3A_128] : memref<250x80xi32, #tpu.memory_space<vmem>> -> memref<1x80xi32, #tpu.memory_space<vmem>>
          %dma_wait3A_130 = tpu.memref_squeeze %dma_wait3A_129 : memref<1x80xi32, #tpu.memory_space<vmem>> -> memref<80xi32, #tpu.memory_space<vmem>>
          %dma_wait3A_131 = arith.constant 0 : i32
          %dma_wait3A_132 = arith.constant 0 : i32
          %dma_wait3A_133 = tpu.memref_slice %arg14[%dma_wait3A_131, %dma_wait3A_132] : memref<10240x16xf32, #tpu.memory_space<vmem_shared>> -> memref<10240x16xf32, #tpu.memory_space<vmem_shared>>
          tpu.wait_indirect_dma semaphore(%run_scoped3A : memref<!tpu.dma_semaphore, #tpu.memory_space<semaphore_mem>>) src(%arg11 : memref<80x16xf32, #tpu.memory_space<vmem>>) dst(%dma_wait3A_133 : memref<10240x16xf32, #tpu.memory_space<vmem_shared>>)
          tpu.yield
        }) : () -> ()
      } else {
      }
      %add3A_100 = arith.constant 1 : i32
      %add3A_101 = arith.addi %mul3A_84, %add3A_100 : i32
      %dma_wait3A_102 = arith.constant 0 : i32
      %dma_wait3A_103 = tpu.memref_slice %arg7[%add3A_101, %dma_wait3A_102] : memref<250x80xi32, #tpu.memory_space<vmem>> -> memref<1x80xi32, #tpu.memory_space<vmem>>
      %dma_wait3A_104 = tpu.memref_squeeze %dma_wait3A_103 : memref<1x80xi32, #tpu.memory_space<vmem>> -> memref<80xi32, #tpu.memory_space<vmem>>
      %dma_wait3A_105 = arith.constant 0 : i32
      %dma_wait3A_106 = arith.constant 0 : i32
      %dma_wait3A_107 = tpu.memref_slice %arg2[%dma_wait3A_105, %dma_wait3A_106] : memref<20000x64xf32, #tpu.memory_space<hbm>> -> memref<20000x64xf32, #tpu.memory_space<hbm>>
      tpu.wait_indirect_dma semaphore(%arg16 : memref<!tpu.dma_semaphore, #tpu.memory_space<semaphore_mem>>) src(%dma_wait3A_107 : memref<20000x64xf32, #tpu.memory_space<hbm>>) dst(%arg10 : memref<80x64xf32, #tpu.memory_space<vmem>>)
      %add3A_108 = arith.constant 2 : i32
      %add3A_109 = arith.addi %mul3A_84, %add3A_108 : i32
      %lt3A = arith.constant 250 : i32
      %lt3A_110 = arith.cmpi slt, %add3A_109, %lt3A : i32
      %convert_element_type3A_111 = arith.extui %lt3A_110 : i1 to i32
      %cond3A_112 = arith.constant 0 : i32
      %cond3A_113 = arith.cmpi ne, %convert_element_type3A_111, %cond3A_112 : i32
      scf.if %cond3A_113 {
        %add3A_122 = arith.constant 2 : i32
        %add3A_123 = arith.addi %mul3A_84, %add3A_122 : i32
        %dma_start3A_124 = arith.constant 0 : i32
        %dma_start3A_125 = tpu.memref_slice %arg7[%add3A_123, %dma_start3A_124] : memref<250x80xi32, #tpu.memory_space<vmem>> -> memref<1x80xi32, #tpu.memory_space<vmem>>
        %dma_start3A_126 = tpu.memref_squeeze %dma_start3A_125 : memref<1x80xi32, #tpu.memory_space<vmem>> -> memref<80xi32, #tpu.memory_space<vmem>>
        %dma_start3A_127 = arith.constant 0 : i32
        %dma_start3A_128 = arith.constant 0 : i32
        %dma_start3A_129 = tpu.memref_slice %arg2[%dma_start3A_127, %dma_start3A_128] : memref<20000x64xf32, #tpu.memory_space<hbm>> -> memref<20000x64xf32, #tpu.memory_space<hbm>>
        tpu.enqueue_indirect_dma source(%dma_start3A_129 : memref<20000x64xf32, #tpu.memory_space<hbm>>) target(%arg9 : memref<80x64xf32, #tpu.memory_space<vmem>>) offsets(%dma_start3A_126 : memref<80xi32, #tpu.memory_space<vmem>>) semaphore(%arg15 : memref<!tpu.dma_semaphore, #tpu.memory_space<semaphore_mem>>)
      } else {
      }
      %add3A_114 = arith.constant 1 : i32
      %add3A_115 = arith.addi %mul3A_84, %add3A_114 : i32
      "tpu.region"() ({
        %run_scoped3A = tpu.sem_alloc : memref<!tpu.dma_semaphore, #tpu.memory_space<semaphore_mem>>
        %dma_start3A_122 = arith.constant 0 : i32
        %dma_start3A_123 = tpu.memref_slice %arg8[%add3A_115, %dma_start3A_122] : memref<250x80xi32, #tpu.memory_space<vmem>> -> memref<1x80xi32, #tpu.memory_space<vmem>>
        %dma_start3A_124 = tpu.memref_squeeze %dma_start3A_123 : memref<1x80xi32, #tpu.memory_space<vmem>> -> memref<80xi32, #tpu.memory_space<vmem>>
        %dma_start3A_125 = arith.constant 0 : i32
        %dma_start3A_126 = arith.constant 0 : i32
        %dma_start3A_127 = tpu.memref_slice %arg13[%dma_start3A_125, %dma_start3A_126] : memref<10240x64xf32, #tpu.memory_space<vmem_shared>> -> memref<10240x64xf32, #tpu.memory_space<vmem_shared>>
        tpu.enqueue_indirect_dma source(%arg10 : memref<80x64xf32, #tpu.memory_space<vmem>>) target(%dma_start3A_127 : memref<10240x64xf32, #tpu.memory_space<vmem_shared>>) offsets(%dma_start3A_124 : memref<80xi32, #tpu.memory_space<vmem>>) semaphore(%run_scoped3A : memref<!tpu.dma_semaphore, #tpu.memory_space<semaphore_mem>>) {add = true}
        %dma_wait3A_128 = arith.constant 0 : i32
        %dma_wait3A_129 = tpu.memref_slice %arg8[%add3A_115, %dma_wait3A_128] : memref<250x80xi32, #tpu.memory_space<vmem>> -> memref<1x80xi32, #tpu.memory_space<vmem>>
        %dma_wait3A_130 = tpu.memref_squeeze %dma_wait3A_129 : memref<1x80xi32, #tpu.memory_space<vmem>> -> memref<80xi32, #tpu.memory_space<vmem>>
        %dma_wait3A_131 = arith.constant 0 : i32
        %dma_wait3A_132 = arith.constant 0 : i32
        %dma_wait3A_133 = tpu.memref_slice %arg13[%dma_wait3A_131, %dma_wait3A_132] : memref<10240x64xf32, #tpu.memory_space<vmem_shared>> -> memref<10240x64xf32, #tpu.memory_space<vmem_shared>>
        tpu.wait_indirect_dma semaphore(%run_scoped3A : memref<!tpu.dma_semaphore, #tpu.memory_space<semaphore_mem>>) src(%arg10 : memref<80x64xf32, #tpu.memory_space<vmem>>) dst(%dma_wait3A_133 : memref<10240x64xf32, #tpu.memory_space<vmem_shared>>)
        tpu.yield
      }) : () -> ()
      %eq3A_116 = arith.constant 1 : i32
      %eq3A_117 = arith.cmpi eq, %arg0, %eq3A_116 : i32
      %convert_element_type3A_118 = arith.extui %eq3A_117 : i1 to i32
      %cond3A_119 = arith.constant 0 : i32
      %cond3A_120 = arith.cmpi ne, %convert_element_type3A_118, %cond3A_119 : i32
      scf.if %cond3A_120 {
        %add3A_122 = arith.constant 1 : i32
        %add3A_123 = arith.addi %mul3A_84, %add3A_122 : i32
        "tpu.region"() ({
          %run_scoped3A = tpu.sem_alloc : memref<!tpu.dma_semaphore, #tpu.memory_space<semaphore_mem>>
          %dma_start3A_124 = arith.constant 0 : i32
          %dma_start3A_125 = tpu.memref_slice %arg8[%add3A_123, %dma_start3A_124] : memref<250x80xi32, #tpu.memory_space<vmem>> -> memref<1x80xi32, #tpu.memory_space<vmem>>
          %dma_start3A_126 = tpu.memref_squeeze %dma_start3A_125 : memref<1x80xi32, #tpu.memory_space<vmem>> -> memref<80xi32, #tpu.memory_space<vmem>>
          %dma_start3A_127 = arith.constant 0 : i32
          %dma_start3A_128 = arith.constant 0 : i32
          %dma_start3A_129 = tpu.memref_slice %arg14[%dma_start3A_127, %dma_start3A_128] : memref<10240x16xf32, #tpu.memory_space<vmem_shared>> -> memref<10240x16xf32, #tpu.memory_space<vmem_shared>>
          tpu.enqueue_indirect_dma source(%arg11 : memref<80x16xf32, #tpu.memory_space<vmem>>) target(%dma_start3A_129 : memref<10240x16xf32, #tpu.memory_space<vmem_shared>>) offsets(%dma_start3A_126 : memref<80xi32, #tpu.memory_space<vmem>>) semaphore(%run_scoped3A : memref<!tpu.dma_semaphore, #tpu.memory_space<semaphore_mem>>) {add = true}
          %dma_wait3A_130 = arith.constant 0 : i32
          %dma_wait3A_131 = tpu.memref_slice %arg8[%add3A_123, %dma_wait3A_130] : memref<250x80xi32, #tpu.memory_space<vmem>> -> memref<1x80xi32, #tpu.memory_space<vmem>>
          %dma_wait3A_132 = tpu.memref_squeeze %dma_wait3A_131 : memref<1x80xi32, #tpu.memory_space<vmem>> -> memref<80xi32, #tpu.memory_space<vmem>>
          %dma_wait3A_133 = arith.constant 0 : i32
          %dma_wait3A_134 = arith.constant 0 : i32
          %dma_wait3A_135 = tpu.memref_slice %arg14[%dma_wait3A_133, %dma_wait3A_134] : memref<10240x16xf32, #tpu.memory_space<vmem_shared>> -> memref<10240x16xf32, #tpu.memory_space<vmem_shared>>
          tpu.wait_indirect_dma semaphore(%run_scoped3A : memref<!tpu.dma_semaphore, #tpu.memory_space<semaphore_mem>>) src(%arg11 : memref<80x16xf32, #tpu.memory_space<vmem>>) dst(%dma_wait3A_135 : memref<10240x16xf32, #tpu.memory_space<vmem_shared>>)
          tpu.yield
        }) : () -> ()
      } else {
      }
      %scan3A_121 = arith.constant 0 : i32
      scf.yield %scan3A_121 : i32
    }
    %scan3A_63 = arith.constant 125 : i32
    %barrier3A_64 = arith.constant 0 : index
    tpu.barrier barrier_id(%barrier3A_64)
    %add3A_65 = arith.constant 0 : i32
    %add3A_66 = arith.addi %mul3A_9, %add3A_65 : i32
    "tpu.region"() ({
      %run_scoped3A = tpu.sem_alloc : memref<!tpu.dma_semaphore, #tpu.memory_space<semaphore_mem>>
      %dma_start3A_81 = arith.constant 0 : i32
      %dma_start3A_82 = tpu.memref_slice %arg13[%add3A_66, %dma_start3A_81] : memref<10240x64xf32, #tpu.memory_space<vmem_shared>> -> memref<80x64xf32, #tpu.memory_space<vmem_shared>>
      %dma_start3A_83 = arith.constant 0 : i32
      %dma_start3A_84 = tpu.memref_slice %arg13[%add3A_66, %dma_start3A_83] : memref<10240x64xf32, #tpu.memory_space<vmem_shared>> -> memref<80x64xf32, #tpu.memory_space<vmem_shared>>
      tpu.enqueue_dma source(%dma_start3A_84 : memref<80x64xf32, #tpu.memory_space<vmem_shared>>) target(%arg9 : memref<80x64xf32, #tpu.memory_space<vmem>>) target_semaphore(%run_scoped3A : memref<!tpu.dma_semaphore, #tpu.memory_space<semaphore_mem>>)
      %dma_wait3A = arith.constant 0 : i32
      %dma_wait3A_85 = tpu.memref_slice %arg13[%add3A_66, %dma_wait3A] : memref<10240x64xf32, #tpu.memory_space<vmem_shared>> -> memref<80x64xf32, #tpu.memory_space<vmem_shared>>
      %dma_wait3A_86 = arith.constant 0 : i32
      %dma_wait3A_87 = tpu.memref_slice %arg13[%add3A_66, %dma_wait3A_86] : memref<10240x64xf32, #tpu.memory_space<vmem_shared>> -> memref<80x64xf32, #tpu.memory_space<vmem_shared>>
      tpu.wait_dma2 semaphore(%run_scoped3A : memref<!tpu.dma_semaphore, #tpu.memory_space<semaphore_mem>>) src(%dma_wait3A_87 : memref<80x64xf32, #tpu.memory_space<vmem_shared>>) dst(%arg9 : memref<80x64xf32, #tpu.memory_space<vmem>>)
      tpu.yield
    }) : () -> ()
    "tpu.region"() ({
      %run_scoped3A = tpu.sem_alloc : memref<!tpu.dma_semaphore, #tpu.memory_space<semaphore_mem>>
      %dma_start3A_81 = arith.constant 0 : i32
      %dma_start3A_82 = tpu.memref_slice %arg5[%arg0, %add3A_66, %dma_start3A_81] : memref<2x10240x64xf32, #tpu.memory_space<hbm>> -> memref<1x80x64xf32, #tpu.memory_space<hbm>>
      %dma_start3A_83 = tpu.memref_squeeze %dma_start3A_82 : memref<1x80x64xf32, #tpu.memory_space<hbm>> -> memref<80x64xf32, #tpu.memory_space<hbm>>
      %dma_start3A_84 = arith.constant 0 : i32
      %dma_start3A_85 = tpu.memref_slice %arg5[%arg0, %add3A_66, %dma_start3A_84] : memref<2x10240x64xf32, #tpu.memory_space<hbm>> -> memref<1x80x64xf32, #tpu.memory_space<hbm>>
      %dma_start3A_86 = tpu.memref_squeeze %dma_start3A_85 : memref<1x80x64xf32, #tpu.memory_space<hbm>> -> memref<80x64xf32, #tpu.memory_space<hbm>>
      tpu.enqueue_dma source(%arg9 : memref<80x64xf32, #tpu.memory_space<vmem>>) target(%dma_start3A_86 : memref<80x64xf32, #tpu.memory_space<hbm>>) target_semaphore(%run_scoped3A : memref<!tpu.dma_semaphore, #tpu.memory_space<semaphore_mem>>)
      %dma_wait3A = arith.constant 0 : i32
      %dma_wait3A_87 = tpu.memref_slice %arg5[%arg0, %add3A_66, %dma_wait3A] : memref<2x10240x64xf32, #tpu.memory_space<hbm>> -> memref<1x80x64xf32, #tpu.memory_space<hbm>>
      %dma_wait3A_88 = tpu.memref_squeeze %dma_wait3A_87 : memref<1x80x64xf32, #tpu.memory_space<hbm>> -> memref<80x64xf32, #tpu.memory_space<hbm>>
      %dma_wait3A_89 = arith.constant 0 : i32
      %dma_wait3A_90 = tpu.memref_slice %arg5[%arg0, %add3A_66, %dma_wait3A_89] : memref<2x10240x64xf32, #tpu.memory_space<hbm>> -> memref<1x80x64xf32, #tpu.memory_space<hbm>>
      %dma_wait3A_91 = tpu.memref_squeeze %dma_wait3A_90 : memref<1x80x64xf32, #tpu.memory_space<hbm>> -> memref<80x64xf32, #tpu.memory_space<hbm>>
      tpu.wait_dma2 semaphore(%run_scoped3A : memref<!tpu.dma_semaphore, #tpu.memory_space<semaphore_mem>>) src(%arg9 : memref<80x64xf32, #tpu.memory_space<vmem>>) dst(%dma_wait3A_91 : memref<80x64xf32, #tpu.memory_space<hbm>>)
      tpu.yield
    }) : () -> ()
    "tpu.region"() ({
      %run_scoped3A = tpu.sem_alloc : memref<!tpu.dma_semaphore, #tpu.memory_space<semaphore_mem>>
      %dma_start3A_81 = arith.constant 0 : i32
      %dma_start3A_82 = tpu.memref_slice %arg14[%add3A_66, %dma_start3A_81] : memref<10240x16xf32, #tpu.memory_space<vmem_shared>> -> memref<80x16xf32, #tpu.memory_space<vmem_shared>>
      %dma_start3A_83 = arith.constant 0 : i32
      %dma_start3A_84 = tpu.memref_slice %arg14[%add3A_66, %dma_start3A_83] : memref<10240x16xf32, #tpu.memory_space<vmem_shared>> -> memref<80x16xf32, #tpu.memory_space<vmem_shared>>
      tpu.enqueue_dma source(%dma_start3A_84 : memref<80x16xf32, #tpu.memory_space<vmem_shared>>) target(%arg12 : memref<80x16xf32, #tpu.memory_space<vmem>>) target_semaphore(%run_scoped3A : memref<!tpu.dma_semaphore, #tpu.memory_space<semaphore_mem>>)
      %dma_wait3A = arith.constant 0 : i32
      %dma_wait3A_85 = tpu.memref_slice %arg14[%add3A_66, %dma_wait3A] : memref<10240x16xf32, #tpu.memory_space<vmem_shared>> -> memref<80x16xf32, #tpu.memory_space<vmem_shared>>
      %dma_wait3A_86 = arith.constant 0 : i32
      %dma_wait3A_87 = tpu.memref_slice %arg14[%add3A_66, %dma_wait3A_86] : memref<10240x16xf32, #tpu.memory_space<vmem_shared>> -> memref<80x16xf32, #tpu.memory_space<vmem_shared>>
      tpu.wait_dma2 semaphore(%run_scoped3A : memref<!tpu.dma_semaphore, #tpu.memory_space<semaphore_mem>>) src(%dma_wait3A_87 : memref<80x16xf32, #tpu.memory_space<vmem_shared>>) dst(%arg12 : memref<80x16xf32, #tpu.memory_space<vmem>>)
      tpu.yield
    }) : () -> ()
    "tpu.region"() ({
      %run_scoped3A = tpu.sem_alloc : memref<!tpu.dma_semaphore, #tpu.memory_space<semaphore_mem>>
      %dma_start3A_81 = arith.constant 0 : i32
      %dma_start3A_82 = tpu.memref_slice %arg6[%arg0, %add3A_66, %dma_start3A_81] : memref<2x10240x16xf32, #tpu.memory_space<hbm>> -> memref<1x80x16xf32, #tpu.memory_space<hbm>>
      %dma_start3A_83 = tpu.memref_squeeze %dma_start3A_82 : memref<1x80x16xf32, #tpu.memory_space<hbm>> -> memref<80x16xf32, #tpu.memory_space<hbm>>
      %dma_start3A_84 = arith.constant 0 : i32
      %dma_start3A_85 = tpu.memref_slice %arg6[%arg0, %add3A_66, %dma_start3A_84] : memref<2x10240x16xf32, #tpu.memory_space<hbm>> -> memref<1x80x16xf32, #tpu.memory_space<hbm>>
      %dma_start3A_86 = tpu.memref_squeeze %dma_start3A_85 : memref<1x80x16xf32, #tpu.memory_space<hbm>> -> memref<80x16xf32, #tpu.memory_space<hbm>>
      tpu.enqueue_dma source(%arg12 : memref<80x16xf32, #tpu.memory_space<vmem>>) target(%dma_start3A_86 : memref<80x16xf32, #tpu.memory_space<hbm>>) target_semaphore(%run_scoped3A : memref<!tpu.dma_semaphore, #tpu.memory_space<semaphore_mem>>)
      %dma_wait3A = arith.constant 0 : i32
      %dma_wait3A_87 = tpu.memref_slice %arg6[%arg0, %add3A_66, %dma_wait3A] : memref<2x10240x16xf32, #tpu.memory_space<hbm>> -> memref<1x80x16xf32, #tpu.memory_space<hbm>>
      %dma_wait3A_88 = tpu.memref_squeeze %dma_wait3A_87 : memref<1x80x16xf32, #tpu.memory_space<hbm>> -> memref<80x16xf32, #tpu.memory_space<hbm>>
      %dma_wait3A_89 = arith.constant 0 : i32
      %dma_wait3A_90 = tpu.memref_slice %arg6[%arg0, %add3A_66, %dma_wait3A_89] : memref<2x10240x16xf32, #tpu.memory_space<hbm>> -> memref<1x80x16xf32, #tpu.memory_space<hbm>>
      %dma_wait3A_91 = tpu.memref_squeeze %dma_wait3A_90 : memref<1x80x16xf32, #tpu.memory_space<hbm>> -> memref<80x16xf32, #tpu.memory_space<hbm>>
      tpu.wait_dma2 semaphore(%run_scoped3A : memref<!tpu.dma_semaphore, #tpu.memory_space<semaphore_mem>>) src(%arg12 : memref<80x16xf32, #tpu.memory_space<vmem>>) dst(%dma_wait3A_91 : memref<80x16xf32, #tpu.memory_space<hbm>>)
      tpu.yield
    }) : () -> ()
    %add3A_67 = arith.constant 80 : i32
    %add3A_68 = arith.addi %mul3A_9, %add3A_67 : i32
    "tpu.region"() ({
      %run_scoped3A = tpu.sem_alloc : memref<!tpu.dma_semaphore, #tpu.memory_space<semaphore_mem>>
      %dma_start3A_81 = arith.constant 0 : i32
      %dma_start3A_82 = tpu.memref_slice %arg13[%add3A_68, %dma_start3A_81] : memref<10240x64xf32, #tpu.memory_space<vmem_shared>> -> memref<80x64xf32, #tpu.memory_space<vmem_shared>>
      %dma_start3A_83 = arith.constant 0 : i32
      %dma_start3A_84 = tpu.memref_slice %arg13[%add3A_68, %dma_start3A_83] : memref<10240x64xf32, #tpu.memory_space<vmem_shared>> -> memref<80x64xf32, #tpu.memory_space<vmem_shared>>
      tpu.enqueue_dma source(%dma_start3A_84 : memref<80x64xf32, #tpu.memory_space<vmem_shared>>) target(%arg9 : memref<80x64xf32, #tpu.memory_space<vmem>>) target_semaphore(%run_scoped3A : memref<!tpu.dma_semaphore, #tpu.memory_space<semaphore_mem>>)
      %dma_wait3A = arith.constant 0 : i32
      %dma_wait3A_85 = tpu.memref_slice %arg13[%add3A_68, %dma_wait3A] : memref<10240x64xf32, #tpu.memory_space<vmem_shared>> -> memref<80x64xf32, #tpu.memory_space<vmem_shared>>
      %dma_wait3A_86 = arith.constant 0 : i32
      %dma_wait3A_87 = tpu.memref_slice %arg13[%add3A_68, %dma_wait3A_86] : memref<10240x64xf32, #tpu.memory_space<vmem_shared>> -> memref<80x64xf32, #tpu.memory_space<vmem_shared>>
      tpu.wait_dma2 semaphore(%run_scoped3A : memref<!tpu.dma_semaphore, #tpu.memory_space<semaphore_mem>>) src(%dma_wait3A_87 : memref<80x64xf32, #tpu.memory_space<vmem_shared>>) dst(%arg9 : memref<80x64xf32, #tpu.memory_space<vmem>>)
      tpu.yield
    }) : () -> ()
    "tpu.region"() ({
      %run_scoped3A = tpu.sem_alloc : memref<!tpu.dma_semaphore, #tpu.memory_space<semaphore_mem>>
      %dma_start3A_81 = arith.constant 0 : i32
      %dma_start3A_82 = tpu.memref_slice %arg5[%arg0, %add3A_68, %dma_start3A_81] : memref<2x10240x64xf32, #tpu.memory_space<hbm>> -> memref<1x80x64xf32, #tpu.memory_space<hbm>>
      %dma_start3A_83 = tpu.memref_squeeze %dma_start3A_82 : memref<1x80x64xf32, #tpu.memory_space<hbm>> -> memref<80x64xf32, #tpu.memory_space<hbm>>
      %dma_start3A_84 = arith.constant 0 : i32
      %dma_start3A_85 = tpu.memref_slice %arg5[%arg0, %add3A_68, %dma_start3A_84] : memref<2x10240x64xf32, #tpu.memory_space<hbm>> -> memref<1x80x64xf32, #tpu.memory_space<hbm>>
      %dma_start3A_86 = tpu.memref_squeeze %dma_start3A_85 : memref<1x80x64xf32, #tpu.memory_space<hbm>> -> memref<80x64xf32, #tpu.memory_space<hbm>>
      tpu.enqueue_dma source(%arg9 : memref<80x64xf32, #tpu.memory_space<vmem>>) target(%dma_start3A_86 : memref<80x64xf32, #tpu.memory_space<hbm>>) target_semaphore(%run_scoped3A : memref<!tpu.dma_semaphore, #tpu.memory_space<semaphore_mem>>)
      %dma_wait3A = arith.constant 0 : i32
      %dma_wait3A_87 = tpu.memref_slice %arg5[%arg0, %add3A_68, %dma_wait3A] : memref<2x10240x64xf32, #tpu.memory_space<hbm>> -> memref<1x80x64xf32, #tpu.memory_space<hbm>>
      %dma_wait3A_88 = tpu.memref_squeeze %dma_wait3A_87 : memref<1x80x64xf32, #tpu.memory_space<hbm>> -> memref<80x64xf32, #tpu.memory_space<hbm>>
      %dma_wait3A_89 = arith.constant 0 : i32
      %dma_wait3A_90 = tpu.memref_slice %arg5[%arg0, %add3A_68, %dma_wait3A_89] : memref<2x10240x64xf32, #tpu.memory_space<hbm>> -> memref<1x80x64xf32, #tpu.memory_space<hbm>>
      %dma_wait3A_91 = tpu.memref_squeeze %dma_wait3A_90 : memref<1x80x64xf32, #tpu.memory_space<hbm>> -> memref<80x64xf32, #tpu.memory_space<hbm>>
      tpu.wait_dma2 semaphore(%run_scoped3A : memref<!tpu.dma_semaphore, #tpu.memory_space<semaphore_mem>>) src(%arg9 : memref<80x64xf32, #tpu.memory_space<vmem>>) dst(%dma_wait3A_91 : memref<80x64xf32, #tpu.memory_space<hbm>>)
      tpu.yield
    }) : () -> ()
    "tpu.region"() ({
      %run_scoped3A = tpu.sem_alloc : memref<!tpu.dma_semaphore, #tpu.memory_space<semaphore_mem>>
      %dma_start3A_81 = arith.constant 0 : i32
      %dma_start3A_82 = tpu.memref_slice %arg14[%add3A_68, %dma_start3A_81] : memref<10240x16xf32, #tpu.memory_space<vmem_shared>> -> memref<80x16xf32, #tpu.memory_space<vmem_shared>>
      %dma_start3A_83 = arith.constant 0 : i32
      %dma_start3A_84 = tpu.memref_slice %arg14[%add3A_68, %dma_start3A_83] : memref<10240x16xf32, #tpu.memory_space<vmem_shared>> -> memref<80x16xf32, #tpu.memory_space<vmem_shared>>
      tpu.enqueue_dma source(%dma_start3A_84 : memref<80x16xf32, #tpu.memory_space<vmem_shared>>) target(%arg12 : memref<80x16xf32, #tpu.memory_space<vmem>>) target_semaphore(%run_scoped3A : memref<!tpu.dma_semaphore, #tpu.memory_space<semaphore_mem>>)
      %dma_wait3A = arith.constant 0 : i32
      %dma_wait3A_85 = tpu.memref_slice %arg14[%add3A_68, %dma_wait3A] : memref<10240x16xf32, #tpu.memory_space<vmem_shared>> -> memref<80x16xf32, #tpu.memory_space<vmem_shared>>
      %dma_wait3A_86 = arith.constant 0 : i32
      %dma_wait3A_87 = tpu.memref_slice %arg14[%add3A_68, %dma_wait3A_86] : memref<10240x16xf32, #tpu.memory_space<vmem_shared>> -> memref<80x16xf32, #tpu.memory_space<vmem_shared>>
      tpu.wait_dma2 semaphore(%run_scoped3A : memref<!tpu.dma_semaphore, #tpu.memory_space<semaphore_mem>>) src(%dma_wait3A_87 : memref<80x16xf32, #tpu.memory_space<vmem_shared>>) dst(%arg12 : memref<80x16xf32, #tpu.memory_space<vmem>>)
      tpu.yield
    }) : () -> ()
    "tpu.region"() ({
      %run_scoped3A = tpu.sem_alloc : memref<!tpu.dma_semaphore, #tpu.memory_space<semaphore_mem>>
      %dma_start3A_81 = arith.constant 0 : i32
      %dma_start3A_82 = tpu.memref_slice %arg6[%arg0, %add3A_68, %dma_start3A_81] : memref<2x10240x16xf32, #tpu.memory_space<hbm>> -> memref<1x80x16xf32, #tpu.memory_space<hbm>>
      %dma_start3A_83 = tpu.memref_squeeze %dma_start3A_82 : memref<1x80x16xf32, #tpu.memory_space<hbm>> -> memref<80x16xf32, #tpu.memory_space<hbm>>
      %dma_start3A_84 = arith.constant 0 : i32
      %dma_start3A_85 = tpu.memref_slice %arg6[%arg0, %add3A_68, %dma_start3A_84] : memref<2x10240x16xf32, #tpu.memory_space<hbm>> -> memref<1x80x16xf32, #tpu.memory_space<hbm>>
      %dma_start3A_86 = tpu.memref_squeeze %dma_start3A_85 : memref<1x80x16xf32, #tpu.memory_space<hbm>> -> memref<80x16xf32, #tpu.memory_space<hbm>>
      tpu.enqueue_dma source(%arg12 : memref<80x16xf32, #tpu.memory_space<vmem>>) target(%dma_start3A_86 : memref<80x16xf32, #tpu.memory_space<hbm>>) target_semaphore(%run_scoped3A : memref<!tpu.dma_semaphore, #tpu.memory_space<semaphore_mem>>)
      %dma_wait3A = arith.constant 0 : i32
      %dma_wait3A_87 = tpu.memref_slice %arg6[%arg0, %add3A_68, %dma_wait3A] : memref<2x10240x16xf32, #tpu.memory_space<hbm>> -> memref<1x80x16xf32, #tpu.memory_space<hbm>>
      %dma_wait3A_88 = tpu.memref_squeeze %dma_wait3A_87 : memref<1x80x16xf32, #tpu.memory_space<hbm>> -> memref<80x16xf32, #tpu.memory_space<hbm>>
      %dma_wait3A_89 = arith.constant 0 : i32
      %dma_wait3A_90 = tpu.memref_slice %arg6[%arg0, %add3A_68, %dma_wait3A_89] : memref<2x10240x16xf32, #tpu.memory_space<hbm>> -> memref<1x80x16xf32, #tpu.memory_space<hbm>>
      %dma_wait3A_91 = tpu.memref_squeeze %dma_wait3A_90 : memref<1x80x16xf32, #tpu.memory_space<hbm>> -> memref<80x16xf32, #tpu.memory_space<hbm>>
      tpu.wait_dma2 semaphore(%run_scoped3A : memref<!tpu.dma_semaphore, #tpu.memory_space<semaphore_mem>>) src(%arg12 : memref<80x16xf32, #tpu.memory_space<vmem>>) dst(%dma_wait3A_91 : memref<80x16xf32, #tpu.memory_space<hbm>>)
      tpu.yield
    }) : () -> ()
    %add3A_69 = arith.constant 160 : i32
    %add3A_70 = arith.addi %mul3A_9, %add3A_69 : i32
    "tpu.region"() ({
      %run_scoped3A = tpu.sem_alloc : memref<!tpu.dma_semaphore, #tpu.memory_space<semaphore_mem>>
      %dma_start3A_81 = arith.constant 0 : i32
      %dma_start3A_82 = tpu.memref_slice %arg13[%add3A_70, %dma_start3A_81] : memref<10240x64xf32, #tpu.memory_space<vmem_shared>> -> memref<80x64xf32, #tpu.memory_space<vmem_shared>>
      %dma_start3A_83 = arith.constant 0 : i32
      %dma_start3A_84 = tpu.memref_slice %arg13[%add3A_70, %dma_start3A_83] : memref<10240x64xf32, #tpu.memory_space<vmem_shared>> -> memref<80x64xf32, #tpu.memory_space<vmem_shared>>
      tpu.enqueue_dma source(%dma_start3A_84 : memref<80x64xf32, #tpu.memory_space<vmem_shared>>) target(%arg9 : memref<80x64xf32, #tpu.memory_space<vmem>>) target_semaphore(%run_scoped3A : memref<!tpu.dma_semaphore, #tpu.memory_space<semaphore_mem>>)
      %dma_wait3A = arith.constant 0 : i32
      %dma_wait3A_85 = tpu.memref_slice %arg13[%add3A_70, %dma_wait3A] : memref<10240x64xf32, #tpu.memory_space<vmem_shared>> -> memref<80x64xf32, #tpu.memory_space<vmem_shared>>
      %dma_wait3A_86 = arith.constant 0 : i32
      %dma_wait3A_87 = tpu.memref_slice %arg13[%add3A_70, %dma_wait3A_86] : memref<10240x64xf32, #tpu.memory_space<vmem_shared>> -> memref<80x64xf32, #tpu.memory_space<vmem_shared>>
      tpu.wait_dma2 semaphore(%run_scoped3A : memref<!tpu.dma_semaphore, #tpu.memory_space<semaphore_mem>>) src(%dma_wait3A_87 : memref<80x64xf32, #tpu.memory_space<vmem_shared>>) dst(%arg9 : memref<80x64xf32, #tpu.memory_space<vmem>>)
      tpu.yield
    }) : () -> ()
    "tpu.region"() ({
      %run_scoped3A = tpu.sem_alloc : memref<!tpu.dma_semaphore, #tpu.memory_space<semaphore_mem>>
      %dma_start3A_81 = arith.constant 0 : i32
      %dma_start3A_82 = tpu.memref_slice %arg5[%arg0, %add3A_70, %dma_start3A_81] : memref<2x10240x64xf32, #tpu.memory_space<hbm>> -> memref<1x80x64xf32, #tpu.memory_space<hbm>>
      %dma_start3A_83 = tpu.memref_squeeze %dma_start3A_82 : memref<1x80x64xf32, #tpu.memory_space<hbm>> -> memref<80x64xf32, #tpu.memory_space<hbm>>
      %dma_start3A_84 = arith.constant 0 : i32
      %dma_start3A_85 = tpu.memref_slice %arg5[%arg0, %add3A_70, %dma_start3A_84] : memref<2x10240x64xf32, #tpu.memory_space<hbm>> -> memref<1x80x64xf32, #tpu.memory_space<hbm>>
      %dma_start3A_86 = tpu.memref_squeeze %dma_start3A_85 : memref<1x80x64xf32, #tpu.memory_space<hbm>> -> memref<80x64xf32, #tpu.memory_space<hbm>>
      tpu.enqueue_dma source(%arg9 : memref<80x64xf32, #tpu.memory_space<vmem>>) target(%dma_start3A_86 : memref<80x64xf32, #tpu.memory_space<hbm>>) target_semaphore(%run_scoped3A : memref<!tpu.dma_semaphore, #tpu.memory_space<semaphore_mem>>)
      %dma_wait3A = arith.constant 0 : i32
      %dma_wait3A_87 = tpu.memref_slice %arg5[%arg0, %add3A_70, %dma_wait3A] : memref<2x10240x64xf32, #tpu.memory_space<hbm>> -> memref<1x80x64xf32, #tpu.memory_space<hbm>>
      %dma_wait3A_88 = tpu.memref_squeeze %dma_wait3A_87 : memref<1x80x64xf32, #tpu.memory_space<hbm>> -> memref<80x64xf32, #tpu.memory_space<hbm>>
      %dma_wait3A_89 = arith.constant 0 : i32
      %dma_wait3A_90 = tpu.memref_slice %arg5[%arg0, %add3A_70, %dma_wait3A_89] : memref<2x10240x64xf32, #tpu.memory_space<hbm>> -> memref<1x80x64xf32, #tpu.memory_space<hbm>>
      %dma_wait3A_91 = tpu.memref_squeeze %dma_wait3A_90 : memref<1x80x64xf32, #tpu.memory_space<hbm>> -> memref<80x64xf32, #tpu.memory_space<hbm>>
      tpu.wait_dma2 semaphore(%run_scoped3A : memref<!tpu.dma_semaphore, #tpu.memory_space<semaphore_mem>>) src(%arg9 : memref<80x64xf32, #tpu.memory_space<vmem>>) dst(%dma_wait3A_91 : memref<80x64xf32, #tpu.memory_space<hbm>>)
      tpu.yield
    }) : () -> ()
    "tpu.region"() ({
      %run_scoped3A = tpu.sem_alloc : memref<!tpu.dma_semaphore, #tpu.memory_space<semaphore_mem>>
      %dma_start3A_81 = arith.constant 0 : i32
      %dma_start3A_82 = tpu.memref_slice %arg14[%add3A_70, %dma_start3A_81] : memref<10240x16xf32, #tpu.memory_space<vmem_shared>> -> memref<80x16xf32, #tpu.memory_space<vmem_shared>>
      %dma_start3A_83 = arith.constant 0 : i32
      %dma_start3A_84 = tpu.memref_slice %arg14[%add3A_70, %dma_start3A_83] : memref<10240x16xf32, #tpu.memory_space<vmem_shared>> -> memref<80x16xf32, #tpu.memory_space<vmem_shared>>
      tpu.enqueue_dma source(%dma_start3A_84 : memref<80x16xf32, #tpu.memory_space<vmem_shared>>) target(%arg12 : memref<80x16xf32, #tpu.memory_space<vmem>>) target_semaphore(%run_scoped3A : memref<!tpu.dma_semaphore, #tpu.memory_space<semaphore_mem>>)
      %dma_wait3A = arith.constant 0 : i32
      %dma_wait3A_85 = tpu.memref_slice %arg14[%add3A_70, %dma_wait3A] : memref<10240x16xf32, #tpu.memory_space<vmem_shared>> -> memref<80x16xf32, #tpu.memory_space<vmem_shared>>
      %dma_wait3A_86 = arith.constant 0 : i32
      %dma_wait3A_87 = tpu.memref_slice %arg14[%add3A_70, %dma_wait3A_86] : memref<10240x16xf32, #tpu.memory_space<vmem_shared>> -> memref<80x16xf32, #tpu.memory_space<vmem_shared>>
      tpu.wait_dma2 semaphore(%run_scoped3A : memref<!tpu.dma_semaphore, #tpu.memory_space<semaphore_mem>>) src(%dma_wait3A_87 : memref<80x16xf32, #tpu.memory_space<vmem_shared>>) dst(%arg12 : memref<80x16xf32, #tpu.memory_space<vmem>>)
      tpu.yield
    }) : () -> ()
    "tpu.region"() ({
      %run_scoped3A = tpu.sem_alloc : memref<!tpu.dma_semaphore, #tpu.memory_space<semaphore_mem>>
      %dma_start3A_81 = arith.constant 0 : i32
      %dma_start3A_82 = tpu.memref_slice %arg6[%arg0, %add3A_70, %dma_start3A_81] : memref<2x10240x16xf32, #tpu.memory_space<hbm>> -> memref<1x80x16xf32, #tpu.memory_space<hbm>>
      %dma_start3A_83 = tpu.memref_squeeze %dma_start3A_82 : memref<1x80x16xf32, #tpu.memory_space<hbm>> -> memref<80x16xf32, #tpu.memory_space<hbm>>
      %dma_start3A_84 = arith.constant 0 : i32
      %dma_start3A_85 = tpu.memref_slice %arg6[%arg0, %add3A_70, %dma_start3A_84] : memref<2x10240x16xf32, #tpu.memory_space<hbm>> -> memref<1x80x16xf32, #tpu.memory_space<hbm>>
      %dma_start3A_86 = tpu.memref_squeeze %dma_start3A_85 : memref<1x80x16xf32, #tpu.memory_space<hbm>> -> memref<80x16xf32, #tpu.memory_space<hbm>>
      tpu.enqueue_dma source(%arg12 : memref<80x16xf32, #tpu.memory_space<vmem>>) target(%dma_start3A_86 : memref<80x16xf32, #tpu.memory_space<hbm>>) target_semaphore(%run_scoped3A : memref<!tpu.dma_semaphore, #tpu.memory_space<semaphore_mem>>)
      %dma_wait3A = arith.constant 0 : i32
      %dma_wait3A_87 = tpu.memref_slice %arg6[%arg0, %add3A_70, %dma_wait3A] : memref<2x10240x16xf32, #tpu.memory_space<hbm>> -> memref<1x80x16xf32, #tpu.memory_space<hbm>>
      %dma_wait3A_88 = tpu.memref_squeeze %dma_wait3A_87 : memref<1x80x16xf32, #tpu.memory_space<hbm>> -> memref<80x16xf32, #tpu.memory_space<hbm>>
      %dma_wait3A_89 = arith.constant 0 : i32
      %dma_wait3A_90 = tpu.memref_slice %arg6[%arg0, %add3A_70, %dma_wait3A_89] : memref<2x10240x16xf32, #tpu.memory_space<hbm>> -> memref<1x80x16xf32, #tpu.memory_space<hbm>>
      %dma_wait3A_91 = tpu.memref_squeeze %dma_wait3A_90 : memref<1x80x16xf32, #tpu.memory_space<hbm>> -> memref<80x16xf32, #tpu.memory_space<hbm>>
      tpu.wait_dma2 semaphore(%run_scoped3A : memref<!tpu.dma_semaphore, #tpu.memory_space<semaphore_mem>>) src(%arg12 : memref<80x16xf32, #tpu.memory_space<vmem>>) dst(%dma_wait3A_91 : memref<80x16xf32, #tpu.memory_space<hbm>>)
      tpu.yield
    }) : () -> ()
    %add3A_71 = arith.constant 240 : i32
    %add3A_72 = arith.addi %mul3A_9, %add3A_71 : i32
    "tpu.region"() ({
      %run_scoped3A = tpu.sem_alloc : memref<!tpu.dma_semaphore, #tpu.memory_space<semaphore_mem>>
      %dma_start3A_81 = arith.constant 0 : i32
      %dma_start3A_82 = tpu.memref_slice %arg13[%add3A_72, %dma_start3A_81] : memref<10240x64xf32, #tpu.memory_space<vmem_shared>> -> memref<80x64xf32, #tpu.memory_space<vmem_shared>>
      %dma_start3A_83 = arith.constant 0 : i32
      %dma_start3A_84 = tpu.memref_slice %arg13[%add3A_72, %dma_start3A_83] : memref<10240x64xf32, #tpu.memory_space<vmem_shared>> -> memref<80x64xf32, #tpu.memory_space<vmem_shared>>
      tpu.enqueue_dma source(%dma_start3A_84 : memref<80x64xf32, #tpu.memory_space<vmem_shared>>) target(%arg9 : memref<80x64xf32, #tpu.memory_space<vmem>>) target_semaphore(%run_scoped3A : memref<!tpu.dma_semaphore, #tpu.memory_space<semaphore_mem>>)
      %dma_wait3A = arith.constant 0 : i32
      %dma_wait3A_85 = tpu.memref_slice %arg13[%add3A_72, %dma_wait3A] : memref<10240x64xf32, #tpu.memory_space<vmem_shared>> -> memref<80x64xf32, #tpu.memory_space<vmem_shared>>
      %dma_wait3A_86 = arith.constant 0 : i32
      %dma_wait3A_87 = tpu.memref_slice %arg13[%add3A_72, %dma_wait3A_86] : memref<10240x64xf32, #tpu.memory_space<vmem_shared>> -> memref<80x64xf32, #tpu.memory_space<vmem_shared>>
      tpu.wait_dma2 semaphore(%run_scoped3A : memref<!tpu.dma_semaphore, #tpu.memory_space<semaphore_mem>>) src(%dma_wait3A_87 : memref<80x64xf32, #tpu.memory_space<vmem_shared>>) dst(%arg9 : memref<80x64xf32, #tpu.memory_space<vmem>>)
      tpu.yield
    }) : () -> ()
    "tpu.region"() ({
      %run_scoped3A = tpu.sem_alloc : memref<!tpu.dma_semaphore, #tpu.memory_space<semaphore_mem>>
      %dma_start3A_81 = arith.constant 0 : i32
      %dma_start3A_82 = tpu.memref_slice %arg5[%arg0, %add3A_72, %dma_start3A_81] : memref<2x10240x64xf32, #tpu.memory_space<hbm>> -> memref<1x80x64xf32, #tpu.memory_space<hbm>>
      %dma_start3A_83 = tpu.memref_squeeze %dma_start3A_82 : memref<1x80x64xf32, #tpu.memory_space<hbm>> -> memref<80x64xf32, #tpu.memory_space<hbm>>
      %dma_start3A_84 = arith.constant 0 : i32
      %dma_start3A_85 = tpu.memref_slice %arg5[%arg0, %add3A_72, %dma_start3A_84] : memref<2x10240x64xf32, #tpu.memory_space<hbm>> -> memref<1x80x64xf32, #tpu.memory_space<hbm>>
      %dma_start3A_86 = tpu.memref_squeeze %dma_start3A_85 : memref<1x80x64xf32, #tpu.memory_space<hbm>> -> memref<80x64xf32, #tpu.memory_space<hbm>>
      tpu.enqueue_dma source(%arg9 : memref<80x64xf32, #tpu.memory_space<vmem>>) target(%dma_start3A_86 : memref<80x64xf32, #tpu.memory_space<hbm>>) target_semaphore(%run_scoped3A : memref<!tpu.dma_semaphore, #tpu.memory_space<semaphore_mem>>)
      %dma_wait3A = arith.constant 0 : i32
      %dma_wait3A_87 = tpu.memref_slice %arg5[%arg0, %add3A_72, %dma_wait3A] : memref<2x10240x64xf32, #tpu.memory_space<hbm>> -> memref<1x80x64xf32, #tpu.memory_space<hbm>>
      %dma_wait3A_88 = tpu.memref_squeeze %dma_wait3A_87 : memref<1x80x64xf32, #tpu.memory_space<hbm>> -> memref<80x64xf32, #tpu.memory_space<hbm>>
      %dma_wait3A_89 = arith.constant 0 : i32
      %dma_wait3A_90 = tpu.memref_slice %arg5[%arg0, %add3A_72, %dma_wait3A_89] : memref<2x10240x64xf32, #tpu.memory_space<hbm>> -> memref<1x80x64xf32, #tpu.memory_space<hbm>>
      %dma_wait3A_91 = tpu.memref_squeeze %dma_wait3A_90 : memref<1x80x64xf32, #tpu.memory_space<hbm>> -> memref<80x64xf32, #tpu.memory_space<hbm>>
      tpu.wait_dma2 semaphore(%run_scoped3A : memref<!tpu.dma_semaphore, #tpu.memory_space<semaphore_mem>>) src(%arg9 : memref<80x64xf32, #tpu.memory_space<vmem>>) dst(%dma_wait3A_91 : memref<80x64xf32, #tpu.memory_space<hbm>>)
      tpu.yield
    }) : () -> ()
    "tpu.region"() ({
      %run_scoped3A = tpu.sem_alloc : memref<!tpu.dma_semaphore, #tpu.memory_space<semaphore_mem>>
      %dma_start3A_81 = arith.constant 0 : i32
      %dma_start3A_82 = tpu.memref_slice %arg14[%add3A_72, %dma_start3A_81] : memref<10240x16xf32, #tpu.memory_space<vmem_shared>> -> memref<80x16xf32, #tpu.memory_space<vmem_shared>>
      %dma_start3A_83 = arith.constant 0 : i32
      %dma_start3A_84 = tpu.memref_slice %arg14[%add3A_72, %dma_start3A_83] : memref<10240x16xf32, #tpu.memory_space<vmem_shared>> -> memref<80x16xf32, #tpu.memory_space<vmem_shared>>
      tpu.enqueue_dma source(%dma_start3A_84 : memref<80x16xf32, #tpu.memory_space<vmem_shared>>) target(%arg12 : memref<80x16xf32, #tpu.memory_space<vmem>>) target_semaphore(%run_scoped3A : memref<!tpu.dma_semaphore, #tpu.memory_space<semaphore_mem>>)
      %dma_wait3A = arith.constant 0 : i32
      %dma_wait3A_85 = tpu.memref_slice %arg14[%add3A_72, %dma_wait3A] : memref<10240x16xf32, #tpu.memory_space<vmem_shared>> -> memref<80x16xf32, #tpu.memory_space<vmem_shared>>
      %dma_wait3A_86 = arith.constant 0 : i32
      %dma_wait3A_87 = tpu.memref_slice %arg14[%add3A_72, %dma_wait3A_86] : memref<10240x16xf32, #tpu.memory_space<vmem_shared>> -> memref<80x16xf32, #tpu.memory_space<vmem_shared>>
      tpu.wait_dma2 semaphore(%run_scoped3A : memref<!tpu.dma_semaphore, #tpu.memory_space<semaphore_mem>>) src(%dma_wait3A_87 : memref<80x16xf32, #tpu.memory_space<vmem_shared>>) dst(%arg12 : memref<80x16xf32, #tpu.memory_space<vmem>>)
      tpu.yield
    }) : () -> ()
    "tpu.region"() ({
      %run_scoped3A = tpu.sem_alloc : memref<!tpu.dma_semaphore, #tpu.memory_space<semaphore_mem>>
      %dma_start3A_81 = arith.constant 0 : i32
      %dma_start3A_82 = tpu.memref_slice %arg6[%arg0, %add3A_72, %dma_start3A_81] : memref<2x10240x16xf32, #tpu.memory_space<hbm>> -> memref<1x80x16xf32, #tpu.memory_space<hbm>>
      %dma_start3A_83 = tpu.memref_squeeze %dma_start3A_82 : memref<1x80x16xf32, #tpu.memory_space<hbm>> -> memref<80x16xf32, #tpu.memory_space<hbm>>
      %dma_start3A_84 = arith.constant 0 : i32
      %dma_start3A_85 = tpu.memref_slice %arg6[%arg0, %add3A_72, %dma_start3A_84] : memref<2x10240x16xf32, #tpu.memory_space<hbm>> -> memref<1x80x16xf32, #tpu.memory_space<hbm>>
      %dma_start3A_86 = tpu.memref_squeeze %dma_start3A_85 : memref<1x80x16xf32, #tpu.memory_space<hbm>> -> memref<80x16xf32, #tpu.memory_space<hbm>>
      tpu.enqueue_dma source(%arg12 : memref<80x16xf32, #tpu.memory_space<vmem>>) target(%dma_start3A_86 : memref<80x16xf32, #tpu.memory_space<hbm>>) target_semaphore(%run_scoped3A : memref<!tpu.dma_semaphore, #tpu.memory_space<semaphore_mem>>)
      %dma_wait3A = arith.constant 0 : i32
      %dma_wait3A_87 = tpu.memref_slice %arg6[%arg0, %add3A_72, %dma_wait3A] : memref<2x10240x16xf32, #tpu.memory_space<hbm>> -> memref<1x80x16xf32, #tpu.memory_space<hbm>>
      %dma_wait3A_88 = tpu.memref_squeeze %dma_wait3A_87 : memref<1x80x16xf32, #tpu.memory_space<hbm>> -> memref<80x16xf32, #tpu.memory_space<hbm>>
      %dma_wait3A_89 = arith.constant 0 : i32
      %dma_wait3A_90 = tpu.memref_slice %arg6[%arg0, %add3A_72, %dma_wait3A_89] : memref<2x10240x16xf32, #tpu.memory_space<hbm>> -> memref<1x80x16xf32, #tpu.memory_space<hbm>>
      %dma_wait3A_91 = tpu.memref_squeeze %dma_wait3A_90 : memref<1x80x16xf32, #tpu.memory_space<hbm>> -> memref<80x16xf32, #tpu.memory_space<hbm>>
      tpu.wait_dma2 semaphore(%run_scoped3A : memref<!tpu.dma_semaphore, #tpu.memory_space<semaphore_mem>>) src(%arg12 : memref<80x16xf32, #tpu.memory_space<vmem>>) dst(%dma_wait3A_91 : memref<80x16xf32, #tpu.memory_space<hbm>>)
      tpu.yield
    }) : () -> ()
    %add3A_73 = arith.constant 320 : i32
    %add3A_74 = arith.addi %mul3A_9, %add3A_73 : i32
    "tpu.region"() ({
      %run_scoped3A = tpu.sem_alloc : memref<!tpu.dma_semaphore, #tpu.memory_space<semaphore_mem>>
      %dma_start3A_81 = arith.constant 0 : i32
      %dma_start3A_82 = tpu.memref_slice %arg13[%add3A_74, %dma_start3A_81] : memref<10240x64xf32, #tpu.memory_space<vmem_shared>> -> memref<80x64xf32, #tpu.memory_space<vmem_shared>>
      %dma_start3A_83 = arith.constant 0 : i32
      %dma_start3A_84 = tpu.memref_slice %arg13[%add3A_74, %dma_start3A_83] : memref<10240x64xf32, #tpu.memory_space<vmem_shared>> -> memref<80x64xf32, #tpu.memory_space<vmem_shared>>
      tpu.enqueue_dma source(%dma_start3A_84 : memref<80x64xf32, #tpu.memory_space<vmem_shared>>) target(%arg9 : memref<80x64xf32, #tpu.memory_space<vmem>>) target_semaphore(%run_scoped3A : memref<!tpu.dma_semaphore, #tpu.memory_space<semaphore_mem>>)
      %dma_wait3A = arith.constant 0 : i32
      %dma_wait3A_85 = tpu.memref_slice %arg13[%add3A_74, %dma_wait3A] : memref<10240x64xf32, #tpu.memory_space<vmem_shared>> -> memref<80x64xf32, #tpu.memory_space<vmem_shared>>
      %dma_wait3A_86 = arith.constant 0 : i32
      %dma_wait3A_87 = tpu.memref_slice %arg13[%add3A_74, %dma_wait3A_86] : memref<10240x64xf32, #tpu.memory_space<vmem_shared>> -> memref<80x64xf32, #tpu.memory_space<vmem_shared>>
      tpu.wait_dma2 semaphore(%run_scoped3A : memref<!tpu.dma_semaphore, #tpu.memory_space<semaphore_mem>>) src(%dma_wait3A_87 : memref<80x64xf32, #tpu.memory_space<vmem_shared>>) dst(%arg9 : memref<80x64xf32, #tpu.memory_space<vmem>>)
      tpu.yield
    }) : () -> ()
    "tpu.region"() ({
      %run_scoped3A = tpu.sem_alloc : memref<!tpu.dma_semaphore, #tpu.memory_space<semaphore_mem>>
      %dma_start3A_81 = arith.constant 0 : i32
      %dma_start3A_82 = tpu.memref_slice %arg5[%arg0, %add3A_74, %dma_start3A_81] : memref<2x10240x64xf32, #tpu.memory_space<hbm>> -> memref<1x80x64xf32, #tpu.memory_space<hbm>>
      %dma_start3A_83 = tpu.memref_squeeze %dma_start3A_82 : memref<1x80x64xf32, #tpu.memory_space<hbm>> -> memref<80x64xf32, #tpu.memory_space<hbm>>
      %dma_start3A_84 = arith.constant 0 : i32
      %dma_start3A_85 = tpu.memref_slice %arg5[%arg0, %add3A_74, %dma_start3A_84] : memref<2x10240x64xf32, #tpu.memory_space<hbm>> -> memref<1x80x64xf32, #tpu.memory_space<hbm>>
      %dma_start3A_86 = tpu.memref_squeeze %dma_start3A_85 : memref<1x80x64xf32, #tpu.memory_space<hbm>> -> memref<80x64xf32, #tpu.memory_space<hbm>>
      tpu.enqueue_dma source(%arg9 : memref<80x64xf32, #tpu.memory_space<vmem>>) target(%dma_start3A_86 : memref<80x64xf32, #tpu.memory_space<hbm>>) target_semaphore(%run_scoped3A : memref<!tpu.dma_semaphore, #tpu.memory_space<semaphore_mem>>)
      %dma_wait3A = arith.constant 0 : i32
      %dma_wait3A_87 = tpu.memref_slice %arg5[%arg0, %add3A_74, %dma_wait3A] : memref<2x10240x64xf32, #tpu.memory_space<hbm>> -> memref<1x80x64xf32, #tpu.memory_space<hbm>>
      %dma_wait3A_88 = tpu.memref_squeeze %dma_wait3A_87 : memref<1x80x64xf32, #tpu.memory_space<hbm>> -> memref<80x64xf32, #tpu.memory_space<hbm>>
      %dma_wait3A_89 = arith.constant 0 : i32
      %dma_wait3A_90 = tpu.memref_slice %arg5[%arg0, %add3A_74, %dma_wait3A_89] : memref<2x10240x64xf32, #tpu.memory_space<hbm>> -> memref<1x80x64xf32, #tpu.memory_space<hbm>>
      %dma_wait3A_91 = tpu.memref_squeeze %dma_wait3A_90 : memref<1x80x64xf32, #tpu.memory_space<hbm>> -> memref<80x64xf32, #tpu.memory_space<hbm>>
      tpu.wait_dma2 semaphore(%run_scoped3A : memref<!tpu.dma_semaphore, #tpu.memory_space<semaphore_mem>>) src(%arg9 : memref<80x64xf32, #tpu.memory_space<vmem>>) dst(%dma_wait3A_91 : memref<80x64xf32, #tpu.memory_space<hbm>>)
      tpu.yield
    }) : () -> ()
    "tpu.region"() ({
      %run_scoped3A = tpu.sem_alloc : memref<!tpu.dma_semaphore, #tpu.memory_space<semaphore_mem>>
      %dma_start3A_81 = arith.constant 0 : i32
      %dma_start3A_82 = tpu.memref_slice %arg14[%add3A_74, %dma_start3A_81] : memref<10240x16xf32, #tpu.memory_space<vmem_shared>> -> memref<80x16xf32, #tpu.memory_space<vmem_shared>>
      %dma_start3A_83 = arith.constant 0 : i32
      %dma_start3A_84 = tpu.memref_slice %arg14[%add3A_74, %dma_start3A_83] : memref<10240x16xf32, #tpu.memory_space<vmem_shared>> -> memref<80x16xf32, #tpu.memory_space<vmem_shared>>
      tpu.enqueue_dma source(%dma_start3A_84 : memref<80x16xf32, #tpu.memory_space<vmem_shared>>) target(%arg12 : memref<80x16xf32, #tpu.memory_space<vmem>>) target_semaphore(%run_scoped3A : memref<!tpu.dma_semaphore, #tpu.memory_space<semaphore_mem>>)
      %dma_wait3A = arith.constant 0 : i32
      %dma_wait3A_85 = tpu.memref_slice %arg14[%add3A_74, %dma_wait3A] : memref<10240x16xf32, #tpu.memory_space<vmem_shared>> -> memref<80x16xf32, #tpu.memory_space<vmem_shared>>
      %dma_wait3A_86 = arith.constant 0 : i32
      %dma_wait3A_87 = tpu.memref_slice %arg14[%add3A_74, %dma_wait3A_86] : memref<10240x16xf32, #tpu.memory_space<vmem_shared>> -> memref<80x16xf32, #tpu.memory_space<vmem_shared>>
      tpu.wait_dma2 semaphore(%run_scoped3A : memref<!tpu.dma_semaphore, #tpu.memory_space<semaphore_mem>>) src(%dma_wait3A_87 : memref<80x16xf32, #tpu.memory_space<vmem_shared>>) dst(%arg12 : memref<80x16xf32, #tpu.memory_space<vmem>>)
      tpu.yield
    }) : () -> ()
    "tpu.region"() ({
      %run_scoped3A = tpu.sem_alloc : memref<!tpu.dma_semaphore, #tpu.memory_space<semaphore_mem>>
      %dma_start3A_81 = arith.constant 0 : i32
      %dma_start3A_82 = tpu.memref_slice %arg6[%arg0, %add3A_74, %dma_start3A_81] : memref<2x10240x16xf32, #tpu.memory_space<hbm>> -> memref<1x80x16xf32, #tpu.memory_space<hbm>>
      %dma_start3A_83 = tpu.memref_squeeze %dma_start3A_82 : memref<1x80x16xf32, #tpu.memory_space<hbm>> -> memref<80x16xf32, #tpu.memory_space<hbm>>
      %dma_start3A_84 = arith.constant 0 : i32
      %dma_start3A_85 = tpu.memref_slice %arg6[%arg0, %add3A_74, %dma_start3A_84] : memref<2x10240x16xf32, #tpu.memory_space<hbm>> -> memref<1x80x16xf32, #tpu.memory_space<hbm>>
      %dma_start3A_86 = tpu.memref_squeeze %dma_start3A_85 : memref<1x80x16xf32, #tpu.memory_space<hbm>> -> memref<80x16xf32, #tpu.memory_space<hbm>>
      tpu.enqueue_dma source(%arg12 : memref<80x16xf32, #tpu.memory_space<vmem>>) target(%dma_start3A_86 : memref<80x16xf32, #tpu.memory_space<hbm>>) target_semaphore(%run_scoped3A : memref<!tpu.dma_semaphore, #tpu.memory_space<semaphore_mem>>)
      %dma_wait3A = arith.constant 0 : i32
      %dma_wait3A_87 = tpu.memref_slice %arg6[%arg0, %add3A_74, %dma_wait3A] : memref<2x10240x16xf32, #tpu.memory_space<hbm>> -> memref<1x80x16xf32, #tpu.memory_space<hbm>>
      %dma_wait3A_88 = tpu.memref_squeeze %dma_wait3A_87 : memref<1x80x16xf32, #tpu.memory_space<hbm>> -> memref<80x16xf32, #tpu.memory_space<hbm>>
      %dma_wait3A_89 = arith.constant 0 : i32
      %dma_wait3A_90 = tpu.memref_slice %arg6[%arg0, %add3A_74, %dma_wait3A_89] : memref<2x10240x16xf32, #tpu.memory_space<hbm>> -> memref<1x80x16xf32, #tpu.memory_space<hbm>>
      %dma_wait3A_91 = tpu.memref_squeeze %dma_wait3A_90 : memref<1x80x16xf32, #tpu.memory_space<hbm>> -> memref<80x16xf32, #tpu.memory_space<hbm>>
      tpu.wait_dma2 semaphore(%run_scoped3A : memref<!tpu.dma_semaphore, #tpu.memory_space<semaphore_mem>>) src(%arg12 : memref<80x16xf32, #tpu.memory_space<vmem>>) dst(%dma_wait3A_91 : memref<80x16xf32, #tpu.memory_space<hbm>>)
      tpu.yield
    }) : () -> ()
    %add3A_75 = arith.constant 400 : i32
    %add3A_76 = arith.addi %mul3A_9, %add3A_75 : i32
    "tpu.region"() ({
      %run_scoped3A = tpu.sem_alloc : memref<!tpu.dma_semaphore, #tpu.memory_space<semaphore_mem>>
      %dma_start3A_81 = arith.constant 0 : i32
      %dma_start3A_82 = tpu.memref_slice %arg13[%add3A_76, %dma_start3A_81] : memref<10240x64xf32, #tpu.memory_space<vmem_shared>> -> memref<80x64xf32, #tpu.memory_space<vmem_shared>>
      %dma_start3A_83 = arith.constant 0 : i32
      %dma_start3A_84 = tpu.memref_slice %arg13[%add3A_76, %dma_start3A_83] : memref<10240x64xf32, #tpu.memory_space<vmem_shared>> -> memref<80x64xf32, #tpu.memory_space<vmem_shared>>
      tpu.enqueue_dma source(%dma_start3A_84 : memref<80x64xf32, #tpu.memory_space<vmem_shared>>) target(%arg9 : memref<80x64xf32, #tpu.memory_space<vmem>>) target_semaphore(%run_scoped3A : memref<!tpu.dma_semaphore, #tpu.memory_space<semaphore_mem>>)
      %dma_wait3A = arith.constant 0 : i32
      %dma_wait3A_85 = tpu.memref_slice %arg13[%add3A_76, %dma_wait3A] : memref<10240x64xf32, #tpu.memory_space<vmem_shared>> -> memref<80x64xf32, #tpu.memory_space<vmem_shared>>
      %dma_wait3A_86 = arith.constant 0 : i32
      %dma_wait3A_87 = tpu.memref_slice %arg13[%add3A_76, %dma_wait3A_86] : memref<10240x64xf32, #tpu.memory_space<vmem_shared>> -> memref<80x64xf32, #tpu.memory_space<vmem_shared>>
      tpu.wait_dma2 semaphore(%run_scoped3A : memref<!tpu.dma_semaphore, #tpu.memory_space<semaphore_mem>>) src(%dma_wait3A_87 : memref<80x64xf32, #tpu.memory_space<vmem_shared>>) dst(%arg9 : memref<80x64xf32, #tpu.memory_space<vmem>>)
      tpu.yield
    }) : () -> ()
    "tpu.region"() ({
      %run_scoped3A = tpu.sem_alloc : memref<!tpu.dma_semaphore, #tpu.memory_space<semaphore_mem>>
      %dma_start3A_81 = arith.constant 0 : i32
      %dma_start3A_82 = tpu.memref_slice %arg5[%arg0, %add3A_76, %dma_start3A_81] : memref<2x10240x64xf32, #tpu.memory_space<hbm>> -> memref<1x80x64xf32, #tpu.memory_space<hbm>>
      %dma_start3A_83 = tpu.memref_squeeze %dma_start3A_82 : memref<1x80x64xf32, #tpu.memory_space<hbm>> -> memref<80x64xf32, #tpu.memory_space<hbm>>
      %dma_start3A_84 = arith.constant 0 : i32
      %dma_start3A_85 = tpu.memref_slice %arg5[%arg0, %add3A_76, %dma_start3A_84] : memref<2x10240x64xf32, #tpu.memory_space<hbm>> -> memref<1x80x64xf32, #tpu.memory_space<hbm>>
      %dma_start3A_86 = tpu.memref_squeeze %dma_start3A_85 : memref<1x80x64xf32, #tpu.memory_space<hbm>> -> memref<80x64xf32, #tpu.memory_space<hbm>>
      tpu.enqueue_dma source(%arg9 : memref<80x64xf32, #tpu.memory_space<vmem>>) target(%dma_start3A_86 : memref<80x64xf32, #tpu.memory_space<hbm>>) target_semaphore(%run_scoped3A : memref<!tpu.dma_semaphore, #tpu.memory_space<semaphore_mem>>)
      %dma_wait3A = arith.constant 0 : i32
      %dma_wait3A_87 = tpu.memref_slice %arg5[%arg0, %add3A_76, %dma_wait3A] : memref<2x10240x64xf32, #tpu.memory_space<hbm>> -> memref<1x80x64xf32, #tpu.memory_space<hbm>>
      %dma_wait3A_88 = tpu.memref_squeeze %dma_wait3A_87 : memref<1x80x64xf32, #tpu.memory_space<hbm>> -> memref<80x64xf32, #tpu.memory_space<hbm>>
      %dma_wait3A_89 = arith.constant 0 : i32
      %dma_wait3A_90 = tpu.memref_slice %arg5[%arg0, %add3A_76, %dma_wait3A_89] : memref<2x10240x64xf32, #tpu.memory_space<hbm>> -> memref<1x80x64xf32, #tpu.memory_space<hbm>>
      %dma_wait3A_91 = tpu.memref_squeeze %dma_wait3A_90 : memref<1x80x64xf32, #tpu.memory_space<hbm>> -> memref<80x64xf32, #tpu.memory_space<hbm>>
      tpu.wait_dma2 semaphore(%run_scoped3A : memref<!tpu.dma_semaphore, #tpu.memory_space<semaphore_mem>>) src(%arg9 : memref<80x64xf32, #tpu.memory_space<vmem>>) dst(%dma_wait3A_91 : memref<80x64xf32, #tpu.memory_space<hbm>>)
      tpu.yield
    }) : () -> ()
    "tpu.region"() ({
      %run_scoped3A = tpu.sem_alloc : memref<!tpu.dma_semaphore, #tpu.memory_space<semaphore_mem>>
      %dma_start3A_81 = arith.constant 0 : i32
      %dma_start3A_82 = tpu.memref_slice %arg14[%add3A_76, %dma_start3A_81] : memref<10240x16xf32, #tpu.memory_space<vmem_shared>> -> memref<80x16xf32, #tpu.memory_space<vmem_shared>>
      %dma_start3A_83 = arith.constant 0 : i32
      %dma_start3A_84 = tpu.memref_slice %arg14[%add3A_76, %dma_start3A_83] : memref<10240x16xf32, #tpu.memory_space<vmem_shared>> -> memref<80x16xf32, #tpu.memory_space<vmem_shared>>
      tpu.enqueue_dma source(%dma_start3A_84 : memref<80x16xf32, #tpu.memory_space<vmem_shared>>) target(%arg12 : memref<80x16xf32, #tpu.memory_space<vmem>>) target_semaphore(%run_scoped3A : memref<!tpu.dma_semaphore, #tpu.memory_space<semaphore_mem>>)
      %dma_wait3A = arith.constant 0 : i32
      %dma_wait3A_85 = tpu.memref_slice %arg14[%add3A_76, %dma_wait3A] : memref<10240x16xf32, #tpu.memory_space<vmem_shared>> -> memref<80x16xf32, #tpu.memory_space<vmem_shared>>
      %dma_wait3A_86 = arith.constant 0 : i32
      %dma_wait3A_87 = tpu.memref_slice %arg14[%add3A_76, %dma_wait3A_86] : memref<10240x16xf32, #tpu.memory_space<vmem_shared>> -> memref<80x16xf32, #tpu.memory_space<vmem_shared>>
      tpu.wait_dma2 semaphore(%run_scoped3A : memref<!tpu.dma_semaphore, #tpu.memory_space<semaphore_mem>>) src(%dma_wait3A_87 : memref<80x16xf32, #tpu.memory_space<vmem_shared>>) dst(%arg12 : memref<80x16xf32, #tpu.memory_space<vmem>>)
      tpu.yield
    }) : () -> ()
    "tpu.region"() ({
      %run_scoped3A = tpu.sem_alloc : memref<!tpu.dma_semaphore, #tpu.memory_space<semaphore_mem>>
      %dma_start3A_81 = arith.constant 0 : i32
      %dma_start3A_82 = tpu.memref_slice %arg6[%arg0, %add3A_76, %dma_start3A_81] : memref<2x10240x16xf32, #tpu.memory_space<hbm>> -> memref<1x80x16xf32, #tpu.memory_space<hbm>>
      %dma_start3A_83 = tpu.memref_squeeze %dma_start3A_82 : memref<1x80x16xf32, #tpu.memory_space<hbm>> -> memref<80x16xf32, #tpu.memory_space<hbm>>
      %dma_start3A_84 = arith.constant 0 : i32
      %dma_start3A_85 = tpu.memref_slice %arg6[%arg0, %add3A_76, %dma_start3A_84] : memref<2x10240x16xf32, #tpu.memory_space<hbm>> -> memref<1x80x16xf32, #tpu.memory_space<hbm>>
      %dma_start3A_86 = tpu.memref_squeeze %dma_start3A_85 : memref<1x80x16xf32, #tpu.memory_space<hbm>> -> memref<80x16xf32, #tpu.memory_space<hbm>>
      tpu.enqueue_dma source(%arg12 : memref<80x16xf32, #tpu.memory_space<vmem>>) target(%dma_start3A_86 : memref<80x16xf32, #tpu.memory_space<hbm>>) target_semaphore(%run_scoped3A : memref<!tpu.dma_semaphore, #tpu.memory_space<semaphore_mem>>)
      %dma_wait3A = arith.constant 0 : i32
      %dma_wait3A_87 = tpu.memref_slice %arg6[%arg0, %add3A_76, %dma_wait3A] : memref<2x10240x16xf32, #tpu.memory_space<hbm>> -> memref<1x80x16xf32, #tpu.memory_space<hbm>>
      %dma_wait3A_88 = tpu.memref_squeeze %dma_wait3A_87 : memref<1x80x16xf32, #tpu.memory_space<hbm>> -> memref<80x16xf32, #tpu.memory_space<hbm>>
      %dma_wait3A_89 = arith.constant 0 : i32
      %dma_wait3A_90 = tpu.memref_slice %arg6[%arg0, %add3A_76, %dma_wait3A_89] : memref<2x10240x16xf32, #tpu.memory_space<hbm>> -> memref<1x80x16xf32, #tpu.memory_space<hbm>>
      %dma_wait3A_91 = tpu.memref_squeeze %dma_wait3A_90 : memref<1x80x16xf32, #tpu.memory_space<hbm>> -> memref<80x16xf32, #tpu.memory_space<hbm>>
      tpu.wait_dma2 semaphore(%run_scoped3A : memref<!tpu.dma_semaphore, #tpu.memory_space<semaphore_mem>>) src(%arg12 : memref<80x16xf32, #tpu.memory_space<vmem>>) dst(%dma_wait3A_91 : memref<80x16xf32, #tpu.memory_space<hbm>>)
      tpu.yield
    }) : () -> ()
    %add3A_77 = arith.constant 480 : i32
    %add3A_78 = arith.addi %mul3A_9, %add3A_77 : i32
    "tpu.region"() ({
      %run_scoped3A = tpu.sem_alloc : memref<!tpu.dma_semaphore, #tpu.memory_space<semaphore_mem>>
      %dma_start3A_81 = arith.constant 0 : i32
      %dma_start3A_82 = tpu.memref_slice %arg13[%add3A_78, %dma_start3A_81] : memref<10240x64xf32, #tpu.memory_space<vmem_shared>> -> memref<80x64xf32, #tpu.memory_space<vmem_shared>>
      %dma_start3A_83 = arith.constant 0 : i32
      %dma_start3A_84 = tpu.memref_slice %arg13[%add3A_78, %dma_start3A_83] : memref<10240x64xf32, #tpu.memory_space<vmem_shared>> -> memref<80x64xf32, #tpu.memory_space<vmem_shared>>
      tpu.enqueue_dma source(%dma_start3A_84 : memref<80x64xf32, #tpu.memory_space<vmem_shared>>) target(%arg9 : memref<80x64xf32, #tpu.memory_space<vmem>>) target_semaphore(%run_scoped3A : memref<!tpu.dma_semaphore, #tpu.memory_space<semaphore_mem>>)
      %dma_wait3A = arith.constant 0 : i32
      %dma_wait3A_85 = tpu.memref_slice %arg13[%add3A_78, %dma_wait3A] : memref<10240x64xf32, #tpu.memory_space<vmem_shared>> -> memref<80x64xf32, #tpu.memory_space<vmem_shared>>
      %dma_wait3A_86 = arith.constant 0 : i32
      %dma_wait3A_87 = tpu.memref_slice %arg13[%add3A_78, %dma_wait3A_86] : memref<10240x64xf32, #tpu.memory_space<vmem_shared>> -> memref<80x64xf32, #tpu.memory_space<vmem_shared>>
      tpu.wait_dma2 semaphore(%run_scoped3A : memref<!tpu.dma_semaphore, #tpu.memory_space<semaphore_mem>>) src(%dma_wait3A_87 : memref<80x64xf32, #tpu.memory_space<vmem_shared>>) dst(%arg9 : memref<80x64xf32, #tpu.memory_space<vmem>>)
      tpu.yield
    }) : () -> ()
    "tpu.region"() ({
      %run_scoped3A = tpu.sem_alloc : memref<!tpu.dma_semaphore, #tpu.memory_space<semaphore_mem>>
      %dma_start3A_81 = arith.constant 0 : i32
      %dma_start3A_82 = tpu.memref_slice %arg5[%arg0, %add3A_78, %dma_start3A_81] : memref<2x10240x64xf32, #tpu.memory_space<hbm>> -> memref<1x80x64xf32, #tpu.memory_space<hbm>>
      %dma_start3A_83 = tpu.memref_squeeze %dma_start3A_82 : memref<1x80x64xf32, #tpu.memory_space<hbm>> -> memref<80x64xf32, #tpu.memory_space<hbm>>
      %dma_start3A_84 = arith.constant 0 : i32
      %dma_start3A_85 = tpu.memref_slice %arg5[%arg0, %add3A_78, %dma_start3A_84] : memref<2x10240x64xf32, #tpu.memory_space<hbm>> -> memref<1x80x64xf32, #tpu.memory_space<hbm>>
      %dma_start3A_86 = tpu.memref_squeeze %dma_start3A_85 : memref<1x80x64xf32, #tpu.memory_space<hbm>> -> memref<80x64xf32, #tpu.memory_space<hbm>>
      tpu.enqueue_dma source(%arg9 : memref<80x64xf32, #tpu.memory_space<vmem>>) target(%dma_start3A_86 : memref<80x64xf32, #tpu.memory_space<hbm>>) target_semaphore(%run_scoped3A : memref<!tpu.dma_semaphore, #tpu.memory_space<semaphore_mem>>)
      %dma_wait3A = arith.constant 0 : i32
      %dma_wait3A_87 = tpu.memref_slice %arg5[%arg0, %add3A_78, %dma_wait3A] : memref<2x10240x64xf32, #tpu.memory_space<hbm>> -> memref<1x80x64xf32, #tpu.memory_space<hbm>>
      %dma_wait3A_88 = tpu.memref_squeeze %dma_wait3A_87 : memref<1x80x64xf32, #tpu.memory_space<hbm>> -> memref<80x64xf32, #tpu.memory_space<hbm>>
      %dma_wait3A_89 = arith.constant 0 : i32
      %dma_wait3A_90 = tpu.memref_slice %arg5[%arg0, %add3A_78, %dma_wait3A_89] : memref<2x10240x64xf32, #tpu.memory_space<hbm>> -> memref<1x80x64xf32, #tpu.memory_space<hbm>>
      %dma_wait3A_91 = tpu.memref_squeeze %dma_wait3A_90 : memref<1x80x64xf32, #tpu.memory_space<hbm>> -> memref<80x64xf32, #tpu.memory_space<hbm>>
      tpu.wait_dma2 semaphore(%run_scoped3A : memref<!tpu.dma_semaphore, #tpu.memory_space<semaphore_mem>>) src(%arg9 : memref<80x64xf32, #tpu.memory_space<vmem>>) dst(%dma_wait3A_91 : memref<80x64xf32, #tpu.memory_space<hbm>>)
      tpu.yield
    }) : () -> ()
    "tpu.region"() ({
      %run_scoped3A = tpu.sem_alloc : memref<!tpu.dma_semaphore, #tpu.memory_space<semaphore_mem>>
      %dma_start3A_81 = arith.constant 0 : i32
      %dma_start3A_82 = tpu.memref_slice %arg14[%add3A_78, %dma_start3A_81] : memref<10240x16xf32, #tpu.memory_space<vmem_shared>> -> memref<80x16xf32, #tpu.memory_space<vmem_shared>>
      %dma_start3A_83 = arith.constant 0 : i32
      %dma_start3A_84 = tpu.memref_slice %arg14[%add3A_78, %dma_start3A_83] : memref<10240x16xf32, #tpu.memory_space<vmem_shared>> -> memref<80x16xf32, #tpu.memory_space<vmem_shared>>
      tpu.enqueue_dma source(%dma_start3A_84 : memref<80x16xf32, #tpu.memory_space<vmem_shared>>) target(%arg12 : memref<80x16xf32, #tpu.memory_space<vmem>>) target_semaphore(%run_scoped3A : memref<!tpu.dma_semaphore, #tpu.memory_space<semaphore_mem>>)
      %dma_wait3A = arith.constant 0 : i32
      %dma_wait3A_85 = tpu.memref_slice %arg14[%add3A_78, %dma_wait3A] : memref<10240x16xf32, #tpu.memory_space<vmem_shared>> -> memref<80x16xf32, #tpu.memory_space<vmem_shared>>
      %dma_wait3A_86 = arith.constant 0 : i32
      %dma_wait3A_87 = tpu.memref_slice %arg14[%add3A_78, %dma_wait3A_86] : memref<10240x16xf32, #tpu.memory_space<vmem_shared>> -> memref<80x16xf32, #tpu.memory_space<vmem_shared>>
      tpu.wait_dma2 semaphore(%run_scoped3A : memref<!tpu.dma_semaphore, #tpu.memory_space<semaphore_mem>>) src(%dma_wait3A_87 : memref<80x16xf32, #tpu.memory_space<vmem_shared>>) dst(%arg12 : memref<80x16xf32, #tpu.memory_space<vmem>>)
      tpu.yield
    }) : () -> ()
    "tpu.region"() ({
      %run_scoped3A = tpu.sem_alloc : memref<!tpu.dma_semaphore, #tpu.memory_space<semaphore_mem>>
      %dma_start3A_81 = arith.constant 0 : i32
      %dma_start3A_82 = tpu.memref_slice %arg6[%arg0, %add3A_78, %dma_start3A_81] : memref<2x10240x16xf32, #tpu.memory_space<hbm>> -> memref<1x80x16xf32, #tpu.memory_space<hbm>>
      %dma_start3A_83 = tpu.memref_squeeze %dma_start3A_82 : memref<1x80x16xf32, #tpu.memory_space<hbm>> -> memref<80x16xf32, #tpu.memory_space<hbm>>
      %dma_start3A_84 = arith.constant 0 : i32
      %dma_start3A_85 = tpu.memref_slice %arg6[%arg0, %add3A_78, %dma_start3A_84] : memref<2x10240x16xf32, #tpu.memory_space<hbm>> -> memref<1x80x16xf32, #tpu.memory_space<hbm>>
      %dma_start3A_86 = tpu.memref_squeeze %dma_start3A_85 : memref<1x80x16xf32, #tpu.memory_space<hbm>> -> memref<80x16xf32, #tpu.memory_space<hbm>>
      tpu.enqueue_dma source(%arg12 : memref<80x16xf32, #tpu.memory_space<vmem>>) target(%dma_start3A_86 : memref<80x16xf32, #tpu.memory_space<hbm>>) target_semaphore(%run_scoped3A : memref<!tpu.dma_semaphore, #tpu.memory_space<semaphore_mem>>)
      %dma_wait3A = arith.constant 0 : i32
      %dma_wait3A_87 = tpu.memref_slice %arg6[%arg0, %add3A_78, %dma_wait3A] : memref<2x10240x16xf32, #tpu.memory_space<hbm>> -> memref<1x80x16xf32, #tpu.memory_space<hbm>>
      %dma_wait3A_88 = tpu.memref_squeeze %dma_wait3A_87 : memref<1x80x16xf32, #tpu.memory_space<hbm>> -> memref<80x16xf32, #tpu.memory_space<hbm>>
      %dma_wait3A_89 = arith.constant 0 : i32
      %dma_wait3A_90 = tpu.memref_slice %arg6[%arg0, %add3A_78, %dma_wait3A_89] : memref<2x10240x16xf32, #tpu.memory_space<hbm>> -> memref<1x80x16xf32, #tpu.memory_space<hbm>>
      %dma_wait3A_91 = tpu.memref_squeeze %dma_wait3A_90 : memref<1x80x16xf32, #tpu.memory_space<hbm>> -> memref<80x16xf32, #tpu.memory_space<hbm>>
      tpu.wait_dma2 semaphore(%run_scoped3A : memref<!tpu.dma_semaphore, #tpu.memory_space<semaphore_mem>>) src(%arg12 : memref<80x16xf32, #tpu.memory_space<vmem>>) dst(%dma_wait3A_91 : memref<80x16xf32, #tpu.memory_space<hbm>>)
      tpu.yield
    }) : () -> ()
    %add3A_79 = arith.constant 560 : i32
    %add3A_80 = arith.addi %mul3A_9, %add3A_79 : i32
    "tpu.region"() ({
      %run_scoped3A = tpu.sem_alloc : memref<!tpu.dma_semaphore, #tpu.memory_space<semaphore_mem>>
      %dma_start3A_81 = arith.constant 0 : i32
      %dma_start3A_82 = tpu.memref_slice %arg13[%add3A_80, %dma_start3A_81] : memref<10240x64xf32, #tpu.memory_space<vmem_shared>> -> memref<80x64xf32, #tpu.memory_space<vmem_shared>>
      %dma_start3A_83 = arith.constant 0 : i32
      %dma_start3A_84 = tpu.memref_slice %arg13[%add3A_80, %dma_start3A_83] : memref<10240x64xf32, #tpu.memory_space<vmem_shared>> -> memref<80x64xf32, #tpu.memory_space<vmem_shared>>
      tpu.enqueue_dma source(%dma_start3A_84 : memref<80x64xf32, #tpu.memory_space<vmem_shared>>) target(%arg9 : memref<80x64xf32, #tpu.memory_space<vmem>>) target_semaphore(%run_scoped3A : memref<!tpu.dma_semaphore, #tpu.memory_space<semaphore_mem>>)
      %dma_wait3A = arith.constant 0 : i32
      %dma_wait3A_85 = tpu.memref_slice %arg13[%add3A_80, %dma_wait3A] : memref<10240x64xf32, #tpu.memory_space<vmem_shared>> -> memref<80x64xf32, #tpu.memory_space<vmem_shared>>
      %dma_wait3A_86 = arith.constant 0 : i32
      %dma_wait3A_87 = tpu.memref_slice %arg13[%add3A_80, %dma_wait3A_86] : memref<10240x64xf32, #tpu.memory_space<vmem_shared>> -> memref<80x64xf32, #tpu.memory_space<vmem_shared>>
      tpu.wait_dma2 semaphore(%run_scoped3A : memref<!tpu.dma_semaphore, #tpu.memory_space<semaphore_mem>>) src(%dma_wait3A_87 : memref<80x64xf32, #tpu.memory_space<vmem_shared>>) dst(%arg9 : memref<80x64xf32, #tpu.memory_space<vmem>>)
      tpu.yield
    }) : () -> ()
    "tpu.region"() ({
      %run_scoped3A = tpu.sem_alloc : memref<!tpu.dma_semaphore, #tpu.memory_space<semaphore_mem>>
      %dma_start3A_81 = arith.constant 0 : i32
      %dma_start3A_82 = tpu.memref_slice %arg5[%arg0, %add3A_80, %dma_start3A_81] : memref<2x10240x64xf32, #tpu.memory_space<hbm>> -> memref<1x80x64xf32, #tpu.memory_space<hbm>>
      %dma_start3A_83 = tpu.memref_squeeze %dma_start3A_82 : memref<1x80x64xf32, #tpu.memory_space<hbm>> -> memref<80x64xf32, #tpu.memory_space<hbm>>
      %dma_start3A_84 = arith.constant 0 : i32
      %dma_start3A_85 = tpu.memref_slice %arg5[%arg0, %add3A_80, %dma_start3A_84] : memref<2x10240x64xf32, #tpu.memory_space<hbm>> -> memref<1x80x64xf32, #tpu.memory_space<hbm>>
      %dma_start3A_86 = tpu.memref_squeeze %dma_start3A_85 : memref<1x80x64xf32, #tpu.memory_space<hbm>> -> memref<80x64xf32, #tpu.memory_space<hbm>>
      tpu.enqueue_dma source(%arg9 : memref<80x64xf32, #tpu.memory_space<vmem>>) target(%dma_start3A_86 : memref<80x64xf32, #tpu.memory_space<hbm>>) target_semaphore(%run_scoped3A : memref<!tpu.dma_semaphore, #tpu.memory_space<semaphore_mem>>)
      %dma_wait3A = arith.constant 0 : i32
      %dma_wait3A_87 = tpu.memref_slice %arg5[%arg0, %add3A_80, %dma_wait3A] : memref<2x10240x64xf32, #tpu.memory_space<hbm>> -> memref<1x80x64xf32, #tpu.memory_space<hbm>>
      %dma_wait3A_88 = tpu.memref_squeeze %dma_wait3A_87 : memref<1x80x64xf32, #tpu.memory_space<hbm>> -> memref<80x64xf32, #tpu.memory_space<hbm>>
      %dma_wait3A_89 = arith.constant 0 : i32
      %dma_wait3A_90 = tpu.memref_slice %arg5[%arg0, %add3A_80, %dma_wait3A_89] : memref<2x10240x64xf32, #tpu.memory_space<hbm>> -> memref<1x80x64xf32, #tpu.memory_space<hbm>>
      %dma_wait3A_91 = tpu.memref_squeeze %dma_wait3A_90 : memref<1x80x64xf32, #tpu.memory_space<hbm>> -> memref<80x64xf32, #tpu.memory_space<hbm>>
      tpu.wait_dma2 semaphore(%run_scoped3A : memref<!tpu.dma_semaphore, #tpu.memory_space<semaphore_mem>>) src(%arg9 : memref<80x64xf32, #tpu.memory_space<vmem>>) dst(%dma_wait3A_91 : memref<80x64xf32, #tpu.memory_space<hbm>>)
      tpu.yield
    }) : () -> ()
    "tpu.region"() ({
      %run_scoped3A = tpu.sem_alloc : memref<!tpu.dma_semaphore, #tpu.memory_space<semaphore_mem>>
      %dma_start3A_81 = arith.constant 0 : i32
      %dma_start3A_82 = tpu.memref_slice %arg14[%add3A_80, %dma_start3A_81] : memref<10240x16xf32, #tpu.memory_space<vmem_shared>> -> memref<80x16xf32, #tpu.memory_space<vmem_shared>>
      %dma_start3A_83 = arith.constant 0 : i32
      %dma_start3A_84 = tpu.memref_slice %arg14[%add3A_80, %dma_start3A_83] : memref<10240x16xf32, #tpu.memory_space<vmem_shared>> -> memref<80x16xf32, #tpu.memory_space<vmem_shared>>
      tpu.enqueue_dma source(%dma_start3A_84 : memref<80x16xf32, #tpu.memory_space<vmem_shared>>) target(%arg12 : memref<80x16xf32, #tpu.memory_space<vmem>>) target_semaphore(%run_scoped3A : memref<!tpu.dma_semaphore, #tpu.memory_space<semaphore_mem>>)
      %dma_wait3A = arith.constant 0 : i32
      %dma_wait3A_85 = tpu.memref_slice %arg14[%add3A_80, %dma_wait3A] : memref<10240x16xf32, #tpu.memory_space<vmem_shared>> -> memref<80x16xf32, #tpu.memory_space<vmem_shared>>
      %dma_wait3A_86 = arith.constant 0 : i32
      %dma_wait3A_87 = tpu.memref_slice %arg14[%add3A_80, %dma_wait3A_86] : memref<10240x16xf32, #tpu.memory_space<vmem_shared>> -> memref<80x16xf32, #tpu.memory_space<vmem_shared>>
      tpu.wait_dma2 semaphore(%run_scoped3A : memref<!tpu.dma_semaphore, #tpu.memory_space<semaphore_mem>>) src(%dma_wait3A_87 : memref<80x16xf32, #tpu.memory_space<vmem_shared>>) dst(%arg12 : memref<80x16xf32, #tpu.memory_space<vmem>>)
      tpu.yield
    }) : () -> ()
    "tpu.region"() ({
      %run_scoped3A = tpu.sem_alloc : memref<!tpu.dma_semaphore, #tpu.memory_space<semaphore_mem>>
      %dma_start3A_81 = arith.constant 0 : i32
      %dma_start3A_82 = tpu.memref_slice %arg6[%arg0, %add3A_80, %dma_start3A_81] : memref<2x10240x16xf32, #tpu.memory_space<hbm>> -> memref<1x80x16xf32, #tpu.memory_space<hbm>>
      %dma_start3A_83 = tpu.memref_squeeze %dma_start3A_82 : memref<1x80x16xf32, #tpu.memory_space<hbm>> -> memref<80x16xf32, #tpu.memory_space<hbm>>
      %dma_start3A_84 = arith.constant 0 : i32
      %dma_start3A_85 = tpu.memref_slice %arg6[%arg0, %add3A_80, %dma_start3A_84] : memref<2x10240x16xf32, #tpu.memory_space<hbm>> -> memref<1x80x16xf32, #tpu.memory_space<hbm>>
      %dma_start3A_86 = tpu.memref_squeeze %dma_start3A_85 : memref<1x80x16xf32, #tpu.memory_space<hbm>> -> memref<80x16xf32, #tpu.memory_space<hbm>>
      tpu.enqueue_dma source(%arg12 : memref<80x16xf32, #tpu.memory_space<vmem>>) target(%dma_start3A_86 : memref<80x16xf32, #tpu.memory_space<hbm>>) target_semaphore(%run_scoped3A : memref<!tpu.dma_semaphore, #tpu.memory_space<semaphore_mem>>)
      %dma_wait3A = arith.constant 0 : i32
      %dma_wait3A_87 = tpu.memref_slice %arg6[%arg0, %add3A_80, %dma_wait3A] : memref<2x10240x16xf32, #tpu.memory_space<hbm>> -> memref<1x80x16xf32, #tpu.memory_space<hbm>>
      %dma_wait3A_88 = tpu.memref_squeeze %dma_wait3A_87 : memref<1x80x16xf32, #tpu.memory_space<hbm>> -> memref<80x16xf32, #tpu.memory_space<hbm>>
      %dma_wait3A_89 = arith.constant 0 : i32
      %dma_wait3A_90 = tpu.memref_slice %arg6[%arg0, %add3A_80, %dma_wait3A_89] : memref<2x10240x16xf32, #tpu.memory_space<hbm>> -> memref<1x80x16xf32, #tpu.memory_space<hbm>>
      %dma_wait3A_91 = tpu.memref_squeeze %dma_wait3A_90 : memref<1x80x16xf32, #tpu.memory_space<hbm>> -> memref<80x16xf32, #tpu.memory_space<hbm>>
      tpu.wait_dma2 semaphore(%run_scoped3A : memref<!tpu.dma_semaphore, #tpu.memory_space<semaphore_mem>>) src(%arg12 : memref<80x16xf32, #tpu.memory_space<vmem>>) dst(%dma_wait3A_91 : memref<80x16xf32, #tpu.memory_space<hbm>>)
      tpu.yield
    }) : () -> ()
    return
  }
}

#map = affine_map<(d0, d1) -> (0, 0)>
#map1 = affine_map<(d0, d1) -> (0, 0, 0)>
module attributes {stable_mosaic.version = 14 : i64} {
  func.func @body(%arg0: i32, %arg1: i32, %arg2: memref<10000x48xf32, #tpu.memory_space<hbm>>, %arg3: memref<32x125x80xi32, #tpu.memory_space<hbm>>, %arg4: memref<32x125x80xi32, #tpu.memory_space<hbm>>, %arg5: memref<2x10240x48xf32, #tpu.memory_space<hbm>>, %arg6: memref<125x80xi32, #tpu.memory_space<vmem>>, %arg7: memref<125x80xi32, #tpu.memory_space<vmem>>, %arg8: memref<80x48xf32, #tpu.memory_space<vmem>>, %arg9: memref<80x48xf32, #tpu.memory_space<vmem>>, %arg10: memref<10240x48xf32, #tpu.memory_space<vmem_shared>>, %arg11: memref<!tpu.dma_semaphore, #tpu.memory_space<semaphore_mem>>, %arg12: memref<!tpu.dma_semaphore, #tpu.memory_space<semaphore_mem>>) attributes {dimension_semantics = [#tpu.dimension_semantics<core_parallel>, #tpu.dimension_semantics<subcore_parallel>], iteration_bounds = array<i64: 2, 16>, scalar_prefetch = 0 : i64, scratch_operands = 7 : i64, tpu.core_type = #tpu.core_type<sc_vector_subcore>, window_params = [{transform_indices = #map}, {transform_indices = #map1}, {transform_indices = #map1}, {transform_indices = #map1}]} {
    %broadcast_in_dim3A = arith.constant 0.000000e+00 : f32
    %broadcast_in_dim3A_0 = vector.broadcast %broadcast_in_dim3A : f32 to vector<16xf32>
    %mul3A = arith.constant 16 : i32
    %mul3A_1 = arith.muli %arg0, %mul3A : i32
    %add3A = arith.addi %mul3A_1, %arg1 : i32
    %scan3A = arith.constant 0 : i32
    %scan3A_2 = arith.constant 0 : i32
    %scan3A_3 = arith.constant 80 : i32
    %scan3A_4 = arith.addi %scan3A_2, %scan3A_3 : i32
    %scan3A_5 = arith.constant 1 : i32
    %scan3A_6 = scf.for %scan3A_62 = %scan3A_2 to %scan3A_4 step %scan3A_5 iter_args(%scan3A_63 = %scan3A) -> (i32)  : i32 {
      %swap3A = arith.index_cast %scan3A_62 : i32 to index
      %swap3A_64 = arith.constant 0 : index
      %swap3A_65 = tpu.vector_load %arg8[%swap3A, %swap3A_64] {strides = array<i32>} : memref<80x48xf32, #tpu.memory_space<vmem>>, vector<1x16xf32>,
      %swap3A_66 = vector.shape_cast %swap3A_65 : vector<1x16xf32> to vector<16xf32>
      %swap3A_67 = vector.shape_cast %broadcast_in_dim3A_0 : vector<16xf32> to vector<1x16xf32>
      tpu.vector_store %arg8[%swap3A, %swap3A_64], %swap3A_67 {strides = array<i32>} : memref<80x48xf32, #tpu.memory_space<vmem>>, vector<1x16xf32>,
      %swap3A_68 = arith.index_cast %scan3A_62 : i32 to index
      %swap3A_69 = arith.constant 16 : index
      %swap3A_70 = tpu.vector_load %arg8[%swap3A_68, %swap3A_69] {strides = array<i32>} : memref<80x48xf32, #tpu.memory_space<vmem>>, vector<1x16xf32>,
      %swap3A_71 = vector.shape_cast %swap3A_70 : vector<1x16xf32> to vector<16xf32>
      %swap3A_72 = vector.shape_cast %broadcast_in_dim3A_0 : vector<16xf32> to vector<1x16xf32>
      tpu.vector_store %arg8[%swap3A_68, %swap3A_69], %swap3A_72 {strides = array<i32>} : memref<80x48xf32, #tpu.memory_space<vmem>>, vector<1x16xf32>,
      %swap3A_73 = arith.index_cast %scan3A_62 : i32 to index
      %swap3A_74 = arith.constant 32 : index
      %swap3A_75 = tpu.vector_load %arg8[%swap3A_73, %swap3A_74] {strides = array<i32>} : memref<80x48xf32, #tpu.memory_space<vmem>>, vector<1x16xf32>,
      %swap3A_76 = vector.shape_cast %swap3A_75 : vector<1x16xf32> to vector<16xf32>
      %swap3A_77 = vector.shape_cast %broadcast_in_dim3A_0 : vector<16xf32> to vector<1x16xf32>
      tpu.vector_store %arg8[%swap3A_73, %swap3A_74], %swap3A_77 {strides = array<i32>} : memref<80x48xf32, #tpu.memory_space<vmem>>, vector<1x16xf32>,
      %scan3A_78 = arith.constant 0 : i32
      scf.yield %scan3A_78 : i32
    }
    %scan3A_7 = arith.constant 80 : i32
    %mul3A_8 = arith.constant 640 : i32
    %mul3A_9 = arith.muli %arg1, %mul3A_8 : i32
    %add3A_10 = arith.constant 0 : i32
    %add3A_11 = arith.addi %mul3A_9, %add3A_10 : i32
    "tpu.region"() ({
      %run_scoped3A_62 = tpu.sem_alloc : memref<!tpu.dma_semaphore, #tpu.memory_space<semaphore_mem>>
      %dma_start3A_63 = arith.constant 0 : i32
      %dma_start3A_64 = tpu.memref_slice %arg10[%add3A_11, %dma_start3A_63] : memref<10240x48xf32, #tpu.memory_space<vmem_shared>> -> memref<80x48xf32, #tpu.memory_space<vmem_shared>>
      %dma_start3A_65 = arith.constant 0 : i32
      %dma_start3A_66 = tpu.memref_slice %arg10[%add3A_11, %dma_start3A_65] : memref<10240x48xf32, #tpu.memory_space<vmem_shared>> -> memref<80x48xf32, #tpu.memory_space<vmem_shared>>
      tpu.enqueue_dma source(%arg8 : memref<80x48xf32, #tpu.memory_space<vmem>>) target(%dma_start3A_66 : memref<80x48xf32, #tpu.memory_space<vmem_shared>>) target_semaphore(%run_scoped3A_62 : memref<!tpu.dma_semaphore, #tpu.memory_space<semaphore_mem>>)
      %dma_wait3A_67 = arith.constant 0 : i32
      %dma_wait3A_68 = tpu.memref_slice %arg10[%add3A_11, %dma_wait3A_67] : memref<10240x48xf32, #tpu.memory_space<vmem_shared>> -> memref<80x48xf32, #tpu.memory_space<vmem_shared>>
      %dma_wait3A_69 = arith.constant 0 : i32
      %dma_wait3A_70 = tpu.memref_slice %arg10[%add3A_11, %dma_wait3A_69] : memref<10240x48xf32, #tpu.memory_space<vmem_shared>> -> memref<80x48xf32, #tpu.memory_space<vmem_shared>>
      tpu.wait_dma2 semaphore(%run_scoped3A_62 : memref<!tpu.dma_semaphore, #tpu.memory_space<semaphore_mem>>) src(%arg8 : memref<80x48xf32, #tpu.memory_space<vmem>>) dst(%dma_wait3A_70 : memref<80x48xf32, #tpu.memory_space<vmem_shared>>)
      tpu.yield
    }) : () -> ()
    %add3A_12 = arith.constant 80 : i32
    %add3A_13 = arith.addi %mul3A_9, %add3A_12 : i32
    "tpu.region"() ({
      %run_scoped3A_62 = tpu.sem_alloc : memref<!tpu.dma_semaphore, #tpu.memory_space<semaphore_mem>>
      %dma_start3A_63 = arith.constant 0 : i32
      %dma_start3A_64 = tpu.memref_slice %arg10[%add3A_13, %dma_start3A_63] : memref<10240x48xf32, #tpu.memory_space<vmem_shared>> -> memref<80x48xf32, #tpu.memory_space<vmem_shared>>
      %dma_start3A_65 = arith.constant 0 : i32
      %dma_start3A_66 = tpu.memref_slice %arg10[%add3A_13, %dma_start3A_65] : memref<10240x48xf32, #tpu.memory_space<vmem_shared>> -> memref<80x48xf32, #tpu.memory_space<vmem_shared>>
      tpu.enqueue_dma source(%arg8 : memref<80x48xf32, #tpu.memory_space<vmem>>) target(%dma_start3A_66 : memref<80x48xf32, #tpu.memory_space<vmem_shared>>) target_semaphore(%run_scoped3A_62 : memref<!tpu.dma_semaphore, #tpu.memory_space<semaphore_mem>>)
      %dma_wait3A_67 = arith.constant 0 : i32
      %dma_wait3A_68 = tpu.memref_slice %arg10[%add3A_13, %dma_wait3A_67] : memref<10240x48xf32, #tpu.memory_space<vmem_shared>> -> memref<80x48xf32, #tpu.memory_space<vmem_shared>>
      %dma_wait3A_69 = arith.constant 0 : i32
      %dma_wait3A_70 = tpu.memref_slice %arg10[%add3A_13, %dma_wait3A_69] : memref<10240x48xf32, #tpu.memory_space<vmem_shared>> -> memref<80x48xf32, #tpu.memory_space<vmem_shared>>
      tpu.wait_dma2 semaphore(%run_scoped3A_62 : memref<!tpu.dma_semaphore, #tpu.memory_space<semaphore_mem>>) src(%arg8 : memref<80x48xf32, #tpu.memory_space<vmem>>) dst(%dma_wait3A_70 : memref<80x48xf32, #tpu.memory_space<vmem_shared>>)
      tpu.yield
    }) : () -> ()
    %add3A_14 = arith.constant 160 : i32
    %add3A_15 = arith.addi %mul3A_9, %add3A_14 : i32
    "tpu.region"() ({
      %run_scoped3A_62 = tpu.sem_alloc : memref<!tpu.dma_semaphore, #tpu.memory_space<semaphore_mem>>
      %dma_start3A_63 = arith.constant 0 : i32
      %dma_start3A_64 = tpu.memref_slice %arg10[%add3A_15, %dma_start3A_63] : memref<10240x48xf32, #tpu.memory_space<vmem_shared>> -> memref<80x48xf32, #tpu.memory_space<vmem_shared>>
      %dma_start3A_65 = arith.constant 0 : i32
      %dma_start3A_66 = tpu.memref_slice %arg10[%add3A_15, %dma_start3A_65] : memref<10240x48xf32, #tpu.memory_space<vmem_shared>> -> memref<80x48xf32, #tpu.memory_space<vmem_shared>>
      tpu.enqueue_dma source(%arg8 : memref<80x48xf32, #tpu.memory_space<vmem>>) target(%dma_start3A_66 : memref<80x48xf32, #tpu.memory_space<vmem_shared>>) target_semaphore(%run_scoped3A_62 : memref<!tpu.dma_semaphore, #tpu.memory_space<semaphore_mem>>)
      %dma_wait3A_67 = arith.constant 0 : i32
      %dma_wait3A_68 = tpu.memref_slice %arg10[%add3A_15, %dma_wait3A_67] : memref<10240x48xf32, #tpu.memory_space<vmem_shared>> -> memref<80x48xf32, #tpu.memory_space<vmem_shared>>
      %dma_wait3A_69 = arith.constant 0 : i32
      %dma_wait3A_70 = tpu.memref_slice %arg10[%add3A_15, %dma_wait3A_69] : memref<10240x48xf32, #tpu.memory_space<vmem_shared>> -> memref<80x48xf32, #tpu.memory_space<vmem_shared>>
      tpu.wait_dma2 semaphore(%run_scoped3A_62 : memref<!tpu.dma_semaphore, #tpu.memory_space<semaphore_mem>>) src(%arg8 : memref<80x48xf32, #tpu.memory_space<vmem>>) dst(%dma_wait3A_70 : memref<80x48xf32, #tpu.memory_space<vmem_shared>>)
      tpu.yield
    }) : () -> ()
    %add3A_16 = arith.constant 240 : i32
    %add3A_17 = arith.addi %mul3A_9, %add3A_16 : i32
    "tpu.region"() ({
      %run_scoped3A_62 = tpu.sem_alloc : memref<!tpu.dma_semaphore, #tpu.memory_space<semaphore_mem>>
      %dma_start3A_63 = arith.constant 0 : i32
      %dma_start3A_64 = tpu.memref_slice %arg10[%add3A_17, %dma_start3A_63] : memref<10240x48xf32, #tpu.memory_space<vmem_shared>> -> memref<80x48xf32, #tpu.memory_space<vmem_shared>>
      %dma_start3A_65 = arith.constant 0 : i32
      %dma_start3A_66 = tpu.memref_slice %arg10[%add3A_17, %dma_start3A_65] : memref<10240x48xf32, #tpu.memory_space<vmem_shared>> -> memref<80x48xf32, #tpu.memory_space<vmem_shared>>
      tpu.enqueue_dma source(%arg8 : memref<80x48xf32, #tpu.memory_space<vmem>>) target(%dma_start3A_66 : memref<80x48xf32, #tpu.memory_space<vmem_shared>>) target_semaphore(%run_scoped3A_62 : memref<!tpu.dma_semaphore, #tpu.memory_space<semaphore_mem>>)
      %dma_wait3A_67 = arith.constant 0 : i32
      %dma_wait3A_68 = tpu.memref_slice %arg10[%add3A_17, %dma_wait3A_67] : memref<10240x48xf32, #tpu.memory_space<vmem_shared>> -> memref<80x48xf32, #tpu.memory_space<vmem_shared>>
      %dma_wait3A_69 = arith.constant 0 : i32
      %dma_wait3A_70 = tpu.memref_slice %arg10[%add3A_17, %dma_wait3A_69] : memref<10240x48xf32, #tpu.memory_space<vmem_shared>> -> memref<80x48xf32, #tpu.memory_space<vmem_shared>>
      tpu.wait_dma2 semaphore(%run_scoped3A_62 : memref<!tpu.dma_semaphore, #tpu.memory_space<semaphore_mem>>) src(%arg8 : memref<80x48xf32, #tpu.memory_space<vmem>>) dst(%dma_wait3A_70 : memref<80x48xf32, #tpu.memory_space<vmem_shared>>)
      tpu.yield
    }) : () -> ()
    %add3A_18 = arith.constant 320 : i32
    %add3A_19 = arith.addi %mul3A_9, %add3A_18 : i32
    "tpu.region"() ({
      %run_scoped3A_62 = tpu.sem_alloc : memref<!tpu.dma_semaphore, #tpu.memory_space<semaphore_mem>>
      %dma_start3A_63 = arith.constant 0 : i32
      %dma_start3A_64 = tpu.memref_slice %arg10[%add3A_19, %dma_start3A_63] : memref<10240x48xf32, #tpu.memory_space<vmem_shared>> -> memref<80x48xf32, #tpu.memory_space<vmem_shared>>
      %dma_start3A_65 = arith.constant 0 : i32
      %dma_start3A_66 = tpu.memref_slice %arg10[%add3A_19, %dma_start3A_65] : memref<10240x48xf32, #tpu.memory_space<vmem_shared>> -> memref<80x48xf32, #tpu.memory_space<vmem_shared>>
      tpu.enqueue_dma source(%arg8 : memref<80x48xf32, #tpu.memory_space<vmem>>) target(%dma_start3A_66 : memref<80x48xf32, #tpu.memory_space<vmem_shared>>) target_semaphore(%run_scoped3A_62 : memref<!tpu.dma_semaphore, #tpu.memory_space<semaphore_mem>>)
      %dma_wait3A_67 = arith.constant 0 : i32
      %dma_wait3A_68 = tpu.memref_slice %arg10[%add3A_19, %dma_wait3A_67] : memref<10240x48xf32, #tpu.memory_space<vmem_shared>> -> memref<80x48xf32, #tpu.memory_space<vmem_shared>>
      %dma_wait3A_69 = arith.constant 0 : i32
      %dma_wait3A_70 = tpu.memref_slice %arg10[%add3A_19, %dma_wait3A_69] : memref<10240x48xf32, #tpu.memory_space<vmem_shared>> -> memref<80x48xf32, #tpu.memory_space<vmem_shared>>
      tpu.wait_dma2 semaphore(%run_scoped3A_62 : memref<!tpu.dma_semaphore, #tpu.memory_space<semaphore_mem>>) src(%arg8 : memref<80x48xf32, #tpu.memory_space<vmem>>) dst(%dma_wait3A_70 : memref<80x48xf32, #tpu.memory_space<vmem_shared>>)
      tpu.yield
    }) : () -> ()
    %add3A_20 = arith.constant 400 : i32
    %add3A_21 = arith.addi %mul3A_9, %add3A_20 : i32
    "tpu.region"() ({
      %run_scoped3A_62 = tpu.sem_alloc : memref<!tpu.dma_semaphore, #tpu.memory_space<semaphore_mem>>
      %dma_start3A_63 = arith.constant 0 : i32
      %dma_start3A_64 = tpu.memref_slice %arg10[%add3A_21, %dma_start3A_63] : memref<10240x48xf32, #tpu.memory_space<vmem_shared>> -> memref<80x48xf32, #tpu.memory_space<vmem_shared>>
      %dma_start3A_65 = arith.constant 0 : i32
      %dma_start3A_66 = tpu.memref_slice %arg10[%add3A_21, %dma_start3A_65] : memref<10240x48xf32, #tpu.memory_space<vmem_shared>> -> memref<80x48xf32, #tpu.memory_space<vmem_shared>>
      tpu.enqueue_dma source(%arg8 : memref<80x48xf32, #tpu.memory_space<vmem>>) target(%dma_start3A_66 : memref<80x48xf32, #tpu.memory_space<vmem_shared>>) target_semaphore(%run_scoped3A_62 : memref<!tpu.dma_semaphore, #tpu.memory_space<semaphore_mem>>)
      %dma_wait3A_67 = arith.constant 0 : i32
      %dma_wait3A_68 = tpu.memref_slice %arg10[%add3A_21, %dma_wait3A_67] : memref<10240x48xf32, #tpu.memory_space<vmem_shared>> -> memref<80x48xf32, #tpu.memory_space<vmem_shared>>
      %dma_wait3A_69 = arith.constant 0 : i32
      %dma_wait3A_70 = tpu.memref_slice %arg10[%add3A_21, %dma_wait3A_69] : memref<10240x48xf32, #tpu.memory_space<vmem_shared>> -> memref<80x48xf32, #tpu.memory_space<vmem_shared>>
      tpu.wait_dma2 semaphore(%run_scoped3A_62 : memref<!tpu.dma_semaphore, #tpu.memory_space<semaphore_mem>>) src(%arg8 : memref<80x48xf32, #tpu.memory_space<vmem>>) dst(%dma_wait3A_70 : memref<80x48xf32, #tpu.memory_space<vmem_shared>>)
      tpu.yield
    }) : () -> ()
    %add3A_22 = arith.constant 480 : i32
    %add3A_23 = arith.addi %mul3A_9, %add3A_22 : i32
    "tpu.region"() ({
      %run_scoped3A_62 = tpu.sem_alloc : memref<!tpu.dma_semaphore, #tpu.memory_space<semaphore_mem>>
      %dma_start3A_63 = arith.constant 0 : i32
      %dma_start3A_64 = tpu.memref_slice %arg10[%add3A_23, %dma_start3A_63] : memref<10240x48xf32, #tpu.memory_space<vmem_shared>> -> memref<80x48xf32, #tpu.memory_space<vmem_shared>>
      %dma_start3A_65 = arith.constant 0 : i32
      %dma_start3A_66 = tpu.memref_slice %arg10[%add3A_23, %dma_start3A_65] : memref<10240x48xf32, #tpu.memory_space<vmem_shared>> -> memref<80x48xf32, #tpu.memory_space<vmem_shared>>
      tpu.enqueue_dma source(%arg8 : memref<80x48xf32, #tpu.memory_space<vmem>>) target(%dma_start3A_66 : memref<80x48xf32, #tpu.memory_space<vmem_shared>>) target_semaphore(%run_scoped3A_62 : memref<!tpu.dma_semaphore, #tpu.memory_space<semaphore_mem>>)
      %dma_wait3A_67 = arith.constant 0 : i32
      %dma_wait3A_68 = tpu.memref_slice %arg10[%add3A_23, %dma_wait3A_67] : memref<10240x48xf32, #tpu.memory_space<vmem_shared>> -> memref<80x48xf32, #tpu.memory_space<vmem_shared>>
      %dma_wait3A_69 = arith.constant 0 : i32
      %dma_wait3A_70 = tpu.memref_slice %arg10[%add3A_23, %dma_wait3A_69] : memref<10240x48xf32, #tpu.memory_space<vmem_shared>> -> memref<80x48xf32, #tpu.memory_space<vmem_shared>>
      tpu.wait_dma2 semaphore(%run_scoped3A_62 : memref<!tpu.dma_semaphore, #tpu.memory_space<semaphore_mem>>) src(%arg8 : memref<80x48xf32, #tpu.memory_space<vmem>>) dst(%dma_wait3A_70 : memref<80x48xf32, #tpu.memory_space<vmem_shared>>)
      tpu.yield
    }) : () -> ()
    %add3A_24 = arith.constant 560 : i32
    %add3A_25 = arith.addi %mul3A_9, %add3A_24 : i32
    "tpu.region"() ({
      %run_scoped3A_62 = tpu.sem_alloc : memref<!tpu.dma_semaphore, #tpu.memory_space<semaphore_mem>>
      %dma_start3A_63 = arith.constant 0 : i32
      %dma_start3A_64 = tpu.memref_slice %arg10[%add3A_25, %dma_start3A_63] : memref<10240x48xf32, #tpu.memory_space<vmem_shared>> -> memref<80x48xf32, #tpu.memory_space<vmem_shared>>
      %dma_start3A_65 = arith.constant 0 : i32
      %dma_start3A_66 = tpu.memref_slice %arg10[%add3A_25, %dma_start3A_65] : memref<10240x48xf32, #tpu.memory_space<vmem_shared>> -> memref<80x48xf32, #tpu.memory_space<vmem_shared>>
      tpu.enqueue_dma source(%arg8 : memref<80x48xf32, #tpu.memory_space<vmem>>) target(%dma_start3A_66 : memref<80x48xf32, #tpu.memory_space<vmem_shared>>) target_semaphore(%run_scoped3A_62 : memref<!tpu.dma_semaphore, #tpu.memory_space<semaphore_mem>>)
      %dma_wait3A_67 = arith.constant 0 : i32
      %dma_wait3A_68 = tpu.memref_slice %arg10[%add3A_25, %dma_wait3A_67] : memref<10240x48xf32, #tpu.memory_space<vmem_shared>> -> memref<80x48xf32, #tpu.memory_space<vmem_shared>>
      %dma_wait3A_69 = arith.constant 0 : i32
      %dma_wait3A_70 = tpu.memref_slice %arg10[%add3A_25, %dma_wait3A_69] : memref<10240x48xf32, #tpu.memory_space<vmem_shared>> -> memref<80x48xf32, #tpu.memory_space<vmem_shared>>
      tpu.wait_dma2 semaphore(%run_scoped3A_62 : memref<!tpu.dma_semaphore, #tpu.memory_space<semaphore_mem>>) src(%arg8 : memref<80x48xf32, #tpu.memory_space<vmem>>) dst(%dma_wait3A_70 : memref<80x48xf32, #tpu.memory_space<vmem_shared>>)
      tpu.yield
    }) : () -> ()
    %barrier3A = arith.constant 0 : index
    tpu.barrier barrier_id(%barrier3A)
    "tpu.region"() ({
      %run_scoped3A_62 = tpu.sem_alloc : memref<!tpu.dma_semaphore, #tpu.memory_space<semaphore_mem>>
      %dma_start3A_63 = arith.constant 0 : i32
      %dma_start3A_64 = arith.constant 0 : i32
      %dma_start3A_65 = tpu.memref_slice %arg3[%add3A, %dma_start3A_63, %dma_start3A_64] : memref<32x125x80xi32, #tpu.memory_space<hbm>> -> memref<1x125x80xi32, #tpu.memory_space<hbm>>
      %dma_start3A_66 = tpu.memref_squeeze %dma_start3A_65 : memref<1x125x80xi32, #tpu.memory_space<hbm>> -> memref<125x80xi32, #tpu.memory_space<hbm>>
      %dma_start3A_67 = arith.constant 0 : i32
      %dma_start3A_68 = arith.constant 0 : i32
      %dma_start3A_69 = tpu.memref_slice %arg3[%add3A, %dma_start3A_67, %dma_start3A_68] : memref<32x125x80xi32, #tpu.memory_space<hbm>> -> memref<1x125x80xi32, #tpu.memory_space<hbm>>
      %dma_start3A_70 = tpu.memref_squeeze %dma_start3A_69 : memref<1x125x80xi32, #tpu.memory_space<hbm>> -> memref<125x80xi32, #tpu.memory_space<hbm>>
      tpu.enqueue_dma source(%dma_start3A_70 : memref<125x80xi32, #tpu.memory_space<hbm>>) target(%arg6 : memref<125x80xi32, #tpu.memory_space<vmem>>) target_semaphore(%run_scoped3A_62 : memref<!tpu.dma_semaphore, #tpu.memory_space<semaphore_mem>>)
      %dma_wait3A_71 = arith.constant 0 : i32
      %dma_wait3A_72 = arith.constant 0 : i32
      %dma_wait3A_73 = tpu.memref_slice %arg3[%add3A, %dma_wait3A_71, %dma_wait3A_72] : memref<32x125x80xi32, #tpu.memory_space<hbm>> -> memref<1x125x80xi32, #tpu.memory_space<hbm>>
      %dma_wait3A_74 = tpu.memref_squeeze %dma_wait3A_73 : memref<1x125x80xi32, #tpu.memory_space<hbm>> -> memref<125x80xi32, #tpu.memory_space<hbm>>
      %dma_wait3A_75 = arith.constant 0 : i32
      %dma_wait3A_76 = arith.constant 0 : i32
      %dma_wait3A_77 = tpu.memref_slice %arg3[%add3A, %dma_wait3A_75, %dma_wait3A_76] : memref<32x125x80xi32, #tpu.memory_space<hbm>> -> memref<1x125x80xi32, #tpu.memory_space<hbm>>
      %dma_wait3A_78 = tpu.memref_squeeze %dma_wait3A_77 : memref<1x125x80xi32, #tpu.memory_space<hbm>> -> memref<125x80xi32, #tpu.memory_space<hbm>>
      tpu.wait_dma2 semaphore(%run_scoped3A_62 : memref<!tpu.dma_semaphore, #tpu.memory_space<semaphore_mem>>) src(%dma_wait3A_78 : memref<125x80xi32, #tpu.memory_space<hbm>>) dst(%arg6 : memref<125x80xi32, #tpu.memory_space<vmem>>)
      tpu.yield
    }) : () -> ()
    "tpu.region"() ({
      %run_scoped3A_62 = tpu.sem_alloc : memref<!tpu.dma_semaphore, #tpu.memory_space<semaphore_mem>>
      %dma_start3A_63 = arith.constant 0 : i32
      %dma_start3A_64 = arith.constant 0 : i32
      %dma_start3A_65 = tpu.memref_slice %arg4[%add3A, %dma_start3A_63, %dma_start3A_64] : memref<32x125x80xi32, #tpu.memory_space<hbm>> -> memref<1x125x80xi32, #tpu.memory_space<hbm>>
      %dma_start3A_66 = tpu.memref_squeeze %dma_start3A_65 : memref<1x125x80xi32, #tpu.memory_space<hbm>> -> memref<125x80xi32, #tpu.memory_space<hbm>>
      %dma_start3A_67 = arith.constant 0 : i32
      %dma_start3A_68 = arith.constant 0 : i32
      %dma_start3A_69 = tpu.memref_slice %arg4[%add3A, %dma_start3A_67, %dma_start3A_68] : memref<32x125x80xi32, #tpu.memory_space<hbm>> -> memref<1x125x80xi32, #tpu.memory_space<hbm>>
      %dma_start3A_70 = tpu.memref_squeeze %dma_start3A_69 : memref<1x125x80xi32, #tpu.memory_space<hbm>> -> memref<125x80xi32, #tpu.memory_space<hbm>>
      tpu.enqueue_dma source(%dma_start3A_70 : memref<125x80xi32, #tpu.memory_space<hbm>>) target(%arg7 : memref<125x80xi32, #tpu.memory_space<vmem>>) target_semaphore(%run_scoped3A_62 : memref<!tpu.dma_semaphore, #tpu.memory_space<semaphore_mem>>)
      %dma_wait3A_71 = arith.constant 0 : i32
      %dma_wait3A_72 = arith.constant 0 : i32
      %dma_wait3A_73 = tpu.memref_slice %arg4[%add3A, %dma_wait3A_71, %dma_wait3A_72] : memref<32x125x80xi32, #tpu.memory_space<hbm>> -> memref<1x125x80xi32, #tpu.memory_space<hbm>>
      %dma_wait3A_74 = tpu.memref_squeeze %dma_wait3A_73 : memref<1x125x80xi32, #tpu.memory_space<hbm>> -> memref<125x80xi32, #tpu.memory_space<hbm>>
      %dma_wait3A_75 = arith.constant 0 : i32
      %dma_wait3A_76 = arith.constant 0 : i32
      %dma_wait3A_77 = tpu.memref_slice %arg4[%add3A, %dma_wait3A_75, %dma_wait3A_76] : memref<32x125x80xi32, #tpu.memory_space<hbm>> -> memref<1x125x80xi32, #tpu.memory_space<hbm>>
      %dma_wait3A_78 = tpu.memref_squeeze %dma_wait3A_77 : memref<1x125x80xi32, #tpu.memory_space<hbm>> -> memref<125x80xi32, #tpu.memory_space<hbm>>
      tpu.wait_dma2 semaphore(%run_scoped3A_62 : memref<!tpu.dma_semaphore, #tpu.memory_space<semaphore_mem>>) src(%dma_wait3A_78 : memref<125x80xi32, #tpu.memory_space<hbm>>) dst(%arg7 : memref<125x80xi32, #tpu.memory_space<vmem>>)
      tpu.yield
    }) : () -> ()
    %dma_start3A = arith.constant 0 : i32
    %dma_start3A_26 = arith.constant 0 : i32
    %dma_start3A_27 = tpu.memref_slice %arg6[%dma_start3A, %dma_start3A_26] : memref<125x80xi32, #tpu.memory_space<vmem>> -> memref<1x80xi32, #tpu.memory_space<vmem>>
    %dma_start3A_28 = tpu.memref_squeeze %dma_start3A_27 : memref<1x80xi32, #tpu.memory_space<vmem>> -> memref<80xi32, #tpu.memory_space<vmem>>
    %dma_start3A_29 = arith.constant 0 : i32
    %dma_start3A_30 = arith.constant 0 : i32
    %dma_start3A_31 = tpu.memref_slice %arg2[%dma_start3A_29, %dma_start3A_30] : memref<10000x48xf32, #tpu.memory_space<hbm>> -> memref<10000x48xf32, #tpu.memory_space<hbm>>
    tpu.enqueue_indirect_dma source(%dma_start3A_31 : memref<10000x48xf32, #tpu.memory_space<hbm>>) target(%arg8 : memref<80x48xf32, #tpu.memory_space<vmem>>) offsets(%dma_start3A_28 : memref<80xi32, #tpu.memory_space<vmem>>) semaphore(%arg11 : memref<!tpu.dma_semaphore, #tpu.memory_space<semaphore_mem>>)
    %scan3A_32 = arith.constant 0 : i32
    %scan3A_33 = arith.constant 0 : i32
    %scan3A_34 = arith.constant 62 : i32
    %scan3A_35 = arith.addi %scan3A_33, %scan3A_34 : i32
    %scan3A_36 = arith.constant 1 : i32
    %scan3A_37 = scf.for %scan3A_62 = %scan3A_33 to %scan3A_35 step %scan3A_36 iter_args(%scan3A_63 = %scan3A_32) -> (i32)  : i32 {
      %mul3A_64 = arith.constant 2 : i32
      %mul3A_65 = arith.muli %mul3A_64, %scan3A_62 : i32
      %dma_wait3A_66 = arith.constant 0 : i32
      %dma_wait3A_67 = tpu.memref_slice %arg6[%mul3A_65, %dma_wait3A_66] : memref<125x80xi32, #tpu.memory_space<vmem>> -> memref<1x80xi32, #tpu.memory_space<vmem>>
      %dma_wait3A_68 = tpu.memref_squeeze %dma_wait3A_67 : memref<1x80xi32, #tpu.memory_space<vmem>> -> memref<80xi32, #tpu.memory_space<vmem>>
      %dma_wait3A_69 = arith.constant 0 : i32
      %dma_wait3A_70 = arith.constant 0 : i32
      %dma_wait3A_71 = tpu.memref_slice %arg2[%dma_wait3A_69, %dma_wait3A_70] : memref<10000x48xf32, #tpu.memory_space<hbm>> -> memref<10000x48xf32, #tpu.memory_space<hbm>>
      tpu.wait_indirect_dma semaphore(%arg11 : memref<!tpu.dma_semaphore, #tpu.memory_space<semaphore_mem>>) src(%dma_wait3A_71 : memref<10000x48xf32, #tpu.memory_space<hbm>>) dst(%arg8 : memref<80x48xf32, #tpu.memory_space<vmem>>)
      %add3A_72 = arith.constant 1 : i32
      %add3A_73 = arith.addi %mul3A_65, %add3A_72 : i32
      %dma_start3A_74 = arith.constant 0 : i32
      %dma_start3A_75 = tpu.memref_slice %arg6[%add3A_73, %dma_start3A_74] : memref<125x80xi32, #tpu.memory_space<vmem>> -> memref<1x80xi32, #tpu.memory_space<vmem>>
      %dma_start3A_76 = tpu.memref_squeeze %dma_start3A_75 : memref<1x80xi32, #tpu.memory_space<vmem>> -> memref<80xi32, #tpu.memory_space<vmem>>
      %dma_start3A_77 = arith.constant 0 : i32
      %dma_start3A_78 = arith.constant 0 : i32
      %dma_start3A_79 = tpu.memref_slice %arg2[%dma_start3A_77, %dma_start3A_78] : memref<10000x48xf32, #tpu.memory_space<hbm>> -> memref<10000x48xf32, #tpu.memory_space<hbm>>
      tpu.enqueue_indirect_dma source(%dma_start3A_79 : memref<10000x48xf32, #tpu.memory_space<hbm>>) target(%arg9 : memref<80x48xf32, #tpu.memory_space<vmem>>) offsets(%dma_start3A_76 : memref<80xi32, #tpu.memory_space<vmem>>) semaphore(%arg12 : memref<!tpu.dma_semaphore, #tpu.memory_space<semaphore_mem>>)
      "tpu.region"() ({
        %run_scoped3A_99 = tpu.sem_alloc : memref<!tpu.dma_semaphore, #tpu.memory_space<semaphore_mem>>
        %dma_start3A_100 = arith.constant 0 : i32
        %dma_start3A_101 = tpu.memref_slice %arg7[%mul3A_65, %dma_start3A_100] : memref<125x80xi32, #tpu.memory_space<vmem>> -> memref<1x80xi32, #tpu.memory_space<vmem>>
        %dma_start3A_102 = tpu.memref_squeeze %dma_start3A_101 : memref<1x80xi32, #tpu.memory_space<vmem>> -> memref<80xi32, #tpu.memory_space<vmem>>
        %dma_start3A_103 = arith.constant 0 : i32
        %dma_start3A_104 = arith.constant 0 : i32
        %dma_start3A_105 = tpu.memref_slice %arg10[%dma_start3A_103, %dma_start3A_104] : memref<10240x48xf32, #tpu.memory_space<vmem_shared>> -> memref<10240x48xf32, #tpu.memory_space<vmem_shared>>
        tpu.enqueue_indirect_dma source(%arg8 : memref<80x48xf32, #tpu.memory_space<vmem>>) target(%dma_start3A_105 : memref<10240x48xf32, #tpu.memory_space<vmem_shared>>) offsets(%dma_start3A_102 : memref<80xi32, #tpu.memory_space<vmem>>) semaphore(%run_scoped3A_99 : memref<!tpu.dma_semaphore, #tpu.memory_space<semaphore_mem>>) {add = true}
        %dma_wait3A_106 = arith.constant 0 : i32
        %dma_wait3A_107 = tpu.memref_slice %arg7[%mul3A_65, %dma_wait3A_106] : memref<125x80xi32, #tpu.memory_space<vmem>> -> memref<1x80xi32, #tpu.memory_space<vmem>>
        %dma_wait3A_108 = tpu.memref_squeeze %dma_wait3A_107 : memref<1x80xi32, #tpu.memory_space<vmem>> -> memref<80xi32, #tpu.memory_space<vmem>>
        %dma_wait3A_109 = arith.constant 0 : i32
        %dma_wait3A_110 = arith.constant 0 : i32
        %dma_wait3A_111 = tpu.memref_slice %arg10[%dma_wait3A_109, %dma_wait3A_110] : memref<10240x48xf32, #tpu.memory_space<vmem_shared>> -> memref<10240x48xf32, #tpu.memory_space<vmem_shared>>
        tpu.wait_indirect_dma semaphore(%run_scoped3A_99 : memref<!tpu.dma_semaphore, #tpu.memory_space<semaphore_mem>>) src(%arg8 : memref<80x48xf32, #tpu.memory_space<vmem>>) dst(%dma_wait3A_111 : memref<10240x48xf32, #tpu.memory_space<vmem_shared>>)
        tpu.yield
      }) : () -> ()
      %add3A_80 = arith.constant 1 : i32
      %add3A_81 = arith.addi %mul3A_65, %add3A_80 : i32
      %dma_wait3A_82 = arith.constant 0 : i32
      %dma_wait3A_83 = tpu.memref_slice %arg6[%add3A_81, %dma_wait3A_82] : memref<125x80xi32, #tpu.memory_space<vmem>> -> memref<1x80xi32, #tpu.memory_space<vmem>>
      %dma_wait3A_84 = tpu.memref_squeeze %dma_wait3A_83 : memref<1x80xi32, #tpu.memory_space<vmem>> -> memref<80xi32, #tpu.memory_space<vmem>>
      %dma_wait3A_85 = arith.constant 0 : i32
      %dma_wait3A_86 = arith.constant 0 : i32
      %dma_wait3A_87 = tpu.memref_slice %arg2[%dma_wait3A_85, %dma_wait3A_86] : memref<10000x48xf32, #tpu.memory_space<hbm>> -> memref<10000x48xf32, #tpu.memory_space<hbm>>
      tpu.wait_indirect_dma semaphore(%arg12 : memref<!tpu.dma_semaphore, #tpu.memory_space<semaphore_mem>>) src(%dma_wait3A_87 : memref<10000x48xf32, #tpu.memory_space<hbm>>) dst(%arg9 : memref<80x48xf32, #tpu.memory_space<vmem>>)
      %add3A_88 = arith.constant 2 : i32
      %add3A_89 = arith.addi %mul3A_65, %add3A_88 : i32
      %dma_start3A_90 = arith.constant 0 : i32
      %dma_start3A_91 = tpu.memref_slice %arg6[%add3A_89, %dma_start3A_90] : memref<125x80xi32, #tpu.memory_space<vmem>> -> memref<1x80xi32, #tpu.memory_space<vmem>>
      %dma_start3A_92 = tpu.memref_squeeze %dma_start3A_91 : memref<1x80xi32, #tpu.memory_space<vmem>> -> memref<80xi32, #tpu.memory_space<vmem>>
      %dma_start3A_93 = arith.constant 0 : i32
      %dma_start3A_94 = arith.constant 0 : i32
      %dma_start3A_95 = tpu.memref_slice %arg2[%dma_start3A_93, %dma_start3A_94] : memref<10000x48xf32, #tpu.memory_space<hbm>> -> memref<10000x48xf32, #tpu.memory_space<hbm>>
      tpu.enqueue_indirect_dma source(%dma_start3A_95 : memref<10000x48xf32, #tpu.memory_space<hbm>>) target(%arg8 : memref<80x48xf32, #tpu.memory_space<vmem>>) offsets(%dma_start3A_92 : memref<80xi32, #tpu.memory_space<vmem>>) semaphore(%arg11 : memref<!tpu.dma_semaphore, #tpu.memory_space<semaphore_mem>>)
      %add3A_96 = arith.constant 1 : i32
      %add3A_97 = arith.addi %mul3A_65, %add3A_96 : i32
      "tpu.region"() ({
        %run_scoped3A_99 = tpu.sem_alloc : memref<!tpu.dma_semaphore, #tpu.memory_space<semaphore_mem>>
        %dma_start3A_100 = arith.constant 0 : i32
        %dma_start3A_101 = tpu.memref_slice %arg7[%add3A_97, %dma_start3A_100] : memref<125x80xi32, #tpu.memory_space<vmem>> -> memref<1x80xi32, #tpu.memory_space<vmem>>
        %dma_start3A_102 = tpu.memref_squeeze %dma_start3A_101 : memref<1x80xi32, #tpu.memory_space<vmem>> -> memref<80xi32, #tpu.memory_space<vmem>>
        %dma_start3A_103 = arith.constant 0 : i32
        %dma_start3A_104 = arith.constant 0 : i32
        %dma_start3A_105 = tpu.memref_slice %arg10[%dma_start3A_103, %dma_start3A_104] : memref<10240x48xf32, #tpu.memory_space<vmem_shared>> -> memref<10240x48xf32, #tpu.memory_space<vmem_shared>>
        tpu.enqueue_indirect_dma source(%arg9 : memref<80x48xf32, #tpu.memory_space<vmem>>) target(%dma_start3A_105 : memref<10240x48xf32, #tpu.memory_space<vmem_shared>>) offsets(%dma_start3A_102 : memref<80xi32, #tpu.memory_space<vmem>>) semaphore(%run_scoped3A_99 : memref<!tpu.dma_semaphore, #tpu.memory_space<semaphore_mem>>) {add = true}
        %dma_wait3A_106 = arith.constant 0 : i32
        %dma_wait3A_107 = tpu.memref_slice %arg7[%add3A_97, %dma_wait3A_106] : memref<125x80xi32, #tpu.memory_space<vmem>> -> memref<1x80xi32, #tpu.memory_space<vmem>>
        %dma_wait3A_108 = tpu.memref_squeeze %dma_wait3A_107 : memref<1x80xi32, #tpu.memory_space<vmem>> -> memref<80xi32, #tpu.memory_space<vmem>>
        %dma_wait3A_109 = arith.constant 0 : i32
        %dma_wait3A_110 = arith.constant 0 : i32
        %dma_wait3A_111 = tpu.memref_slice %arg10[%dma_wait3A_109, %dma_wait3A_110] : memref<10240x48xf32, #tpu.memory_space<vmem_shared>> -> memref<10240x48xf32, #tpu.memory_space<vmem_shared>>
        tpu.wait_indirect_dma semaphore(%run_scoped3A_99 : memref<!tpu.dma_semaphore, #tpu.memory_space<semaphore_mem>>) src(%arg9 : memref<80x48xf32, #tpu.memory_space<vmem>>) dst(%dma_wait3A_111 : memref<10240x48xf32, #tpu.memory_space<vmem_shared>>)
        tpu.yield
      }) : () -> ()
      %scan3A_98 = arith.constant 0 : i32
      scf.yield %scan3A_98 : i32
    }
    %scan3A_38 = arith.constant 62 : i32
    %dma_wait3A = arith.constant 124 : i32
    %dma_wait3A_39 = arith.constant 0 : i32
    %dma_wait3A_40 = tpu.memref_slice %arg6[%dma_wait3A, %dma_wait3A_39] : memref<125x80xi32, #tpu.memory_space<vmem>> -> memref<1x80xi32, #tpu.memory_space<vmem>>
    %dma_wait3A_41 = tpu.memref_squeeze %dma_wait3A_40 : memref<1x80xi32, #tpu.memory_space<vmem>> -> memref<80xi32, #tpu.memory_space<vmem>>
    %dma_wait3A_42 = arith.constant 0 : i32
    %dma_wait3A_43 = arith.constant 0 : i32
    %dma_wait3A_44 = tpu.memref_slice %arg2[%dma_wait3A_42, %dma_wait3A_43] : memref<10000x48xf32, #tpu.memory_space<hbm>> -> memref<10000x48xf32, #tpu.memory_space<hbm>>
    tpu.wait_indirect_dma semaphore(%arg11 : memref<!tpu.dma_semaphore, #tpu.memory_space<semaphore_mem>>) src(%dma_wait3A_44 : memref<10000x48xf32, #tpu.memory_space<hbm>>) dst(%arg8 : memref<80x48xf32, #tpu.memory_space<vmem>>)
    %run_scoped3A = arith.constant 124 : i32
    "tpu.region"() ({
      %run_scoped3A_62 = tpu.sem_alloc : memref<!tpu.dma_semaphore, #tpu.memory_space<semaphore_mem>>
      %dma_start3A_63 = arith.constant 0 : i32
      %dma_start3A_64 = tpu.memref_slice %arg7[%run_scoped3A, %dma_start3A_63] : memref<125x80xi32, #tpu.memory_space<vmem>> -> memref<1x80xi32, #tpu.memory_space<vmem>>
      %dma_start3A_65 = tpu.memref_squeeze %dma_start3A_64 : memref<1x80xi32, #tpu.memory_space<vmem>> -> memref<80xi32, #tpu.memory_space<vmem>>
      %dma_start3A_66 = arith.constant 0 : i32
      %dma_start3A_67 = arith.constant 0 : i32
      %dma_start3A_68 = tpu.memref_slice %arg10[%dma_start3A_66, %dma_start3A_67] : memref<10240x48xf32, #tpu.memory_space<vmem_shared>> -> memref<10240x48xf32, #tpu.memory_space<vmem_shared>>
      tpu.enqueue_indirect_dma source(%arg8 : memref<80x48xf32, #tpu.memory_space<vmem>>) target(%dma_start3A_68 : memref<10240x48xf32, #tpu.memory_space<vmem_shared>>) offsets(%dma_start3A_65 : memref<80xi32, #tpu.memory_space<vmem>>) semaphore(%run_scoped3A_62 : memref<!tpu.dma_semaphore, #tpu.memory_space<semaphore_mem>>) {add = true}
      %dma_wait3A_69 = arith.constant 0 : i32
      %dma_wait3A_70 = tpu.memref_slice %arg7[%run_scoped3A, %dma_wait3A_69] : memref<125x80xi32, #tpu.memory_space<vmem>> -> memref<1x80xi32, #tpu.memory_space<vmem>>
      %dma_wait3A_71 = tpu.memref_squeeze %dma_wait3A_70 : memref<1x80xi32, #tpu.memory_space<vmem>> -> memref<80xi32, #tpu.memory_space<vmem>>
      %dma_wait3A_72 = arith.constant 0 : i32
      %dma_wait3A_73 = arith.constant 0 : i32
      %dma_wait3A_74 = tpu.memref_slice %arg10[%dma_wait3A_72, %dma_wait3A_73] : memref<10240x48xf32, #tpu.memory_space<vmem_shared>> -> memref<10240x48xf32, #tpu.memory_space<vmem_shared>>
      tpu.wait_indirect_dma semaphore(%run_scoped3A_62 : memref<!tpu.dma_semaphore, #tpu.memory_space<semaphore_mem>>) src(%arg8 : memref<80x48xf32, #tpu.memory_space<vmem>>) dst(%dma_wait3A_74 : memref<10240x48xf32, #tpu.memory_space<vmem_shared>>)
      tpu.yield
    }) : () -> ()
    %barrier3A_45 = arith.constant 0 : index
    tpu.barrier barrier_id(%barrier3A_45)
    %add3A_46 = arith.constant 0 : i32
    %add3A_47 = arith.addi %mul3A_9, %add3A_46 : i32
    "tpu.region"() ({
      %run_scoped3A_62 = tpu.sem_alloc : memref<!tpu.dma_semaphore, #tpu.memory_space<semaphore_mem>>
      %dma_start3A_63 = arith.constant 0 : i32
      %dma_start3A_64 = tpu.memref_slice %arg10[%add3A_47, %dma_start3A_63] : memref<10240x48xf32, #tpu.memory_space<vmem_shared>> -> memref<80x48xf32, #tpu.memory_space<vmem_shared>>
      %dma_start3A_65 = arith.constant 0 : i32
      %dma_start3A_66 = tpu.memref_slice %arg10[%add3A_47, %dma_start3A_65] : memref<10240x48xf32, #tpu.memory_space<vmem_shared>> -> memref<80x48xf32, #tpu.memory_space<vmem_shared>>
      tpu.enqueue_dma source(%dma_start3A_66 : memref<80x48xf32, #tpu.memory_space<vmem_shared>>) target(%arg8 : memref<80x48xf32, #tpu.memory_space<vmem>>) target_semaphore(%run_scoped3A_62 : memref<!tpu.dma_semaphore, #tpu.memory_space<semaphore_mem>>)
      %dma_wait3A_67 = arith.constant 0 : i32
      %dma_wait3A_68 = tpu.memref_slice %arg10[%add3A_47, %dma_wait3A_67] : memref<10240x48xf32, #tpu.memory_space<vmem_shared>> -> memref<80x48xf32, #tpu.memory_space<vmem_shared>>
      %dma_wait3A_69 = arith.constant 0 : i32
      %dma_wait3A_70 = tpu.memref_slice %arg10[%add3A_47, %dma_wait3A_69] : memref<10240x48xf32, #tpu.memory_space<vmem_shared>> -> memref<80x48xf32, #tpu.memory_space<vmem_shared>>
      tpu.wait_dma2 semaphore(%run_scoped3A_62 : memref<!tpu.dma_semaphore, #tpu.memory_space<semaphore_mem>>) src(%dma_wait3A_70 : memref<80x48xf32, #tpu.memory_space<vmem_shared>>) dst(%arg8 : memref<80x48xf32, #tpu.memory_space<vmem>>)
      tpu.yield
    }) : () -> ()
    "tpu.region"() ({
      %run_scoped3A_62 = tpu.sem_alloc : memref<!tpu.dma_semaphore, #tpu.memory_space<semaphore_mem>>
      %dma_start3A_63 = arith.constant 0 : i32
      %dma_start3A_64 = tpu.memref_slice %arg5[%arg0, %add3A_47, %dma_start3A_63] : memref<2x10240x48xf32, #tpu.memory_space<hbm>> -> memref<1x80x48xf32, #tpu.memory_space<hbm>>
      %dma_start3A_65 = tpu.memref_squeeze %dma_start3A_64 : memref<1x80x48xf32, #tpu.memory_space<hbm>> -> memref<80x48xf32, #tpu.memory_space<hbm>>
      %dma_start3A_66 = arith.constant 0 : i32
      %dma_start3A_67 = tpu.memref_slice %arg5[%arg0, %add3A_47, %dma_start3A_66] : memref<2x10240x48xf32, #tpu.memory_space<hbm>> -> memref<1x80x48xf32, #tpu.memory_space<hbm>>
      %dma_start3A_68 = tpu.memref_squeeze %dma_start3A_67 : memref<1x80x48xf32, #tpu.memory_space<hbm>> -> memref<80x48xf32, #tpu.memory_space<hbm>>
      tpu.enqueue_dma source(%arg8 : memref<80x48xf32, #tpu.memory_space<vmem>>) target(%dma_start3A_68 : memref<80x48xf32, #tpu.memory_space<hbm>>) target_semaphore(%run_scoped3A_62 : memref<!tpu.dma_semaphore, #tpu.memory_space<semaphore_mem>>)
      %dma_wait3A_69 = arith.constant 0 : i32
      %dma_wait3A_70 = tpu.memref_slice %arg5[%arg0, %add3A_47, %dma_wait3A_69] : memref<2x10240x48xf32, #tpu.memory_space<hbm>> -> memref<1x80x48xf32, #tpu.memory_space<hbm>>
      %dma_wait3A_71 = tpu.memref_squeeze %dma_wait3A_70 : memref<1x80x48xf32, #tpu.memory_space<hbm>> -> memref<80x48xf32, #tpu.memory_space<hbm>>
      %dma_wait3A_72 = arith.constant 0 : i32
      %dma_wait3A_73 = tpu.memref_slice %arg5[%arg0, %add3A_47, %dma_wait3A_72] : memref<2x10240x48xf32, #tpu.memory_space<hbm>> -> memref<1x80x48xf32, #tpu.memory_space<hbm>>
      %dma_wait3A_74 = tpu.memref_squeeze %dma_wait3A_73 : memref<1x80x48xf32, #tpu.memory_space<hbm>> -> memref<80x48xf32, #tpu.memory_space<hbm>>
      tpu.wait_dma2 semaphore(%run_scoped3A_62 : memref<!tpu.dma_semaphore, #tpu.memory_space<semaphore_mem>>) src(%arg8 : memref<80x48xf32, #tpu.memory_space<vmem>>) dst(%dma_wait3A_74 : memref<80x48xf32, #tpu.memory_space<hbm>>)
      tpu.yield
    }) : () -> ()
    %add3A_48 = arith.constant 80 : i32
    %add3A_49 = arith.addi %mul3A_9, %add3A_48 : i32
    "tpu.region"() ({
      %run_scoped3A_62 = tpu.sem_alloc : memref<!tpu.dma_semaphore, #tpu.memory_space<semaphore_mem>>
      %dma_start3A_63 = arith.constant 0 : i32
      %dma_start3A_64 = tpu.memref_slice %arg10[%add3A_49, %dma_start3A_63] : memref<10240x48xf32, #tpu.memory_space<vmem_shared>> -> memref<80x48xf32, #tpu.memory_space<vmem_shared>>
      %dma_start3A_65 = arith.constant 0 : i32
      %dma_start3A_66 = tpu.memref_slice %arg10[%add3A_49, %dma_start3A_65] : memref<10240x48xf32, #tpu.memory_space<vmem_shared>> -> memref<80x48xf32, #tpu.memory_space<vmem_shared>>
      tpu.enqueue_dma source(%dma_start3A_66 : memref<80x48xf32, #tpu.memory_space<vmem_shared>>) target(%arg8 : memref<80x48xf32, #tpu.memory_space<vmem>>) target_semaphore(%run_scoped3A_62 : memref<!tpu.dma_semaphore, #tpu.memory_space<semaphore_mem>>)
      %dma_wait3A_67 = arith.constant 0 : i32
      %dma_wait3A_68 = tpu.memref_slice %arg10[%add3A_49, %dma_wait3A_67] : memref<10240x48xf32, #tpu.memory_space<vmem_shared>> -> memref<80x48xf32, #tpu.memory_space<vmem_shared>>
      %dma_wait3A_69 = arith.constant 0 : i32
      %dma_wait3A_70 = tpu.memref_slice %arg10[%add3A_49, %dma_wait3A_69] : memref<10240x48xf32, #tpu.memory_space<vmem_shared>> -> memref<80x48xf32, #tpu.memory_space<vmem_shared>>
      tpu.wait_dma2 semaphore(%run_scoped3A_62 : memref<!tpu.dma_semaphore, #tpu.memory_space<semaphore_mem>>) src(%dma_wait3A_70 : memref<80x48xf32, #tpu.memory_space<vmem_shared>>) dst(%arg8 : memref<80x48xf32, #tpu.memory_space<vmem>>)
      tpu.yield
    }) : () -> ()
    "tpu.region"() ({
      %run_scoped3A_62 = tpu.sem_alloc : memref<!tpu.dma_semaphore, #tpu.memory_space<semaphore_mem>>
      %dma_start3A_63 = arith.constant 0 : i32
      %dma_start3A_64 = tpu.memref_slice %arg5[%arg0, %add3A_49, %dma_start3A_63] : memref<2x10240x48xf32, #tpu.memory_space<hbm>> -> memref<1x80x48xf32, #tpu.memory_space<hbm>>
      %dma_start3A_65 = tpu.memref_squeeze %dma_start3A_64 : memref<1x80x48xf32, #tpu.memory_space<hbm>> -> memref<80x48xf32, #tpu.memory_space<hbm>>
      %dma_start3A_66 = arith.constant 0 : i32
      %dma_start3A_67 = tpu.memref_slice %arg5[%arg0, %add3A_49, %dma_start3A_66] : memref<2x10240x48xf32, #tpu.memory_space<hbm>> -> memref<1x80x48xf32, #tpu.memory_space<hbm>>
      %dma_start3A_68 = tpu.memref_squeeze %dma_start3A_67 : memref<1x80x48xf32, #tpu.memory_space<hbm>> -> memref<80x48xf32, #tpu.memory_space<hbm>>
      tpu.enqueue_dma source(%arg8 : memref<80x48xf32, #tpu.memory_space<vmem>>) target(%dma_start3A_68 : memref<80x48xf32, #tpu.memory_space<hbm>>) target_semaphore(%run_scoped3A_62 : memref<!tpu.dma_semaphore, #tpu.memory_space<semaphore_mem>>)
      %dma_wait3A_69 = arith.constant 0 : i32
      %dma_wait3A_70 = tpu.memref_slice %arg5[%arg0, %add3A_49, %dma_wait3A_69] : memref<2x10240x48xf32, #tpu.memory_space<hbm>> -> memref<1x80x48xf32, #tpu.memory_space<hbm>>
      %dma_wait3A_71 = tpu.memref_squeeze %dma_wait3A_70 : memref<1x80x48xf32, #tpu.memory_space<hbm>> -> memref<80x48xf32, #tpu.memory_space<hbm>>
      %dma_wait3A_72 = arith.constant 0 : i32
      %dma_wait3A_73 = tpu.memref_slice %arg5[%arg0, %add3A_49, %dma_wait3A_72] : memref<2x10240x48xf32, #tpu.memory_space<hbm>> -> memref<1x80x48xf32, #tpu.memory_space<hbm>>
      %dma_wait3A_74 = tpu.memref_squeeze %dma_wait3A_73 : memref<1x80x48xf32, #tpu.memory_space<hbm>> -> memref<80x48xf32, #tpu.memory_space<hbm>>
      tpu.wait_dma2 semaphore(%run_scoped3A_62 : memref<!tpu.dma_semaphore, #tpu.memory_space<semaphore_mem>>) src(%arg8 : memref<80x48xf32, #tpu.memory_space<vmem>>) dst(%dma_wait3A_74 : memref<80x48xf32, #tpu.memory_space<hbm>>)
      tpu.yield
    }) : () -> ()
    %add3A_50 = arith.constant 160 : i32
    %add3A_51 = arith.addi %mul3A_9, %add3A_50 : i32
    "tpu.region"() ({
      %run_scoped3A_62 = tpu.sem_alloc : memref<!tpu.dma_semaphore, #tpu.memory_space<semaphore_mem>>
      %dma_start3A_63 = arith.constant 0 : i32
      %dma_start3A_64 = tpu.memref_slice %arg10[%add3A_51, %dma_start3A_63] : memref<10240x48xf32, #tpu.memory_space<vmem_shared>> -> memref<80x48xf32, #tpu.memory_space<vmem_shared>>
      %dma_start3A_65 = arith.constant 0 : i32
      %dma_start3A_66 = tpu.memref_slice %arg10[%add3A_51, %dma_start3A_65] : memref<10240x48xf32, #tpu.memory_space<vmem_shared>> -> memref<80x48xf32, #tpu.memory_space<vmem_shared>>
      tpu.enqueue_dma source(%dma_start3A_66 : memref<80x48xf32, #tpu.memory_space<vmem_shared>>) target(%arg8 : memref<80x48xf32, #tpu.memory_space<vmem>>) target_semaphore(%run_scoped3A_62 : memref<!tpu.dma_semaphore, #tpu.memory_space<semaphore_mem>>)
      %dma_wait3A_67 = arith.constant 0 : i32
      %dma_wait3A_68 = tpu.memref_slice %arg10[%add3A_51, %dma_wait3A_67] : memref<10240x48xf32, #tpu.memory_space<vmem_shared>> -> memref<80x48xf32, #tpu.memory_space<vmem_shared>>
      %dma_wait3A_69 = arith.constant 0 : i32
      %dma_wait3A_70 = tpu.memref_slice %arg10[%add3A_51, %dma_wait3A_69] : memref<10240x48xf32, #tpu.memory_space<vmem_shared>> -> memref<80x48xf32, #tpu.memory_space<vmem_shared>>
      tpu.wait_dma2 semaphore(%run_scoped3A_62 : memref<!tpu.dma_semaphore, #tpu.memory_space<semaphore_mem>>) src(%dma_wait3A_70 : memref<80x48xf32, #tpu.memory_space<vmem_shared>>) dst(%arg8 : memref<80x48xf32, #tpu.memory_space<vmem>>)
      tpu.yield
    }) : () -> ()
    "tpu.region"() ({
      %run_scoped3A_62 = tpu.sem_alloc : memref<!tpu.dma_semaphore, #tpu.memory_space<semaphore_mem>>
      %dma_start3A_63 = arith.constant 0 : i32
      %dma_start3A_64 = tpu.memref_slice %arg5[%arg0, %add3A_51, %dma_start3A_63] : memref<2x10240x48xf32, #tpu.memory_space<hbm>> -> memref<1x80x48xf32, #tpu.memory_space<hbm>>
      %dma_start3A_65 = tpu.memref_squeeze %dma_start3A_64 : memref<1x80x48xf32, #tpu.memory_space<hbm>> -> memref<80x48xf32, #tpu.memory_space<hbm>>
      %dma_start3A_66 = arith.constant 0 : i32
      %dma_start3A_67 = tpu.memref_slice %arg5[%arg0, %add3A_51, %dma_start3A_66] : memref<2x10240x48xf32, #tpu.memory_space<hbm>> -> memref<1x80x48xf32, #tpu.memory_space<hbm>>
      %dma_start3A_68 = tpu.memref_squeeze %dma_start3A_67 : memref<1x80x48xf32, #tpu.memory_space<hbm>> -> memref<80x48xf32, #tpu.memory_space<hbm>>
      tpu.enqueue_dma source(%arg8 : memref<80x48xf32, #tpu.memory_space<vmem>>) target(%dma_start3A_68 : memref<80x48xf32, #tpu.memory_space<hbm>>) target_semaphore(%run_scoped3A_62 : memref<!tpu.dma_semaphore, #tpu.memory_space<semaphore_mem>>)
      %dma_wait3A_69 = arith.constant 0 : i32
      %dma_wait3A_70 = tpu.memref_slice %arg5[%arg0, %add3A_51, %dma_wait3A_69] : memref<2x10240x48xf32, #tpu.memory_space<hbm>> -> memref<1x80x48xf32, #tpu.memory_space<hbm>>
      %dma_wait3A_71 = tpu.memref_squeeze %dma_wait3A_70 : memref<1x80x48xf32, #tpu.memory_space<hbm>> -> memref<80x48xf32, #tpu.memory_space<hbm>>
      %dma_wait3A_72 = arith.constant 0 : i32
      %dma_wait3A_73 = tpu.memref_slice %arg5[%arg0, %add3A_51, %dma_wait3A_72] : memref<2x10240x48xf32, #tpu.memory_space<hbm>> -> memref<1x80x48xf32, #tpu.memory_space<hbm>>
      %dma_wait3A_74 = tpu.memref_squeeze %dma_wait3A_73 : memref<1x80x48xf32, #tpu.memory_space<hbm>> -> memref<80x48xf32, #tpu.memory_space<hbm>>
      tpu.wait_dma2 semaphore(%run_scoped3A_62 : memref<!tpu.dma_semaphore, #tpu.memory_space<semaphore_mem>>) src(%arg8 : memref<80x48xf32, #tpu.memory_space<vmem>>) dst(%dma_wait3A_74 : memref<80x48xf32, #tpu.memory_space<hbm>>)
      tpu.yield
    }) : () -> ()
    %add3A_52 = arith.constant 240 : i32
    %add3A_53 = arith.addi %mul3A_9, %add3A_52 : i32
    "tpu.region"() ({
      %run_scoped3A_62 = tpu.sem_alloc : memref<!tpu.dma_semaphore, #tpu.memory_space<semaphore_mem>>
      %dma_start3A_63 = arith.constant 0 : i32
      %dma_start3A_64 = tpu.memref_slice %arg10[%add3A_53, %dma_start3A_63] : memref<10240x48xf32, #tpu.memory_space<vmem_shared>> -> memref<80x48xf32, #tpu.memory_space<vmem_shared>>
      %dma_start3A_65 = arith.constant 0 : i32
      %dma_start3A_66 = tpu.memref_slice %arg10[%add3A_53, %dma_start3A_65] : memref<10240x48xf32, #tpu.memory_space<vmem_shared>> -> memref<80x48xf32, #tpu.memory_space<vmem_shared>>
      tpu.enqueue_dma source(%dma_start3A_66 : memref<80x48xf32, #tpu.memory_space<vmem_shared>>) target(%arg8 : memref<80x48xf32, #tpu.memory_space<vmem>>) target_semaphore(%run_scoped3A_62 : memref<!tpu.dma_semaphore, #tpu.memory_space<semaphore_mem>>)
      %dma_wait3A_67 = arith.constant 0 : i32
      %dma_wait3A_68 = tpu.memref_slice %arg10[%add3A_53, %dma_wait3A_67] : memref<10240x48xf32, #tpu.memory_space<vmem_shared>> -> memref<80x48xf32, #tpu.memory_space<vmem_shared>>
      %dma_wait3A_69 = arith.constant 0 : i32
      %dma_wait3A_70 = tpu.memref_slice %arg10[%add3A_53, %dma_wait3A_69] : memref<10240x48xf32, #tpu.memory_space<vmem_shared>> -> memref<80x48xf32, #tpu.memory_space<vmem_shared>>
      tpu.wait_dma2 semaphore(%run_scoped3A_62 : memref<!tpu.dma_semaphore, #tpu.memory_space<semaphore_mem>>) src(%dma_wait3A_70 : memref<80x48xf32, #tpu.memory_space<vmem_shared>>) dst(%arg8 : memref<80x48xf32, #tpu.memory_space<vmem>>)
      tpu.yield
    }) : () -> ()
    "tpu.region"() ({
      %run_scoped3A_62 = tpu.sem_alloc : memref<!tpu.dma_semaphore, #tpu.memory_space<semaphore_mem>>
      %dma_start3A_63 = arith.constant 0 : i32
      %dma_start3A_64 = tpu.memref_slice %arg5[%arg0, %add3A_53, %dma_start3A_63] : memref<2x10240x48xf32, #tpu.memory_space<hbm>> -> memref<1x80x48xf32, #tpu.memory_space<hbm>>
      %dma_start3A_65 = tpu.memref_squeeze %dma_start3A_64 : memref<1x80x48xf32, #tpu.memory_space<hbm>> -> memref<80x48xf32, #tpu.memory_space<hbm>>
      %dma_start3A_66 = arith.constant 0 : i32
      %dma_start3A_67 = tpu.memref_slice %arg5[%arg0, %add3A_53, %dma_start3A_66] : memref<2x10240x48xf32, #tpu.memory_space<hbm>> -> memref<1x80x48xf32, #tpu.memory_space<hbm>>
      %dma_start3A_68 = tpu.memref_squeeze %dma_start3A_67 : memref<1x80x48xf32, #tpu.memory_space<hbm>> -> memref<80x48xf32, #tpu.memory_space<hbm>>
      tpu.enqueue_dma source(%arg8 : memref<80x48xf32, #tpu.memory_space<vmem>>) target(%dma_start3A_68 : memref<80x48xf32, #tpu.memory_space<hbm>>) target_semaphore(%run_scoped3A_62 : memref<!tpu.dma_semaphore, #tpu.memory_space<semaphore_mem>>)
      %dma_wait3A_69 = arith.constant 0 : i32
      %dma_wait3A_70 = tpu.memref_slice %arg5[%arg0, %add3A_53, %dma_wait3A_69] : memref<2x10240x48xf32, #tpu.memory_space<hbm>> -> memref<1x80x48xf32, #tpu.memory_space<hbm>>
      %dma_wait3A_71 = tpu.memref_squeeze %dma_wait3A_70 : memref<1x80x48xf32, #tpu.memory_space<hbm>> -> memref<80x48xf32, #tpu.memory_space<hbm>>
      %dma_wait3A_72 = arith.constant 0 : i32
      %dma_wait3A_73 = tpu.memref_slice %arg5[%arg0, %add3A_53, %dma_wait3A_72] : memref<2x10240x48xf32, #tpu.memory_space<hbm>> -> memref<1x80x48xf32, #tpu.memory_space<hbm>>
      %dma_wait3A_74 = tpu.memref_squeeze %dma_wait3A_73 : memref<1x80x48xf32, #tpu.memory_space<hbm>> -> memref<80x48xf32, #tpu.memory_space<hbm>>
      tpu.wait_dma2 semaphore(%run_scoped3A_62 : memref<!tpu.dma_semaphore, #tpu.memory_space<semaphore_mem>>) src(%arg8 : memref<80x48xf32, #tpu.memory_space<vmem>>) dst(%dma_wait3A_74 : memref<80x48xf32, #tpu.memory_space<hbm>>)
      tpu.yield
    }) : () -> ()
    %add3A_54 = arith.constant 320 : i32
    %add3A_55 = arith.addi %mul3A_9, %add3A_54 : i32
    "tpu.region"() ({
      %run_scoped3A_62 = tpu.sem_alloc : memref<!tpu.dma_semaphore, #tpu.memory_space<semaphore_mem>>
      %dma_start3A_63 = arith.constant 0 : i32
      %dma_start3A_64 = tpu.memref_slice %arg10[%add3A_55, %dma_start3A_63] : memref<10240x48xf32, #tpu.memory_space<vmem_shared>> -> memref<80x48xf32, #tpu.memory_space<vmem_shared>>
      %dma_start3A_65 = arith.constant 0 : i32
      %dma_start3A_66 = tpu.memref_slice %arg10[%add3A_55, %dma_start3A_65] : memref<10240x48xf32, #tpu.memory_space<vmem_shared>> -> memref<80x48xf32, #tpu.memory_space<vmem_shared>>
      tpu.enqueue_dma source(%dma_start3A_66 : memref<80x48xf32, #tpu.memory_space<vmem_shared>>) target(%arg8 : memref<80x48xf32, #tpu.memory_space<vmem>>) target_semaphore(%run_scoped3A_62 : memref<!tpu.dma_semaphore, #tpu.memory_space<semaphore_mem>>)
      %dma_wait3A_67 = arith.constant 0 : i32
      %dma_wait3A_68 = tpu.memref_slice %arg10[%add3A_55, %dma_wait3A_67] : memref<10240x48xf32, #tpu.memory_space<vmem_shared>> -> memref<80x48xf32, #tpu.memory_space<vmem_shared>>
      %dma_wait3A_69 = arith.constant 0 : i32
      %dma_wait3A_70 = tpu.memref_slice %arg10[%add3A_55, %dma_wait3A_69] : memref<10240x48xf32, #tpu.memory_space<vmem_shared>> -> memref<80x48xf32, #tpu.memory_space<vmem_shared>>
      tpu.wait_dma2 semaphore(%run_scoped3A_62 : memref<!tpu.dma_semaphore, #tpu.memory_space<semaphore_mem>>) src(%dma_wait3A_70 : memref<80x48xf32, #tpu.memory_space<vmem_shared>>) dst(%arg8 : memref<80x48xf32, #tpu.memory_space<vmem>>)
      tpu.yield
    }) : () -> ()
    "tpu.region"() ({
      %run_scoped3A_62 = tpu.sem_alloc : memref<!tpu.dma_semaphore, #tpu.memory_space<semaphore_mem>>
      %dma_start3A_63 = arith.constant 0 : i32
      %dma_start3A_64 = tpu.memref_slice %arg5[%arg0, %add3A_55, %dma_start3A_63] : memref<2x10240x48xf32, #tpu.memory_space<hbm>> -> memref<1x80x48xf32, #tpu.memory_space<hbm>>
      %dma_start3A_65 = tpu.memref_squeeze %dma_start3A_64 : memref<1x80x48xf32, #tpu.memory_space<hbm>> -> memref<80x48xf32, #tpu.memory_space<hbm>>
      %dma_start3A_66 = arith.constant 0 : i32
      %dma_start3A_67 = tpu.memref_slice %arg5[%arg0, %add3A_55, %dma_start3A_66] : memref<2x10240x48xf32, #tpu.memory_space<hbm>> -> memref<1x80x48xf32, #tpu.memory_space<hbm>>
      %dma_start3A_68 = tpu.memref_squeeze %dma_start3A_67 : memref<1x80x48xf32, #tpu.memory_space<hbm>> -> memref<80x48xf32, #tpu.memory_space<hbm>>
      tpu.enqueue_dma source(%arg8 : memref<80x48xf32, #tpu.memory_space<vmem>>) target(%dma_start3A_68 : memref<80x48xf32, #tpu.memory_space<hbm>>) target_semaphore(%run_scoped3A_62 : memref<!tpu.dma_semaphore, #tpu.memory_space<semaphore_mem>>)
      %dma_wait3A_69 = arith.constant 0 : i32
      %dma_wait3A_70 = tpu.memref_slice %arg5[%arg0, %add3A_55, %dma_wait3A_69] : memref<2x10240x48xf32, #tpu.memory_space<hbm>> -> memref<1x80x48xf32, #tpu.memory_space<hbm>>
      %dma_wait3A_71 = tpu.memref_squeeze %dma_wait3A_70 : memref<1x80x48xf32, #tpu.memory_space<hbm>> -> memref<80x48xf32, #tpu.memory_space<hbm>>
      %dma_wait3A_72 = arith.constant 0 : i32
      %dma_wait3A_73 = tpu.memref_slice %arg5[%arg0, %add3A_55, %dma_wait3A_72] : memref<2x10240x48xf32, #tpu.memory_space<hbm>> -> memref<1x80x48xf32, #tpu.memory_space<hbm>>
      %dma_wait3A_74 = tpu.memref_squeeze %dma_wait3A_73 : memref<1x80x48xf32, #tpu.memory_space<hbm>> -> memref<80x48xf32, #tpu.memory_space<hbm>>
      tpu.wait_dma2 semaphore(%run_scoped3A_62 : memref<!tpu.dma_semaphore, #tpu.memory_space<semaphore_mem>>) src(%arg8 : memref<80x48xf32, #tpu.memory_space<vmem>>) dst(%dma_wait3A_74 : memref<80x48xf32, #tpu.memory_space<hbm>>)
      tpu.yield
    }) : () -> ()
    %add3A_56 = arith.constant 400 : i32
    %add3A_57 = arith.addi %mul3A_9, %add3A_56 : i32
    "tpu.region"() ({
      %run_scoped3A_62 = tpu.sem_alloc : memref<!tpu.dma_semaphore, #tpu.memory_space<semaphore_mem>>
      %dma_start3A_63 = arith.constant 0 : i32
      %dma_start3A_64 = tpu.memref_slice %arg10[%add3A_57, %dma_start3A_63] : memref<10240x48xf32, #tpu.memory_space<vmem_shared>> -> memref<80x48xf32, #tpu.memory_space<vmem_shared>>
      %dma_start3A_65 = arith.constant 0 : i32
      %dma_start3A_66 = tpu.memref_slice %arg10[%add3A_57, %dma_start3A_65] : memref<10240x48xf32, #tpu.memory_space<vmem_shared>> -> memref<80x48xf32, #tpu.memory_space<vmem_shared>>
      tpu.enqueue_dma source(%dma_start3A_66 : memref<80x48xf32, #tpu.memory_space<vmem_shared>>) target(%arg8 : memref<80x48xf32, #tpu.memory_space<vmem>>) target_semaphore(%run_scoped3A_62 : memref<!tpu.dma_semaphore, #tpu.memory_space<semaphore_mem>>)
      %dma_wait3A_67 = arith.constant 0 : i32
      %dma_wait3A_68 = tpu.memref_slice %arg10[%add3A_57, %dma_wait3A_67] : memref<10240x48xf32, #tpu.memory_space<vmem_shared>> -> memref<80x48xf32, #tpu.memory_space<vmem_shared>>
      %dma_wait3A_69 = arith.constant 0 : i32
      %dma_wait3A_70 = tpu.memref_slice %arg10[%add3A_57, %dma_wait3A_69] : memref<10240x48xf32, #tpu.memory_space<vmem_shared>> -> memref<80x48xf32, #tpu.memory_space<vmem_shared>>
      tpu.wait_dma2 semaphore(%run_scoped3A_62 : memref<!tpu.dma_semaphore, #tpu.memory_space<semaphore_mem>>) src(%dma_wait3A_70 : memref<80x48xf32, #tpu.memory_space<vmem_shared>>) dst(%arg8 : memref<80x48xf32, #tpu.memory_space<vmem>>)
      tpu.yield
    }) : () -> ()
    "tpu.region"() ({
      %run_scoped3A_62 = tpu.sem_alloc : memref<!tpu.dma_semaphore, #tpu.memory_space<semaphore_mem>>
      %dma_start3A_63 = arith.constant 0 : i32
      %dma_start3A_64 = tpu.memref_slice %arg5[%arg0, %add3A_57, %dma_start3A_63] : memref<2x10240x48xf32, #tpu.memory_space<hbm>> -> memref<1x80x48xf32, #tpu.memory_space<hbm>>
      %dma_start3A_65 = tpu.memref_squeeze %dma_start3A_64 : memref<1x80x48xf32, #tpu.memory_space<hbm>> -> memref<80x48xf32, #tpu.memory_space<hbm>>
      %dma_start3A_66 = arith.constant 0 : i32
      %dma_start3A_67 = tpu.memref_slice %arg5[%arg0, %add3A_57, %dma_start3A_66] : memref<2x10240x48xf32, #tpu.memory_space<hbm>> -> memref<1x80x48xf32, #tpu.memory_space<hbm>>
      %dma_start3A_68 = tpu.memref_squeeze %dma_start3A_67 : memref<1x80x48xf32, #tpu.memory_space<hbm>> -> memref<80x48xf32, #tpu.memory_space<hbm>>
      tpu.enqueue_dma source(%arg8 : memref<80x48xf32, #tpu.memory_space<vmem>>) target(%dma_start3A_68 : memref<80x48xf32, #tpu.memory_space<hbm>>) target_semaphore(%run_scoped3A_62 : memref<!tpu.dma_semaphore, #tpu.memory_space<semaphore_mem>>)
      %dma_wait3A_69 = arith.constant 0 : i32
      %dma_wait3A_70 = tpu.memref_slice %arg5[%arg0, %add3A_57, %dma_wait3A_69] : memref<2x10240x48xf32, #tpu.memory_space<hbm>> -> memref<1x80x48xf32, #tpu.memory_space<hbm>>
      %dma_wait3A_71 = tpu.memref_squeeze %dma_wait3A_70 : memref<1x80x48xf32, #tpu.memory_space<hbm>> -> memref<80x48xf32, #tpu.memory_space<hbm>>
      %dma_wait3A_72 = arith.constant 0 : i32
      %dma_wait3A_73 = tpu.memref_slice %arg5[%arg0, %add3A_57, %dma_wait3A_72] : memref<2x10240x48xf32, #tpu.memory_space<hbm>> -> memref<1x80x48xf32, #tpu.memory_space<hbm>>
      %dma_wait3A_74 = tpu.memref_squeeze %dma_wait3A_73 : memref<1x80x48xf32, #tpu.memory_space<hbm>> -> memref<80x48xf32, #tpu.memory_space<hbm>>
      tpu.wait_dma2 semaphore(%run_scoped3A_62 : memref<!tpu.dma_semaphore, #tpu.memory_space<semaphore_mem>>) src(%arg8 : memref<80x48xf32, #tpu.memory_space<vmem>>) dst(%dma_wait3A_74 : memref<80x48xf32, #tpu.memory_space<hbm>>)
      tpu.yield
    }) : () -> ()
    %add3A_58 = arith.constant 480 : i32
    %add3A_59 = arith.addi %mul3A_9, %add3A_58 : i32
    "tpu.region"() ({
      %run_scoped3A_62 = tpu.sem_alloc : memref<!tpu.dma_semaphore, #tpu.memory_space<semaphore_mem>>
      %dma_start3A_63 = arith.constant 0 : i32
      %dma_start3A_64 = tpu.memref_slice %arg10[%add3A_59, %dma_start3A_63] : memref<10240x48xf32, #tpu.memory_space<vmem_shared>> -> memref<80x48xf32, #tpu.memory_space<vmem_shared>>
      %dma_start3A_65 = arith.constant 0 : i32
      %dma_start3A_66 = tpu.memref_slice %arg10[%add3A_59, %dma_start3A_65] : memref<10240x48xf32, #tpu.memory_space<vmem_shared>> -> memref<80x48xf32, #tpu.memory_space<vmem_shared>>
      tpu.enqueue_dma source(%dma_start3A_66 : memref<80x48xf32, #tpu.memory_space<vmem_shared>>) target(%arg8 : memref<80x48xf32, #tpu.memory_space<vmem>>) target_semaphore(%run_scoped3A_62 : memref<!tpu.dma_semaphore, #tpu.memory_space<semaphore_mem>>)
      %dma_wait3A_67 = arith.constant 0 : i32
      %dma_wait3A_68 = tpu.memref_slice %arg10[%add3A_59, %dma_wait3A_67] : memref<10240x48xf32, #tpu.memory_space<vmem_shared>> -> memref<80x48xf32, #tpu.memory_space<vmem_shared>>
      %dma_wait3A_69 = arith.constant 0 : i32
      %dma_wait3A_70 = tpu.memref_slice %arg10[%add3A_59, %dma_wait3A_69] : memref<10240x48xf32, #tpu.memory_space<vmem_shared>> -> memref<80x48xf32, #tpu.memory_space<vmem_shared>>
      tpu.wait_dma2 semaphore(%run_scoped3A_62 : memref<!tpu.dma_semaphore, #tpu.memory_space<semaphore_mem>>) src(%dma_wait3A_70 : memref<80x48xf32, #tpu.memory_space<vmem_shared>>) dst(%arg8 : memref<80x48xf32, #tpu.memory_space<vmem>>)
      tpu.yield
    }) : () -> ()
    "tpu.region"() ({
      %run_scoped3A_62 = tpu.sem_alloc : memref<!tpu.dma_semaphore, #tpu.memory_space<semaphore_mem>>
      %dma_start3A_63 = arith.constant 0 : i32
      %dma_start3A_64 = tpu.memref_slice %arg5[%arg0, %add3A_59, %dma_start3A_63] : memref<2x10240x48xf32, #tpu.memory_space<hbm>> -> memref<1x80x48xf32, #tpu.memory_space<hbm>>
      %dma_start3A_65 = tpu.memref_squeeze %dma_start3A_64 : memref<1x80x48xf32, #tpu.memory_space<hbm>> -> memref<80x48xf32, #tpu.memory_space<hbm>>
      %dma_start3A_66 = arith.constant 0 : i32
      %dma_start3A_67 = tpu.memref_slice %arg5[%arg0, %add3A_59, %dma_start3A_66] : memref<2x10240x48xf32, #tpu.memory_space<hbm>> -> memref<1x80x48xf32, #tpu.memory_space<hbm>>
      %dma_start3A_68 = tpu.memref_squeeze %dma_start3A_67 : memref<1x80x48xf32, #tpu.memory_space<hbm>> -> memref<80x48xf32, #tpu.memory_space<hbm>>
      tpu.enqueue_dma source(%arg8 : memref<80x48xf32, #tpu.memory_space<vmem>>) target(%dma_start3A_68 : memref<80x48xf32, #tpu.memory_space<hbm>>) target_semaphore(%run_scoped3A_62 : memref<!tpu.dma_semaphore, #tpu.memory_space<semaphore_mem>>)
      %dma_wait3A_69 = arith.constant 0 : i32
      %dma_wait3A_70 = tpu.memref_slice %arg5[%arg0, %add3A_59, %dma_wait3A_69] : memref<2x10240x48xf32, #tpu.memory_space<hbm>> -> memref<1x80x48xf32, #tpu.memory_space<hbm>>
      %dma_wait3A_71 = tpu.memref_squeeze %dma_wait3A_70 : memref<1x80x48xf32, #tpu.memory_space<hbm>> -> memref<80x48xf32, #tpu.memory_space<hbm>>
      %dma_wait3A_72 = arith.constant 0 : i32
      %dma_wait3A_73 = tpu.memref_slice %arg5[%arg0, %add3A_59, %dma_wait3A_72] : memref<2x10240x48xf32, #tpu.memory_space<hbm>> -> memref<1x80x48xf32, #tpu.memory_space<hbm>>
      %dma_wait3A_74 = tpu.memref_squeeze %dma_wait3A_73 : memref<1x80x48xf32, #tpu.memory_space<hbm>> -> memref<80x48xf32, #tpu.memory_space<hbm>>
      tpu.wait_dma2 semaphore(%run_scoped3A_62 : memref<!tpu.dma_semaphore, #tpu.memory_space<semaphore_mem>>) src(%arg8 : memref<80x48xf32, #tpu.memory_space<vmem>>) dst(%dma_wait3A_74 : memref<80x48xf32, #tpu.memory_space<hbm>>)
      tpu.yield
    }) : () -> ()
    %add3A_60 = arith.constant 560 : i32
    %add3A_61 = arith.addi %mul3A_9, %add3A_60 : i32
    "tpu.region"() ({
      %run_scoped3A_62 = tpu.sem_alloc : memref<!tpu.dma_semaphore, #tpu.memory_space<semaphore_mem>>
      %dma_start3A_63 = arith.constant 0 : i32
      %dma_start3A_64 = tpu.memref_slice %arg10[%add3A_61, %dma_start3A_63] : memref<10240x48xf32, #tpu.memory_space<vmem_shared>> -> memref<80x48xf32, #tpu.memory_space<vmem_shared>>
      %dma_start3A_65 = arith.constant 0 : i32
      %dma_start3A_66 = tpu.memref_slice %arg10[%add3A_61, %dma_start3A_65] : memref<10240x48xf32, #tpu.memory_space<vmem_shared>> -> memref<80x48xf32, #tpu.memory_space<vmem_shared>>
      tpu.enqueue_dma source(%dma_start3A_66 : memref<80x48xf32, #tpu.memory_space<vmem_shared>>) target(%arg8 : memref<80x48xf32, #tpu.memory_space<vmem>>) target_semaphore(%run_scoped3A_62 : memref<!tpu.dma_semaphore, #tpu.memory_space<semaphore_mem>>)
      %dma_wait3A_67 = arith.constant 0 : i32
      %dma_wait3A_68 = tpu.memref_slice %arg10[%add3A_61, %dma_wait3A_67] : memref<10240x48xf32, #tpu.memory_space<vmem_shared>> -> memref<80x48xf32, #tpu.memory_space<vmem_shared>>
      %dma_wait3A_69 = arith.constant 0 : i32
      %dma_wait3A_70 = tpu.memref_slice %arg10[%add3A_61, %dma_wait3A_69] : memref<10240x48xf32, #tpu.memory_space<vmem_shared>> -> memref<80x48xf32, #tpu.memory_space<vmem_shared>>
      tpu.wait_dma2 semaphore(%run_scoped3A_62 : memref<!tpu.dma_semaphore, #tpu.memory_space<semaphore_mem>>) src(%dma_wait3A_70 : memref<80x48xf32, #tpu.memory_space<vmem_shared>>) dst(%arg8 : memref<80x48xf32, #tpu.memory_space<vmem>>)
      tpu.yield
    }) : () -> ()
    "tpu.region"() ({
      %run_scoped3A_62 = tpu.sem_alloc : memref<!tpu.dma_semaphore, #tpu.memory_space<semaphore_mem>>
      %dma_start3A_63 = arith.constant 0 : i32
      %dma_start3A_64 = tpu.memref_slice %arg5[%arg0, %add3A_61, %dma_start3A_63] : memref<2x10240x48xf32, #tpu.memory_space<hbm>> -> memref<1x80x48xf32, #tpu.memory_space<hbm>>
      %dma_start3A_65 = tpu.memref_squeeze %dma_start3A_64 : memref<1x80x48xf32, #tpu.memory_space<hbm>> -> memref<80x48xf32, #tpu.memory_space<hbm>>
      %dma_start3A_66 = arith.constant 0 : i32
      %dma_start3A_67 = tpu.memref_slice %arg5[%arg0, %add3A_61, %dma_start3A_66] : memref<2x10240x48xf32, #tpu.memory_space<hbm>> -> memref<1x80x48xf32, #tpu.memory_space<hbm>>
      %dma_start3A_68 = tpu.memref_squeeze %dma_start3A_67 : memref<1x80x48xf32, #tpu.memory_space<hbm>> -> memref<80x48xf32, #tpu.memory_space<hbm>>
      tpu.enqueue_dma source(%arg8 : memref<80x48xf32, #tpu.memory_space<vmem>>) target(%dma_start3A_68 : memref<80x48xf32, #tpu.memory_space<hbm>>) target_semaphore(%run_scoped3A_62 : memref<!tpu.dma_semaphore, #tpu.memory_space<semaphore_mem>>)
      %dma_wait3A_69 = arith.constant 0 : i32
      %dma_wait3A_70 = tpu.memref_slice %arg5[%arg0, %add3A_61, %dma_wait3A_69] : memref<2x10240x48xf32, #tpu.memory_space<hbm>> -> memref<1x80x48xf32, #tpu.memory_space<hbm>>
      %dma_wait3A_71 = tpu.memref_squeeze %dma_wait3A_70 : memref<1x80x48xf32, #tpu.memory_space<hbm>> -> memref<80x48xf32, #tpu.memory_space<hbm>>
      %dma_wait3A_72 = arith.constant 0 : i32
      %dma_wait3A_73 = tpu.memref_slice %arg5[%arg0, %add3A_61, %dma_wait3A_72] : memref<2x10240x48xf32, #tpu.memory_space<hbm>> -> memref<1x80x48xf32, #tpu.memory_space<hbm>>
      %dma_wait3A_74 = tpu.memref_squeeze %dma_wait3A_73 : memref<1x80x48xf32, #tpu.memory_space<hbm>> -> memref<80x48xf32, #tpu.memory_space<hbm>>
      tpu.wait_dma2 semaphore(%run_scoped3A_62 : memref<!tpu.dma_semaphore, #tpu.memory_space<semaphore_mem>>) src(%arg8 : memref<80x48xf32, #tpu.memory_space<vmem>>) dst(%dma_wait3A_74 : memref<80x48xf32, #tpu.memory_space<hbm>>)
      tpu.yield
    }) : () -> ()
    return
  }
}

module attributes {stable_mosaic.version = 14 : i64} {
  func.func @body(%arg0: i32, %arg1: memref<1000x128xf32, #tpu.memory_space<vmem>>, %arg2: memref<2x1000x64xf32, #tpu.memory_space<vmem>>, %arg3: memref<2x1000x16xf32, #tpu.memory_space<vmem>>, %arg4: memref<128x128xf32, #tpu.memory_space<vmem>>, %arg5: memref<128x128xf32, #tpu.memory_space<vmem>>, %arg6: memref<1x128xf32, #tpu.memory_space<vmem>>, %arg7: memref<128x40xf32, #tpu.memory_space<vmem>>, %arg8: memref<128x40xf32, #tpu.memory_space<vmem>>, %arg9: memref<1x40xf32, #tpu.memory_space<vmem>>, %arg10: memref<1000x48xf32, #tpu.memory_space<vmem>>, %arg11: memref<1000x48xf32, #tpu.memory_space<vmem>>) attributes {dimension_semantics = [#tpu.dimension_semantics<arbitrary>], iteration_bounds = array<i64: 10>, scalar_prefetch = 0 : i64, scratch_operands = 0 : i64, tpu.core_type = #tpu.core_type<tc>, window_params = [{transform_indices = @transform_0, window_bounds = array<i64: 1000, 128>}, {transform_indices = @transform_1, window_bounds = array<i64: 2, 1000, 64>}, {transform_indices = @transform_2, window_bounds = array<i64: 2, 1000, 16>}, {pipeline_mode = #tpu.pipeline_mode<synchronous>, transform_indices = @transform_3, window_bounds = array<i64: 128, 128>}, {pipeline_mode = #tpu.pipeline_mode<synchronous>, transform_indices = @transform_4, window_bounds = array<i64: 128, 128>}, {pipeline_mode = #tpu.pipeline_mode<synchronous>, transform_indices = @transform_5, window_bounds = array<i64: 1, 128>}, {pipeline_mode = #tpu.pipeline_mode<synchronous>, transform_indices = @transform_6, window_bounds = array<i64: 128, 40>}, {pipeline_mode = #tpu.pipeline_mode<synchronous>, transform_indices = @transform_7, window_bounds = array<i64: 128, 40>}, {pipeline_mode = #tpu.pipeline_mode<synchronous>, transform_indices = @transform_8, window_bounds = array<i64: 1, 40>}, {transform_indices = @transform_9, window_bounds = array<i64: 1000, 48>}, {transform_indices = @transform_10, window_bounds = array<i64: 1000, 48>}]} {
    %get3A = arith.constant 0 : index
    %get3A_0 = arith.constant 0 : index
    %get3A_1 = arith.constant 0 : index
    %get3A_2 = vector.load %arg3[%get3A, %get3A_0, %get3A_1] : memref<2x1000x16xf32, #tpu.memory_space<vmem>>, vector<1x1000x1xf32>
    %get3A_3 = vector.shape_cast %get3A_2 : vector<1x1000x1xf32> to vector<1000x1xf32>
    %get3A_4 = arith.constant 1 : index
    %get3A_5 = arith.constant 0 : index
    %get3A_6 = arith.constant 0 : index
    %get3A_7 = vector.load %arg3[%get3A_4, %get3A_5, %get3A_6] : memref<2x1000x16xf32, #tpu.memory_space<vmem>>, vector<1x1000x1xf32>
    %get3A_8 = vector.shape_cast %get3A_7 : vector<1x1000x1xf32> to vector<1000x1xf32>
    %add3A = arith.addf %get3A_3, %get3A_8 : vector<1000x1xf32>
    %gt3A = arith.constant 0.000000e+00 : f32
    %gt3A_9 = vector.broadcast %gt3A : f32 to vector<1000x1xf32>
    %gt3A_10 = arith.cmpf ogt, %add3A, %gt3A_9 : vector<1000x1xf32>
    %max3A = arith.constant 1.000000e+00 : f32
    %max3A_11 = vector.broadcast %max3A : f32 to vector<1000x1xf32>
    %max3A_12 = arith.maximumf %add3A, %max3A_11 : vector<1000x1xf32>
    %div3A = arith.constant 1.000000e+00 : f32
    %div3A_13 = vector.broadcast %div3A : f32 to vector<1000x1xf32>
    %div3A_14 = arith.divf %div3A_13, %max3A_12 : vector<1000x1xf32>
    %jit3A = arith.constant 0.000000e+00 : f32
    %broadcast_in_dim3A = vector.broadcast %jit3A : f32 to vector<1000x1xf32>
    %select_n3A = arith.select %gt3A_10, %div3A_14, %broadcast_in_dim3A : vector<1000x1xi1>, vector<1000x1xf32>
    %get3A_15 = arith.constant 0 : index
    %get3A_16 = arith.constant 0 : index
    %get3A_17 = arith.constant 0 : index
    %get3A_18 = vector.load %arg2[%get3A_15, %get3A_16, %get3A_17] : memref<2x1000x64xf32, #tpu.memory_space<vmem>>, vector<1x1000x64xf32>
    %get3A_19 = vector.shape_cast %get3A_18 : vector<1x1000x64xf32> to vector<1000x64xf32>
    %get3A_20 = arith.constant 1 : index
    %get3A_21 = arith.constant 0 : index
    %get3A_22 = arith.constant 0 : index
    %get3A_23 = vector.load %arg2[%get3A_20, %get3A_21, %get3A_22] : memref<2x1000x64xf32, #tpu.memory_space<vmem>>, vector<1x1000x64xf32>
    %get3A_24 = vector.shape_cast %get3A_23 : vector<1x1000x64xf32> to vector<1000x64xf32>
    %concatenate3A = tpu.concatenate %get3A_19, %get3A_24 in 1 : vector<1000x64xf32>, vector<1000x64xf32> -> vector<1000x128xf32>
    %mul3A = vector.broadcast %select_n3A : vector<1000x1xf32> to vector<1000x128xf32>
    %mul3A_25 = arith.mulf %concatenate3A, %mul3A : vector<1000x128xf32>
    %get3A_26 = arith.constant 0 : index
    %get3A_27 = arith.constant 0 : index
    %get3A_28 = vector.load %arg1[%get3A_26, %get3A_27] : memref<1000x128xf32, #tpu.memory_space<vmem>>, vector<1000x128xf32>
    %get3A_29 = arith.constant 0 : index
    %get3A_30 = arith.constant 0 : index
    %get3A_31 = vector.load %arg4[%get3A_29, %get3A_30] : memref<128x128xf32, #tpu.memory_space<vmem>>, vector<128x128xf32>
    %dot_general3A = arith.constant dense<0.000000e+00> : vector<1000x128xf32>
    %dot_general3A_32 = tpu.matmul %get3A_28, %get3A_31, %dot_general3A {dimension_numbers = #tpu.dot_dimension_numbers<[1], [0], [0], [1], [0, 0, 1, 1], [], []>, transpose_lhs_hint = false} : vector<1000x128xf32>, vector<128x128xf32>, vector<1000x128xf32> -> vector<1000x128xf32>
    %get3A_33 = arith.constant 0 : index
    %get3A_34 = arith.constant 0 : index
    %get3A_35 = vector.load %arg5[%get3A_33, %get3A_34] : memref<128x128xf32, #tpu.memory_space<vmem>>, vector<128x128xf32>
    %dot_general3A_36 = arith.constant dense<0.000000e+00> : vector<1000x128xf32>
    %dot_general3A_37 = tpu.matmul %mul3A_25, %get3A_35, %dot_general3A_36 {dimension_numbers = #tpu.dot_dimension_numbers<[1], [0], [0], [1], [0, 0, 1, 1], [], []>, transpose_lhs_hint = false} : vector<1000x128xf32>, vector<128x128xf32>, vector<1000x128xf32> -> vector<1000x128xf32>
    %add3A_38 = arith.addf %dot_general3A_32, %dot_general3A_37 : vector<1000x128xf32>
    %get3A_39 = arith.constant 0 : index
    %get3A_40 = arith.constant 0 : index
    %get3A_41 = vector.load %arg6[%get3A_39, %get3A_40] : memref<1x128xf32, #tpu.memory_space<vmem>>, vector<1x128xf32>
    %add3A_42 = vector.broadcast %get3A_41 : vector<1x128xf32> to vector<1000x128xf32>
    %add3A_43 = arith.addf %add3A_38, %add3A_42 : vector<1000x128xf32>
    %max3A_44 = arith.constant 0.000000e+00 : f32
    %max3A_45 = vector.broadcast %max3A_44 : f32 to vector<1000x128xf32>
    %max3A_46 = arith.maximumf %add3A_43, %max3A_45 : vector<1000x128xf32>
    %get3A_47 = arith.constant 0 : index
    %get3A_48 = arith.constant 0 : index
    %get3A_49 = vector.load %arg7[%get3A_47, %get3A_48] : memref<128x40xf32, #tpu.memory_space<vmem>>, vector<128x40xf32>
    %dot_general3A_50 = arith.constant dense<0.000000e+00> : vector<1000x40xf32>
    %dot_general3A_51 = tpu.matmul %max3A_46, %get3A_49, %dot_general3A_50 {dimension_numbers = #tpu.dot_dimension_numbers<[1], [0], [0], [1], [0, 0, 1, 1], [], []>, transpose_lhs_hint = false} : vector<1000x128xf32>, vector<128x40xf32>, vector<1000x40xf32> -> vector<1000x40xf32>
    %get3A_52 = arith.constant 0 : index
    %get3A_53 = arith.constant 0 : index
    %get3A_54 = vector.load %arg9[%get3A_52, %get3A_53] : memref<1x40xf32, #tpu.memory_space<vmem>>, vector<1x40xf32>
    %add3A_55 = vector.broadcast %get3A_54 : vector<1x40xf32> to vector<1000x40xf32>
    %add3A_56 = arith.addf %dot_general3A_51, %add3A_55 : vector<1000x40xf32>
    %get3A_57 = arith.constant 0 : index
    %get3A_58 = arith.constant 0 : index
    %get3A_59 = vector.load %arg8[%get3A_57, %get3A_58] : memref<128x40xf32, #tpu.memory_space<vmem>>, vector<128x40xf32>
    %dot_general3A_60 = arith.constant dense<0.000000e+00> : vector<1000x40xf32>
    %dot_general3A_61 = tpu.matmul %max3A_46, %get3A_59, %dot_general3A_60 {dimension_numbers = #tpu.dot_dimension_numbers<[1], [0], [0], [1], [0, 0, 1, 1], [], []>, transpose_lhs_hint = false} : vector<1000x128xf32>, vector<128x40xf32>, vector<1000x40xf32> -> vector<1000x40xf32>
    %broadcast_in_dim3A_62 = arith.constant 0.000000e+00 : f32
    %broadcast_in_dim3A_63 = vector.broadcast %broadcast_in_dim3A_62 : f32 to vector<1000x7xf32>
    %broadcast_in_dim3A_64 = arith.constant 0.000000e+00 : f32
    %broadcast_in_dim3A_65 = vector.broadcast %broadcast_in_dim3A_64 : f32 to vector<1000x8xf32>
    %concatenate3A_66 = tpu.concatenate %add3A_56, %select_n3A, %broadcast_in_dim3A_63 in 1 : vector<1000x40xf32>, vector<1000x1xf32>, vector<1000x7xf32> -> vector<1000x48xf32>
    %swap3A = arith.constant 0 : index
    %swap3A_67 = arith.constant 0 : index
    %swap3A_68 = vector.load %arg10[%swap3A, %swap3A_67] : memref<1000x48xf32, #tpu.memory_space<vmem>>, vector<1000x48xf32>
    tpu.vector_store %arg10[%swap3A, %swap3A_67], %concatenate3A_66 {strides = array<i32>} : memref<1000x48xf32, #tpu.memory_space<vmem>>, vector<1000x48xf32>,
    %concatenate3A_69 = tpu.concatenate %dot_general3A_61, %broadcast_in_dim3A_65 in 1 : vector<1000x40xf32>, vector<1000x8xf32> -> vector<1000x48xf32>
    %swap3A_70 = arith.constant 0 : index
    %swap3A_71 = arith.constant 0 : index
    %swap3A_72 = vector.load %arg11[%swap3A_70, %swap3A_71] : memref<1000x48xf32, #tpu.memory_space<vmem>>, vector<1000x48xf32>
    tpu.vector_store %arg11[%swap3A_70, %swap3A_71], %concatenate3A_69 {strides = array<i32>} : memref<1000x48xf32, #tpu.memory_space<vmem>>, vector<1000x48xf32>,
    return
  }
  func.func @transform_0(%arg0: i32) -> (i32, i32) {
    %c0_i32 = arith.constant 0 : i32
    %c0_i32_0 = arith.constant 0 : i32
    return %arg0, %c0_i32 : i32, i32
  }
  func.func @transform_1(%arg0: i32) -> (i32, i32, i32) {
    %c0_i32 = arith.constant 0 : i32
    %c0_i32_0 = arith.constant 0 : i32
    %c0_i32_1 = arith.constant 0 : i32
    return %c0_i32, %arg0, %c0_i32_0 : i32, i32, i32
  }
  func.func @transform_2(%arg0: i32) -> (i32, i32, i32) {
    %c0_i32 = arith.constant 0 : i32
    %c0_i32_0 = arith.constant 0 : i32
    %c0_i32_1 = arith.constant 0 : i32
    return %c0_i32, %arg0, %c0_i32_0 : i32, i32, i32
  }
  func.func @transform_3(%arg0: i32) -> (i32, i32) {
    %c0_i32 = arith.constant 0 : i32
    %c0_i32_0 = arith.constant 0 : i32
    %c0_i32_1 = arith.constant 0 : i32
    return %c0_i32, %c0_i32_0 : i32, i32
  }
  func.func @transform_4(%arg0: i32) -> (i32, i32) {
    %c0_i32 = arith.constant 0 : i32
    %c0_i32_0 = arith.constant 0 : i32
    %c0_i32_1 = arith.constant 0 : i32
    return %c0_i32, %c0_i32_0 : i32, i32
  }
  func.func @transform_5(%arg0: i32) -> (i32, i32) {
    %c0_i32 = arith.constant 0 : i32
    %c0_i32_0 = arith.constant 0 : i32
    %c0_i32_1 = arith.constant 0 : i32
    return %c0_i32, %c0_i32_0 : i32, i32
  }
  func.func @transform_6(%arg0: i32) -> (i32, i32) {
    %c0_i32 = arith.constant 0 : i32
    %c0_i32_0 = arith.constant 0 : i32
    %c0_i32_1 = arith.constant 0 : i32
    return %c0_i32, %c0_i32_0 : i32, i32
  }
  func.func @transform_7(%arg0: i32) -> (i32, i32) {
    %c0_i32 = arith.constant 0 : i32
    %c0_i32_0 = arith.constant 0 : i32
    %c0_i32_1 = arith.constant 0 : i32
    return %c0_i32, %c0_i32_0 : i32, i32
  }
  func.func @transform_8(%arg0: i32) -> (i32, i32) {
    %c0_i32 = arith.constant 0 : i32
    %c0_i32_0 = arith.constant 0 : i32
    %c0_i32_1 = arith.constant 0 : i32
    return %c0_i32, %c0_i32_0 : i32, i32
  }
  func.func @transform_9(%arg0: i32) -> (i32, i32) {
    %c0_i32 = arith.constant 0 : i32
    %c0_i32_0 = arith.constant 0 : i32
    return %arg0, %c0_i32 : i32, i32
  }
  func.func @transform_10(%arg0: i32) -> (i32, i32) {
    %c0_i32 = arith.constant 0 : i32
    %c0_i32_0 = arith.constant 0 : i32
    return %arg0, %c0_i32 : i32, i32
  }
}

module attributes {stable_mosaic.version = 14 : i64} {
  func.func @body(%arg0: i32, %arg1: memref<1000x48xf32, #tpu.memory_space<vmem>>, %arg2: memref<2x1000x48xf32, #tpu.memory_space<vmem>>, %arg3: memref<1000x40xf32, #tpu.memory_space<vmem>>) attributes {dimension_semantics = [#tpu.dimension_semantics<arbitrary>], iteration_bounds = array<i64: 10>, scalar_prefetch = 0 : i64, scratch_operands = 0 : i64, tpu.core_type = #tpu.core_type<tc>, window_params = [{transform_indices = @transform_0, window_bounds = array<i64: 1000, 48>}, {transform_indices = @transform_1, window_bounds = array<i64: 2, 1000, 48>}, {transform_indices = @transform_2, window_bounds = array<i64: 1000, 40>}]} {
    %get3A = arith.constant 0 : index
    %get3A_0 = arith.constant 40 : index
    %get3A_1 = vector.load %arg1[%get3A, %get3A_0] : memref<1000x48xf32, #tpu.memory_space<vmem>>, vector<1000x1xf32>
    %get3A_2 = arith.constant 0 : index
    %get3A_3 = arith.constant 0 : index
    %get3A_4 = arith.constant 0 : index
    %get3A_5 = vector.load %arg2[%get3A_2, %get3A_3, %get3A_4] : memref<2x1000x48xf32, #tpu.memory_space<vmem>>, vector<1x1000x40xf32>
    %get3A_6 = vector.shape_cast %get3A_5 : vector<1x1000x40xf32> to vector<1000x40xf32>
    %get3A_7 = arith.constant 1 : index
    %get3A_8 = arith.constant 0 : index
    %get3A_9 = arith.constant 0 : index
    %get3A_10 = vector.load %arg2[%get3A_7, %get3A_8, %get3A_9] : memref<2x1000x48xf32, #tpu.memory_space<vmem>>, vector<1x1000x40xf32>
    %get3A_11 = vector.shape_cast %get3A_10 : vector<1x1000x40xf32> to vector<1000x40xf32>
    %add3A = arith.addf %get3A_6, %get3A_11 : vector<1000x40xf32>
    %get3A_12 = arith.constant 0 : index
    %get3A_13 = arith.constant 0 : index
    %get3A_14 = vector.load %arg1[%get3A_12, %get3A_13] : memref<1000x48xf32, #tpu.memory_space<vmem>>, vector<1000x40xf32>
    %mul3A = vector.broadcast %get3A_1 : vector<1000x1xf32> to vector<1000x40xf32>
    %mul3A_15 = arith.mulf %add3A, %mul3A : vector<1000x40xf32>
    %add3A_16 = arith.addf %get3A_14, %mul3A_15 : vector<1000x40xf32>
    %swap3A = arith.constant 0 : index
    %swap3A_17 = arith.constant 0 : index
    %swap3A_18 = vector.load %arg3[%swap3A, %swap3A_17] : memref<1000x40xf32, #tpu.memory_space<vmem>>, vector<1000x40xf32>
    tpu.vector_store %arg3[%swap3A, %swap3A_17], %add3A_16 {strides = array<i32>} : memref<1000x40xf32, #tpu.memory_space<vmem>>, vector<1000x40xf32>,
    return
  }
  func.func @transform_0(%arg0: i32) -> (i32, i32) {
    %c0_i32 = arith.constant 0 : i32
    %c0_i32_0 = arith.constant 0 : i32
    return %arg0, %c0_i32 : i32, i32
  }
  func.func @transform_1(%arg0: i32) -> (i32, i32, i32) {
    %c0_i32 = arith.constant 0 : i32
    %c0_i32_0 = arith.constant 0 : i32
    %c0_i32_1 = arith.constant 0 : i32
    return %c0_i32, %arg0, %c0_i32_0 : i32, i32, i32
  }
  func.func @transform_2(%arg0: i32) -> (i32, i32) {
    %c0_i32 = arith.constant 0 : i32
    %c0_i32_0 = arith.constant 0 : i32
    return %arg0, %c0_i32 : i32, i32
  }
}

</mosaic_0001>

<sc_bundles>
// kernel: kernel.6.cloned.1.call-start
scs
__scs_entry_jumppad:
0x0: {  	(pc) =	sbr.rel $0x88, $3  }
0x1: {  	(tag) =	ssettag $0x0;
	lr =	simm.s32 $0x1  }
0x2: {  	[smem:$0x3F99] =	sst lr;
	_ =	strace $0xD0000000  }
0x3: {  	_ = 	snop  }
0x4: {  	_ = 	snop  }
0x5: {  	_ = 	snop  }
0x6: {  	_ = 	snop  }
0x7: {  	_ = 	snop  }
__scs_overlays_trampoline_lowered:
0x8: {  	[smem:$0x3FA8] =	sst s0  }
0x9: {  	[smem:$0x3FA9] =	sst s1  }
0xa: {  	[smem:$0x3FAA] =	sst s2  }
0xb: {  	[smem:$0x3FAB] =	sst s3  }
0xc: {  	[smem:$0x3FAC] =	sst s4  }
0xd: {  	[smem:$0x3FAD] =	sst s5  }
0xe: {  	[smem:$0x3FAE] =	sst s6  }
0xf: {  	[smem:$0x3FAF] =	sst s7  }
0x10: {  	[smem:$0x3FB0] =	sst s8  }
0x11: {  	[smem:$0x3FB1] =	sst s9;
	s0 =	simm.s32 @!p0 $0x0  }
0x12: {  	s1 =	sld [smem:$0x3F97];
	s0 =	simm.s32 @p0 $0x1  }
0x13: {  	[smem:$0x3FB2] =	sst s0;
	s0 =	simm.s32 @!p1 $0x0  }
0x14: {  	s2 =	sld [smem:$0x3F96];
	s0 =	simm.s32 @p1 $0x1  }
0x15: {  	[smem:$0x3FB3] =	sst s0;
	s0 =	simm.s32 @!p2 $0x0  }
0x16: {  	s3 =	sld [smem:$0x3FDB];
	s0 =	simm.s32 @p2 $0x1  }
0x17: {  	s4 =	simm.s32 $0x1BF5;
	[smem:$0x3FB5] =	sst s0  }
0x18: {  	s0 =	sld [smem:$0x3F98];
	_ =	swait.ge [sflag:s4], $0x0  }
0x19: {  	s7 =	sld [smem:$0x3F99]  }
0x1a: {  	s8 =	sadd.s32 $0xFFFFE003, lr  }
0x1b: {  	s9 =	sadd.s32 $0xFFFFFEF7, lr;
	s5 =	simm.s32 $0xFFFFFFFF;
	p2 =	slt.u32 s8, $0xFFFFF086  }
0x1c: {  	p1 =	slt.u32 s9, $0xF7A;
	s5 =	simm.s32 @!p2 $0x0  }
0x1d: {  	s5 =	simm.s32 @p1 $0x1;
	p0 =	seq.s32 s7, s2  }
0x1e: {  	s7 =	smul.u32 @!p0 $0xF7A, s2;
	p2 =	seq.s32 @!p0 s5, $0x0  }
0x1f: {  	s9 =	smul.u32 $0xF7A, s1;
	s8 =	simm.s32 @!p0 $0x1BF5;
	p2 =	por !p2, p0  }
0x20: {  	[sflag:s8] =	ssyncset.s32 @!p0 $0xFFFFF086;
	s6 =	sadd.s32 @!p0 s3, s7;
	s7 =	simm.s32 @!p0 $0x108  }
0x21: {  	s3 =	sadd.s32 s3, s9;
	s6 =	sadd.s32 @!p0 $0x88, s6;
	s7 =	simm.s32 @p2 $0x1082  }
0x22: {  	[simem:s7], [sflag:s8] =	dma.local @!p0 [hbm:s6], $0xF7A  }
0x23: {  	s9 =	sor.u32 $0xD0000000, s2;
	s6 =	simm.s32 $0x108;
	_ =	swait.ge @!p0 [sflag:s8], $0x0  }
0x24: {  	s3 =	sadd.s32 $0x88, s3;
	s6 =	simm.s32 @!p1 $0x1082;
	[sflag:s4] =	ssyncset.s32 $0xFFFFF086  }
0x25: {  	[simem:s6], [sflag:s4] =	dma.local [hbm:s3], $0xF7A  }
0x26: {  	[smem:$0x3F99] =	sst s1;
	(tag) =	ssettag s2;
	_ =	strace s9  }
0x27: {  	s1 =	sld [smem:$0x3FA9]  }
0x28: {  	s2 =	sld [smem:$0x3FAA]  }
0x29: {  	s4 =	sld [smem:$0x3FAC]  }
0x2a: {  	p0 =	seq.s32 s5, $0x0;
	s5 =	sld [smem:$0x3FAD]  }
0x2b: {  	s6 =	sld [smem:$0x3FAE]  }
0x2c: {  	s7 =	sld [smem:$0x3FAF]  }
0x2d: {  	s3 =	simm.s32 $0x108;
	s8 =	sld [smem:$0x3FB0]  }
0x2e: {  	s3 =	simm.s32 @!p0 $0x1082;
	s9 =	sld [smem:$0x3FB1]  }
0x2f: {  	lr =	sadd.s32 s0, s3;
	s0 =	sld [smem:$0x3FA8]  }
0x30: {  	s3 =	sld [smem:$0x3FAB]  }
0x31: {  	[smem:$0x3FB4] =	sst s10  }
0x32: {  	s10 =	sld [smem:$0x3FB2];
	_ =	sdelay $0x3  }
0x33: {  	p0 =	seq.s32 s10, $0x1;
	s10 =	sld [smem:$0x3FB4];
	_ =	sdelay $0x3  }
0x34: {  	[smem:$0x3FB4] =	sst s10  }
0x35: {  	s10 =	sld [smem:$0x3FB3];
	_ =	sdelay $0x3  }
0x36: {  	p1 =	seq.s32 s10, $0x1;
	s10 =	sld [smem:$0x3FB4];
	_ =	sdelay $0x3  }
0x37: {  	[smem:$0x3FB4] =	sst s10  }
0x38: {  	s10 =	sld [smem:$0x3FB5]  }
0x39: {  	_ = 	snop;
	(pc) =	sbr.ind lr, $3  }
0x3a: {  	_ = 	snop  }
0x3b: {  	_ = 	snop  }
0x3c: {  	p2 =	seq.s32 s10, $0x1;
	s10 =	sld [smem:$0x3FB4]  }
0x3d: {  	_ =	shalt  }
0x3e: {  	_ =	shalt  }
0x3f: {  	_ =	shalt  }
0x40: {  	_ =	shalt  }
0x41: {  	_ =	shalt  }
0x42: {  	_ =	shalt  }
0x43: {  	_ =	shalt  }
0x44: {  	_ =	shalt  }
0x45: {  	_ =	shalt  }
0x46: {  	_ =	shalt  }
0x47: {  	_ =	shalt  }
0x48: {  	_ =	shalt  }
0x49: {  	_ =	shalt  }
0x4a: {  	_ =	shalt  }
0x4b: {  	_ =	shalt  }
0x4c: {  	_ =	shalt  }
0x4d: {  	_ =	shalt  }
0x4e: {  	_ =	shalt  }
0x4f: {  	_ =	shalt  }
0x50: {  	_ =	shalt  }
0x51: {  	_ =	shalt  }
0x52: {  	_ =	shalt  }
0x53: {  	_ =	shalt  }
0x54: {  	_ =	shalt  }
0x55: {  	_ =	shalt  }
0x56: {  	_ =	shalt  }
0x57: {  	_ =	shalt  }
0x58: {  	_ =	shalt  }
0x59: {  	_ =	shalt  }
0x5a: {  	_ =	shalt  }
0x5b: {  	_ =	shalt  }
0x5c: {  	_ =	shalt  }
0x5d: {  	_ =	shalt  }
0x5e: {  	_ =	shalt  }
0x5f: {  	_ =	shalt  }
0x60: {  	_ =	shalt  }
0x61: {  	_ =	shalt  }
0x62: {  	_ =	shalt  }
0x63: {  	_ =	shalt  }
0x64: {  	_ =	shalt  }
0x65: {  	_ =	shalt  }
0x66: {  	_ =	shalt  }
0x67: {  	_ =	shalt  }
0x68: {  	_ =	shalt  }
0x69: {  	_ =	shalt  }
0x6a: {  	_ =	shalt  }
0x6b: {  	_ =	shalt  }
0x6c: {  	_ =	shalt  }
0x6d: {  	_ =	shalt  }
0x6e: {  	_ =	shalt  }
0x6f: {  	_ =	shalt  }
0x70: {  	_ =	shalt  }
0x71: {  	_ =	shalt  }
0x72: {  	_ =	shalt  }
0x73: {  	_ =	shalt  }
0x74: {  	_ =	shalt  }
0x75: {  	_ =	shalt  }
0x76: {  	_ =	shalt  }
0x77: {  	_ =	shalt  }
0x78: {  	_ =	shalt  }
0x79: {  	_ =	shalt  }
0x7a: {  	_ =	shalt  }
0x7b: {  	_ =	shalt  }
0x7c: {  	_ =	shalt  }
0x7d: {  	_ =	shalt  }
0x7e: {  	_ =	shalt  }
0x7f: {  	_ =	shalt  }
0x80: {  	_ =	shalt  }
0x81: {  	_ =	shalt  }
0x82: {  	_ =	shalt  }
0x83: {  	_ =	shalt  }
0x84: {  	_ =	shalt  }
0x85: {  	_ =	shalt  }
0x86: {  	_ =	shalt  }
0x87: {  	_ =	shalt  }
.Lfunc_end0:
.L_simem_size_0:
called_computation_lowered:
.L_overlay_start_0:
0x88: {  	s2 =	sld [smem:$0x3FD9]  }
0x89: {  	s3 =	sld [smem:$0x3FFE];
	_ =	sdelay $0x1  }
0x8a: {  	s1 =	srdreg.scid  }
0x8b: {  	s0 =	sand.u32 $0x1, s1  }
0x8c: {  	s17 =	sshll.u32 s0, $0xA;
	s2 =	sadd.s32 s3, s2  }
0x8d: {  	s2 =	sadd.s32 s2, s17  }
0x8e: {  	[smem:$0x3FC0] =	sst s2  }
0x8f: {  	_ = 	snop  }
0x90: {  	s2 =	sld [smem:$0x3FD0];
	(tm) =	ssettm $0x1  }
0x91: {  	s18 =	sld [smem:$0x3FFB];
	_ =	sdelay $0x3  }
0x92: {  	_ =	strace s18  }
0x93: {  	s3 =	sld [smem:$0x3FFC];
	_ =	sdelay $0x3  }
0x94: {  	_ =	strace s3  }
0x95: {  	s3 =	sld [smem:$0x3FFD];
	_ =	sdelay $0x3  }
0x96: {  	_ =	strace s3  }
0x97: {  	_ =	strace $0x8FFFFFFF  }
0x98: {  	s19 =	sld [smem:$0x3FDB];
	_ =	sdelay $0x1  }
0x99: {  	s4 =	simm.s32 $_scs_section_size  }
0x9a: {  	s5 =	simm.s32 $_size__tile_overlayer_lowered;
	s6 =	simm.s32 $_tile_overlayer_lowered  }
0x9b: {  	s22 =	simm.s32 $0x1BFF;
	s21 =	sshll.u32 s6, $0x1;
	s3 =	sadd.s32 s4, s19  }
0x9c: {  	s7 =	simm.s32 $0x0;
	s20 =	sshll.u32 s5, $0x1;
	s5 =	sadd.s32 s21, s3  }
0x9d: {  	[timem:s7], [sflag:s22] =	dma.local [hbm:s5], s20  }
0x9e: {  	_ =	swait.ge [sflag:s22], s20  }
0x9f: {  	s4 =	ssub.s32 $0x0, s20;
	[sflag:s22] =	ssyncset.done $0x0  }
0xa0: {  	[sflag:s22] =	ssyncadd.s32 s4;
	_ =	sdelay $0x1  }
0xa1: {  	s23 =	simm.s32 $0x1B8B  }
0xa2: {  	_ =	swait.ge [sflag:s23], $0x1  }
0xa3: {  	[sflag:s23] =	ssyncset.done $0x0  }
0xa4: {  	s25 =	simm.s32 $0x1B8E;
	s24 =	sld [smem:$0x3FFE];
	[sflag:s23] =	ssyncadd.s32 $0xFFFFFFFF  }
0xa5: {  	s26 =	simm.s32 $execute0_lowered;
	[smem:$0x3FD2] =	sst s25  }
0xa6: {  	s5 =	sshll.u32 s26, $0x1;
	_ =	strace $0x80000046;
	[dreg:$0x1] =	wrdreg $0xFFFFFFFF  }
0xa7: {  	s28 =	simm.s32 $_size_execute0_lowered;
	s3 =	sadd.s32 s3, s5;
	[dreg:$0x0] =	wrdreg $0x0  }
0xa8: {  	s5 =	sshll.u32 s28, $0x1;
	[dreg:$0x2] =	wrdreg s3  }
0xa9: {  	[dreg:$0x3] =	wrdreg s5  }
0xaa: {  	[dreg:$0x4] =	wrdreg $0xC0  }
0xab: {  	_ =	task [dreg:s7], $0x5FFFF  }
0xac: {  	[dreg:$0x1] =	wrdreg $0xFFFFFFFF  }
0xad: {  	[dreg:$0x0] =	wrdreg $0x60  }
0xae: {  	[dreg:$0x2] =	wrdreg s24  }
0xaf: {  	[dreg:$0x3] =	wrdreg s2  }
0xb0: {  	[dreg:$0x4] =	wrdreg $0xCE400  }
0xb1: {  	[dreg:$0x5] =	wrdreg $0x16E400  }
0xb2: {  	[dreg:$0x6] =	wrdreg $0x9  }
0xb3: {  	_ =	task.clear_ibuf [dreg:s7], $0x7FFFF;
	_ =	strace $0x90000046  }
0xb4: {  	s29 =	simm.s32 $0x9;
	_ =	strace $0x80000048  }
0xb5: {  	_ =	swait.ge [sflag:s29], $0x1  }
0xb6: {  	[sflag:s29] =	ssyncadd.s32 $0xFFFFFFFF  }
0xb7: {  	_ =	strace $0x90000048  }
0xb8: {  	_ =	sfence  }
0xb9: {  	s30 =	sld [smem:$0x0];
	_ =	sdelay $0x2  }
0xba: {  	s31 =	sshll.u32 s1, $0xD;
	s1 =	sshrl.u32 s1, $0x2  }
0xbb: {  	s3 =	sand.u32 $0x4000, s31;
	s1 =	sadd.s32 s1, s30  }
0xbc: {  	s0 =	sor.u32 s3, s0;
	s1 =	sshll.u32 s1, $0x11  }
0xbd: {  	s0 =	sor.u32 s1, s0  }
0xbe: {  	s0 =	sadd.s32 $0x8F2B, s0  }
0xbf: {  	[sflag:s0] =	ssyncadd.remote.s32 $0x1  }
0xc0: {  	_ =	sfence.sel $0xFFFF  }
0xc1: {  	[dreg:$0x0] =	wrdreg $0xFFFFFFFF;
	(pc) =	sbr.abs _section_cstart, $3  }
0xc2: {  	[dreg:$0x1] =	wrdreg $0xFFFFFFFF  }
0xc3: {  	_ =	task.clear_ibuf [dreg:s7], $0x2FFFF;
	_ =	strace $0x9FFFFFFF  }
0xc4: {  	(tm) =	ssettm $0x7FFFFFFF  }
0xc5: {  	_ =	shalt  }
tec
execute0_lowered:
.L_overlay_start_1:
0x0: {  	(tag) =	ssettag $0x1  }
0x1: {  	s0 =	srdreg.scid  }
0x2: {  	s25 =	stileid.u32;
	s6 =	sand.u32 $0x1, s0;
	s0 =	rddreg [dreg:$0x0]  }
0x3: {  	s9 =	smul.u32 $0x280, s25;
	s1 =	ssub.s32 $0x2, s6;
	s12 =	sadd.s32 $0x3C600, s0  }
0x4: {  	s17 =	smul.u32 $0xA0000, s6;
	p0 =	sne.s32 s6, $0x0;
	p1 =	seq.s32 s6, $0x0  }
0x5: {  	s2 =	sshrl.u32 s1, $0x1;
	s13 =	sor.u32 $0x50, s9;
	s14 =	sadd.s32 $0xA0, s9  }
0x6: {  	s15 =	sadd.s32 $0xF0, s9;
	s16 =	sadd.s32 $0x140, s9;
	s18 =	sadd.s32 $0x190, s9  }
0x7: {  	s19 =	sadd.s32 $0x1E0, s9;
	s20 =	sadd.s32 $0x230, s9;
	s7 =	ssub.s32 s1, s2  }
0x8: {  	s1 =	smul.u32 $0xA000, s25;
	s4 =	sshll.u32 s13, $0x6;
	s2 =	sshll.u32 s14, $0x6  }
0x9: {  	s3 =	sshll.u32 s15, $0x6;
	s5 =	sshll.u32 s16, $0x6;
	s10 =	sshll.u32 s18, $0x6  }
0xa: {  	s8 =	sshll.u32 s19, $0x6;
	s13 =	sshll.u32 s13, $0x4;
	s14 =	sshll.u32 s14, $0x4  }
0xb: {  	s15 =	sshll.u32 s15, $0x4;
	s16 =	sshll.u32 s16, $0x4;
	s19 =	sshll.u32 s19, $0x4  }
0xc: {  	s21 =	sadd.s32 s17, s4;
	s26 =	sadd.s32 s17, s2;
	s30 =	sadd.s32 s17, s3  }
0xd: {  	s11 =	sadd.s32 s1, s17;
	s24 =	sshrl.u32 s21, $0x3;
	s21 =	sshrl.u32 s30, $0x3  }
0xe: {  	s22 =	sadd.s32 s17, s5;
	s23 =	sshrl.u32 s11, $0x3;
	s31 =	sadd.s32 s12, s21  }
0xf: {  	s11 =	sshll.u32 s20, $0x6;
	s9 =	sadd.s32 s12, s23;
	[dreg:$0x8] =	wrdreg s31  }
0x10: {  	s21 =	sshrl.u32 s22, $0x3;
	[dreg:$0x5] =	wrdreg s9;
	s9 =	sadd.s32 s12, s24  }
0x11: {  	s22 =	sadd.s32 s17, s10;
	[dreg:$0x6] =	wrdreg s9;
	s9 =	sshrl.u32 s26, $0x3  }
0x12: {  	s23 =	sadd.s32 s17, s8;
	s17 =	sadd.s32 s17, s11;
	s9 =	sadd.s32 s12, s9  }
0x13: {  	s20 =	sshll.u32 s20, $0x4;
	s26 =	sshrl.u32 s17, $0x3;
	[dreg:$0x7] =	wrdreg s9  }
0x14: {  	s9 =	sadd.s32 s12, s21;
	s21 =	sshrl.u32 s23, $0x3;
	s23 =	rddreg [dreg:$0x1]  }
0x15: {  	[dreg:$0x9] =	wrdreg s9;
	s9 =	sshrl.u32 s22, $0x3;
	s24 =	sadd.s32 s12, s21  }
0x16: {  	s21 =	smul.u32 $0x28000, s6;
	s9 =	sadd.s32 s12, s9;
	[dreg:$0xb] =	wrdreg s24  }
0x17: {  	s22 =	sshll.u32 s18, $0x4;
	s6 =	smul.u32 $0x2710, s6;
	[dreg:$0xa] =	wrdreg s9  }
0x18: {  	s9 =	sadd.s32 s12, s26;
	s12 =	smul.u32 $0x2800, s25;
	s31 =	sadd.s32 s21, s13  }
0x19: {  	s24 =	sadd.s32 s21, s14;
	s26 =	sadd.s32 s21, s15;
	s25 =	smul.u32 $0x9C4, s25  }
0x1a: {  	v0 =	vmov s6;
	s6 =	simm.s32 $0x0;
	[dreg:$0xc] =	wrdreg s9;
	s9 =	simm.s32 $0x0  }
0x1b: {  	s18 =	sshrl.u32 s31, $0x3;
	s24 =	sshrl.u32 s24, $0x3;
	s30 =	sadd.s32 s12, s21  }
0x1c: {  	[smem:$0x7FF] =	sst s9;
	s18 =	sadd.s32 s23, s18;
	s17 =	sshrl.u32 s30, $0x3  }
0x1d: {  	[dreg:$0xe] =	wrdreg s18;
	s30 =	sadd.s32 s21, s16;
	s17 =	sadd.s32 s23, s17  }
0x1e: {  	s31 =	sadd.s32 s21, s22;
	s18 =	sshrl.u32 s30, $0x3;
	[dreg:$0xd] =	wrdreg s17  }
0x1f: {  	s17 =	sadd.s32 s23, s24;
	s18 =	sadd.s32 s23, s18;
	s24 =	sshrl.u32 s31, $0x3  }
0x20: {  	s31 =	sadd.s32 s25, s0;
	[dreg:$0xf] =	wrdreg s17;
	s17 =	sshrl.u32 s26, $0x3  }
0x21: {  	[dreg:$0x11] =	wrdreg s18;
	s26 =	sadd.s32 s21, s19;
	s21 =	sadd.s32 s21, s20  }
0x22: {  	s18 =	rddreg [dreg:$0x3];
	s17 =	sadd.s32 s23, s17;
	s30 =	sshrl.u32 s26, $0x3  }
0x23: {  	s21 =	sshrl.u32 s21, $0x3;
	[dreg:$0x10] =	wrdreg s17;
	s17 =	sadd.s32 s23, s24  }
0x24: {  	s25 =	sadd.s32 s12, s18;
	s24 =	sadd.s32 s23, s30;
	[dreg:$0x12] =	wrdreg s17  }
0x25: {  	s28 =	sadd.s32 s13, s18;
	s21 =	sadd.s32 s23, s21;
	[dreg:$0x13] =	wrdreg s24  }
0x26: {  	s12 =	sadd.s32 s15, s18;
	s30 =	sadd.s32 $0x1800, s31;
	[dreg:$0x14] =	wrdreg s21  }
0x27: {  	s17 =	rddreg [dreg:$0x2];
	s21 =	sadd.s32 $0x15400, s0;
	_ =	strace $0x80000047  }
0x28: {  	s24 =	sadd.s32 s1, s17;
	s26 =	sadd.s32 s4, s17;
	[dreg:$0x17] =	wrdreg s12  }
0x29: {  	s29 =	sadd.s32 s2, s17;
	s2 =	sadd.s32 s14, s18;
	[dreg:$0x1d] =	wrdreg s30  }
0x2a: {  	s4 =	sadd.s32 s3, s17;
	s13 =	sadd.s32 s5, s17;
	[dreg:$0x15] =	wrdreg s2  }
0x2b: {  	s14 =	sadd.s32 s16, s18;
	s15 =	sadd.s32 s10, s17;
	[dreg:$0x16] =	wrdreg s4  }
0x2c: {  	s16 =	sadd.s32 s22, s18;
	s3 =	sadd.s32 s19, s18;
	[dreg:$0x18] =	wrdreg s13  }
0x2d: {  	s5 =	sadd.s32 s20, s18;
	s22 =	sadd.s32 $0xB600, s31;
	[dreg:$0x19] =	wrdreg s14  }
0x2e: {  	s31 =	smax.u32 s7, $0x1;
	s10 =	simm.s32 $0x9C40;
	[dreg:$0x1a] =	wrdreg s15  }
0x2f: {  	s12 =	simm.s32 $0xC940;
	s19 =	simm.s32 $0x4;
	[dreg:$0x1b] =	wrdreg s16  }
0x30: {  	s20 =	simm.s32 $0x2;
	s2 =	sadd.s32 s8, s17;
	[dreg:$0x1c] =	wrdreg s22  }
0x31: {  	s4 =	sadd.s32 s11, s17;
	[dreg:$0x1e] =	wrdreg s31;
	s11 =	simm.s32 $0x3  }
0x32: {  	v1 =	vimm.f32 $0.0e+00;
	v2 =	vimm.f32 $1.000000000e+00;
	s13 =	simm.s32 $0x50;
	s14 =	simm.s32 $0x1;
	s15 =	simm.s32 $0xB040  }
.LBB2_1:
0x33: {  	s7 =	simm.s32 $0x9C60  }
0x34: {  	[tilespmem:s7+$0xFFFFFFE0] =	vst v1  }
0x35: {  	[tilespmem:s7+$0x10] =	vst v1  }
0x36: {  	[tilespmem:s7+$0x0] =	vst v1  }
0x37: {  	s8 =	simm.s32 $0x40;
	s22 =	simm.s32 $0x0;
	[tilespmem:s7+$0xFFFFFFF0] =	vst v1  }
.LBB2_2:
0x38: {  	p2 =	sne.s32 s8, $0x13C0  }
0x39: {  	[tilespmem:s22+$0xC440] =	vst v2;
	s7 =	sadd.s32 $0x40, s7;
	s23 =	smov.u32 s8;
	s8 =	sadd.s32 $0x40, s8  }
.Ltmp0:
0x3a: {  	[tilespmem:s22+$0xC940] =	vst v1;
	(pc) =	sbr.rel @p2 .LBB2_2-.Ltmp0, $4  }
0x3b: {  	[tilespmem:s7+$0xFFFFFFE0] =	vst v1  }
0x3c: {  	[tilespmem:s7+$0x10] =	vst v1  }
0x3d: {  	[tilespmem:s7+$0x0] =	vst v1  }
0x3e: {  	s22 =	sshra.s32 s23, $0x2;
	[tilespmem:s7+$0xFFFFFFF0] =	vst v1  }
0x3f: {  	[tilespmem:s22+$0xC440] =	vst v2  }
0x40: {  	[tilespmem:s22+$0xC940] =	vst v1  }
0x41: {  	[spmem:s24] =	stream.linear.scatter [tilespmem:s10], [sflag:$0x3], $0x1400, $0x38;
	[tilespmem:$0x19640] =	vst v63  }
0x42: {  	_ =	swait.ge [sflag:s11], $0x1400  }
0x43: {  	[sflag:s11] =	ssyncset.done $0x0  }
0x44: {  	[sflag:s11] =	ssyncadd.s32 $0xFFFFEC00  }
0x45: {  	[spmem:s25] =	stream.linear.scatter [tilespmem:s12], [sflag:$0x3], $0x500, $0x38;
	[tilespmem:$0x19640] =	vst v63  }
0x46: {  	_ =	swait.ge [sflag:s11], $0x500  }
0x47: {  	[sflag:s11] =	ssyncset.done $0x0  }
0x48: {  	[sflag:s11] =	ssyncadd.s32 $0xFFFFFB00  }
0x49: {  	[spmem:s26] =	stream.linear.scatter [tilespmem:s10], [sflag:$0x3], $0x1400, $0x38;
	[tilespmem:$0x19640] =	vst v63  }
0x4a: {  	_ =	swait.ge [sflag:s11], $0x1400  }
0x4b: {  	[sflag:s11] =	ssyncset.done $0x0  }
0x4c: {  	[sflag:s11] =	ssyncadd.s32 $0xFFFFEC00  }
0x4d: {  	[spmem:s28] =	stream.linear.scatter [tilespmem:s12], [sflag:$0x3], $0x500, $0x38;
	[tilespmem:$0x19640] =	vst v63  }
0x4e: {  	_ =	swait.ge [sflag:s11], $0x500  }
0x4f: {  	[sflag:s11] =	ssyncset.done $0x0  }
0x50: {  	[sflag:s11] =	ssyncadd.s32 $0xFFFFFB00  }
0x51: {  	[spmem:s29] =	stream.linear.scatter [tilespmem:s10], [sflag:$0x3], $0x1400, $0x38;
	[tilespmem:$0x19640] =	vst v63  }
0x52: {  	_ =	swait.ge [sflag:s11], $0x1400  }
0x53: {  	[sflag:s11] =	ssyncset.done $0x0  }
0x54: {  	s7 =	rddreg [dreg:$0x15];
	[sflag:s11] =	ssyncadd.s32 $0xFFFFEC00  }
0x55: {  	[spmem:s7] =	stream.linear.scatter [tilespmem:s12], [sflag:$0x3], $0x500, $0x38;
	[tilespmem:$0x19640] =	vst v63  }
0x56: {  	_ =	swait.ge [sflag:s11], $0x500  }
0x57: {  	[sflag:s11] =	ssyncset.done $0x0  }
0x58: {  	s1 =	smov.u32 s29;
	s29 =	rddreg [dreg:$0x16];
	[sflag:s11] =	ssyncadd.s32 $0xFFFFFB00  }
0x59: {  	[spmem:s29] =	stream.linear.scatter [tilespmem:s10], [sflag:$0x3], $0x1400, $0x38;
	[tilespmem:$0x19640] =	vst v63  }
0x5a: {  	_ =	swait.ge [sflag:s11], $0x1400  }
0x5b: {  	[sflag:s11] =	ssyncset.done $0x0  }
0x5c: {  	s8 =	rddreg [dreg:$0x17];
	[sflag:s11] =	ssyncadd.s32 $0xFFFFEC00  }
0x5d: {  	[spmem:s8] =	stream.linear.scatter [tilespmem:s12], [sflag:$0x3], $0x500, $0x38;
	[tilespmem:$0x19640] =	vst v63  }
0x5e: {  	_ =	swait.ge [sflag:s11], $0x500  }
0x5f: {  	[sflag:s11] =	ssyncset.done $0x0  }
0x60: {  	s22 =	rddreg [dreg:$0x18];
	[sflag:s11] =	ssyncadd.s32 $0xFFFFFB00  }
0x61: {  	[spmem:s22] =	stream.linear.scatter [tilespmem:s10], [sflag:$0x3], $0x1400, $0x38;
	[tilespmem:$0x19640] =	vst v63  }
0x62: {  	_ =	swait.ge [sflag:s11], $0x1400  }
0x63: {  	[sflag:s11] =	ssyncset.done $0x0  }
0x64: {  	s23 =	rddreg [dreg:$0x19];
	[sflag:s11] =	ssyncadd.s32 $0xFFFFEC00  }
0x65: {  	[spmem:s23] =	stream.linear.scatter [tilespmem:s12], [sflag:$0x3], $0x500, $0x38;
	[tilespmem:$0x19640] =	vst v63  }
0x66: {  	_ =	swait.ge [sflag:s11], $0x500  }
0x67: {  	[sflag:s11] =	ssyncset.done $0x0  }
0x68: {  	s30 =	smov.u32 s24;
	s24 =	rddreg [dreg:$0x1a];
	[sflag:s11] =	ssyncadd.s32 $0xFFFFFB00  }
0x69: {  	[spmem:s24] =	stream.linear.scatter [tilespmem:s10], [sflag:$0x3], $0x1400, $0x38;
	[tilespmem:$0x19640] =	vst v63  }
0x6a: {  	_ =	swait.ge [sflag:s11], $0x1400  }
0x6b: {  	[sflag:s11] =	ssyncset.done $0x0  }
0x6c: {  	s31 =	smov.u32 s25;
	s25 =	rddreg [dreg:$0x1b];
	[sflag:s11] =	ssyncadd.s32 $0xFFFFEC00  }
0x6d: {  	[spmem:s25] =	stream.linear.scatter [tilespmem:s12], [sflag:$0x3], $0x500, $0x38;
	[tilespmem:$0x19640] =	vst v63  }
0x6e: {  	_ =	swait.ge [sflag:s11], $0x500  }
0x6f: {  	[sflag:s11] =	ssyncset.done $0x0  }
0x70: {  	[sflag:s11] =	ssyncadd.s32 $0xFFFFFB00  }
0x71: {  	[spmem:s2] =	stream.linear.scatter [tilespmem:s10], [sflag:$0x3], $0x1400, $0x38;
	[tilespmem:$0x19640] =	vst v63  }
0x72: {  	_ =	swait.ge [sflag:s11], $0x1400  }
0x73: {  	[sflag:s11] =	ssyncset.done $0x0  }
0x74: {  	[sflag:s11] =	ssyncadd.s32 $0xFFFFEC00  }
0x75: {  	[spmem:s3] =	stream.linear.scatter [tilespmem:s12], [sflag:$0x3], $0x500, $0x38;
	[tilespmem:$0x19640] =	vst v63  }
0x76: {  	_ =	swait.ge [sflag:s11], $0x500  }
0x77: {  	[sflag:s11] =	ssyncset.done $0x0  }
0x78: {  	[sflag:s11] =	ssyncadd.s32 $0xFFFFFB00  }
0x79: {  	[spmem:s4] =	stream.linear.scatter [tilespmem:s10], [sflag:$0x3], $0x1400, $0x38;
	[tilespmem:$0x19640] =	vst v63  }
0x7a: {  	_ =	swait.ge [sflag:s11], $0x1400  }
0x7b: {  	[sflag:s11] =	ssyncset.done $0x0  }
0x7c: {  	[sflag:s11] =	ssyncadd.s32 $0xFFFFEC00  }
0x7d: {  	[spmem:s5] =	stream.linear.scatter [tilespmem:s12], [sflag:$0x3], $0x500, $0x38;
	[tilespmem:$0x19640] =	vst v63  }
0x7e: {  	_ =	swait.ge [sflag:s11], $0x500  }
0x7f: {  	[sflag:s11] =	ssyncset.done $0x0  }
0x80: {  	[sflag:s11] =	ssyncadd.s32 $0xFFFFFB00  }
0x81: {  	[bflag:$0x0] =	sbarrier.arrive $0xFFFF  }
0x82: {  	s16 =	smov.u32 s26;
	s26 =	simm.s32 $0x0;
	s8 =	rddreg [dreg:$0x1c]  }
0x83: {  	[tilespmem:s26], [sflag:$0x3] =	stream.linear.gather [hbm4b:s8+s26], $0x4E20, $0x38;
	[tilespmem:$0x19640] =	vst v63  }
0x84: {  	_ =	swait.ge [sflag:s11], $0x4E20  }
0x85: {  	s0 =	smov.u32 s28;
	[sflag:s11] =	ssyncset.done $0x0  }
0x86: {  	s29 =	simm.s32 $0x4E20;
	s28 =	rddreg [dreg:$0x1d];
	[sflag:s11] =	ssyncadd.s32 $0xFFFFB1E0  }
0x87: {  	[tilespmem:s29], [sflag:$0x3] =	stream.linear.gather [hbm4b:s28+s26], $0x4E20, $0x38;
	[tilespmem:$0x19640] =	vst v63  }
0x88: {  	_ =	swait.ge [sflag:s11], $0x4E20  }
0x89: {  	[sflag:s11] =	ssyncset.done $0x0  }
0x8a: {  	s7 =	simm.s32 $0x0;
	[sflag:s11] =	ssyncadd.s32 $0xFFFFB1E0  }
0x8b: {  	v6 =	vld [tilespmem:s7+$0x0]  }
0x8c: {  	v5 =	vld [tilespmem:s7+$0x10]  }
0x8d: {  	v4 =	vld [tilespmem:s7+$0x20]  }
0x8e: {  	s8 =	simm.s32 $0x140;
	v3 =	vld [tilespmem:s7+$0x30]  }
.LBB2_4:
0x8f: {  	p2 =	sne.s32 s8, $0x13740;
	v7 =	vld [tilespmem:s7+$0x40]  }
0x90: {  	v6 =	vadd.s32 v0, v6  }
.Ltmp1:
0x91: {  	s22 =	sshra.s32 s8, $0x2;
	[tilespmem:s7+$0x0] =	vst v6;
	v5 =	vadd.s32 v0, v5;
	(pc) =	sbr.rel @p2 .LBB2_4-.Ltmp1, $4  }
0x92: {  	v6 =	vld [tilespmem:s22+$0x0];
	[tilespmem:s7+$0x10] =	vst v5;
	v4 =	vadd.s32 v0, v4  }
0x93: {  	v5 =	vld [tilespmem:s22+$0x10];
	[tilespmem:s7+$0x20] =	vst v4;
	v3 =	vadd.s32 v0, v3  }
0x94: {  	v4 =	vld [tilespmem:s22+$0x20];
	[tilespmem:s7+$0x30] =	vst v3;
	v7 =	vadd.s32 v0, v7  }
0x95: {  	s8 =	sadd.s32 $0x140, s8;
	v3 =	vld [tilespmem:s22+$0x30];
	[tilespmem:s7+$0x40] =	vst v7;
	s7 =	smov.u32 s22  }
0x96: {  	v7 =	vld [tilespmem:s7+$0x40]  }
0x97: {  	v6 =	vadd.s32 v0, v6  }
0x98: {  	[tilespmem:s7+$0x0] =	vst v6;
	v5 =	vadd.s32 v0, v5  }
0x99: {  	[tilespmem:s7+$0x10] =	vst v5;
	v4 =	vadd.s32 v0, v4  }
0x9a: {  	[tilespmem:s7+$0x20] =	vst v4;
	v3 =	vadd.s32 v0, v3  }
0x9b: {  	[tilespmem:s7+$0x30] =	vst v3;
	v3 =	vadd.s32 v0, v7  }
0x9c: {  	s26 =	simm.s32 $0x0;
	[tilespmem:s7+$0x40] =	vst v3  }
0x9d: {  	[tilespmem:s10], [sflag:$0x1] =	stream.indirect.gather [hbm4b:s21+s13], $0x40, s26, s13, $0xb8;
	[tilespmem:$0x19640] =	vst v63  }
0x9e: {  	_ =	swait.ge [sflag:s14], $0x1400  }
0x9f: {  	[sflag:s14] =	ssyncset.done $0x0  }
0xa0: {  	s28 =	simm.s32 $0x50;
	[sflag:s14] =	ssyncadd.s32 $0xFFFFEC00  }
0xa1: {  	[tilespmem:s15], [sflag:$0x2] =	stream.indirect.gather [hbm4b:s21+s13], $0x40, s28, s13, $0xb8;
	[tilespmem:$0x19640] =	vst v63  }
0xa2: {  	s23 =	simm.s32 $0x4E20  }
0xa3: {  	[spmem:s17] =	stream.indirect.scatter.add.f32 [tilespmem:s10], [sflag:$0x4], $0x40, s23, s13, $0xb8;
	[tilespmem:$0x19640] =	vst v63  }
0xa4: {  	_ =	swait.ge [sflag:s19], $0x1400  }
0xa5: {  	s8 =	simm.s32 @!p0 $0x50;
	[sflag:s19] =	ssyncset.done $0x0  }
0xa6: {  	s22 =	simm.s32 @!p0 $0xC440;
	s7 =	simm.s32 @!p0 $0x4;
	[sflag:s19] =	ssyncadd.s32 $0xFFFFEC00  }
0xa7: {  	[spmem:s18] =	stream.indirect.scatter.add.f32 @!p0 [tilespmem:s22], [sflag:$0x4], $0x10, s23, s8, $0xb8;
	[tilespmem:$0x19640] =	vst v63  }
0xa8: {  	_ =	swait.ge @!p0 [sflag:s7], $0x500  }
0xa9: {  	[sflag:s7] =	ssyncset.done @!p0 $0x0  }
0xaa: {  	[sflag:s7] =	ssyncadd.s32 @!p0 $0xFFFFFB00  }
0xab: {  	_ =	swait.ge [sflag:s20], $0x1400  }
0xac: {  	[sflag:s20] =	ssyncset.done $0x0  }
0xad: {  	s29 =	simm.s32 $0xA0;
	[sflag:s20] =	ssyncadd.s32 $0xFFFFEC00  }
0xae: {  	[tilespmem:s10], [sflag:$0x1] =	stream.indirect.gather [hbm4b:s21+s13], $0x40, s29, s13, $0xb8;
	[tilespmem:$0x19640] =	vst v63  }
0xaf: {  	s26 =	simm.s32 $0x4E70  }
0xb0: {  	[spmem:s17] =	stream.indirect.scatter.add.f32 [tilespmem:s15], [sflag:$0x4], $0x40, s26, s13, $0xb8;
	[tilespmem:$0x19640] =	vst v63  }
0xb1: {  	_ =	swait.ge [sflag:s19], $0x1400  }
0xb2: {  	s24 =	simm.s32 @!p1 $0x50;
	[sflag:s19] =	ssyncset.done $0x0  }
0xb3: {  	s25 =	simm.s32 @!p1 $0xC440;
	s23 =	simm.s32 @!p1 $0x3;
	[sflag:s19] =	ssyncadd.s32 $0xFFFFEC00  }
0xb4: {  	[spmem:s18] =	stream.indirect.scatter.add.f32 @!p1 [tilespmem:s25], [sflag:$0x3], $0x10, s26, s24, $0xb8;
	[tilespmem:$0x19640] =	vst v63  }
0xb5: {  	_ =	swait.ge @!p1 [sflag:s23], $0x500  }
0xb6: {  	s26 =	simm.s32 $0x280;
	[sflag:s23] =	ssyncset.done @!p1 $0x0  }
.LBB2_6:
0xb7: {  	[sflag:s23] =	ssyncadd.s32 @!p1 $0xFFFFFB00;
	s28 =	smov.u32 s26;
	s26 =	sadd.s32 $0x280, s26  }
0xb8: {  	_ =	swait.ge [sflag:s14], $0x1400;
	p2 =	sne.s32 s26, $0x13600  }
0xb9: {  	s28 =	sshra.s32 s28, $0x2;
	[sflag:s14] =	ssyncset.done $0x0  }
0xba: {  	s29 =	sadd.s32 $0x50, s28;
	[sflag:s14] =	ssyncadd.s32 $0xFFFFEC00  }
0xbb: {  	[tilespmem:s15], [sflag:$0x2] =	stream.indirect.gather [hbm4b:s21+s13], $0x40, s29, s13, $0xb8;
	[tilespmem:$0x19640] =	vst v63  }
0xbc: {  	s29 =	sadd.s32 $0x4E20, s28  }
0xbd: {  	[spmem:s17] =	stream.indirect.scatter.add.f32 [tilespmem:s10], [sflag:$0x4], $0x40, s29, s13, $0xb8;
	[tilespmem:$0x19640] =	vst v63  }
0xbe: {  	_ =	swait.ge [sflag:s19], $0x1400  }
0xbf: {  	[sflag:s19] =	ssyncset.done $0x0  }
0xc0: {  	[sflag:s19] =	ssyncadd.s32 $0xFFFFEC00  }
0xc1: {  	[spmem:s18] =	stream.indirect.scatter.add.f32 @!p0 [tilespmem:s22], [sflag:$0x4], $0x10, s29, s8, $0xb8;
	[tilespmem:$0x19640] =	vst v63  }
0xc2: {  	_ =	swait.ge @!p0 [sflag:s7], $0x500  }
0xc3: {  	[sflag:s7] =	ssyncset.done @!p0 $0x0  }
0xc4: {  	[sflag:s7] =	ssyncadd.s32 @!p0 $0xFFFFFB00  }
0xc5: {  	_ =	swait.ge [sflag:s20], $0x1400  }
0xc6: {  	[sflag:s20] =	ssyncset.done $0x0  }
0xc7: {  	s29 =	sadd.s32 $0xA0, s28;
	[sflag:s20] =	ssyncadd.s32 $0xFFFFEC00  }
0xc8: {  	[tilespmem:s10], [sflag:$0x1] =	stream.indirect.gather [hbm4b:s21+s13], $0x40, s29, s13, $0xb8;
	[tilespmem:$0x19640] =	vst v63  }
0xc9: {  	s28 =	sadd.s32 $0x4E70, s28  }
0xca: {  	[spmem:s17] =	stream.indirect.scatter.add.f32 [tilespmem:s15], [sflag:$0x4], $0x40, s28, s13, $0xb8;
	[tilespmem:$0x19640] =	vst v63  }
0xcb: {  	_ =	swait.ge [sflag:s19], $0x1400  }
.Ltmp2:
0xcc: {  	[sflag:s19] =	ssyncset.done $0x0;
	(pc) =	sbr.rel @p2 .LBB2_6-.Ltmp2, $4  }
0xcd: {  	[sflag:s19] =	ssyncadd.s32 $0xFFFFEC00  }
0xce: {  	[spmem:s18] =	stream.indirect.scatter.add.f32 @!p1 [tilespmem:s25], [sflag:$0x3], $0x10, s28, s24, $0xb8;
	[tilespmem:$0x19640] =	vst v63  }
0xcf: {  	_ =	swait.ge @!p1 [sflag:s23], $0x500  }
0xd0: {  	[sflag:s23] =	ssyncset.done @!p1 $0x0  }
0xd1: {  	[sflag:s23] =	ssyncadd.s32 @!p1 $0xFFFFFB00  }
0xd2: {  	_ =	swait.ge [sflag:s14], $0x1400  }
0xd3: {  	[sflag:s14] =	ssyncset.done $0x0  }
0xd4: {  	s25 =	simm.s32 $0x4DD0;
	[sflag:s14] =	ssyncadd.s32 $0xFFFFEC00  }
0xd5: {  	[tilespmem:s15], [sflag:$0x2] =	stream.indirect.gather [hbm4b:s21+s13], $0x40, s25, s13, $0xb8;
	[tilespmem:$0x19640] =	vst v63  }
0xd6: {  	s26 =	simm.s32 $0x9BA0  }
0xd7: {  	[spmem:s17] =	stream.indirect.scatter.add.f32 [tilespmem:s10], [sflag:$0x4], $0x40, s26, s13, $0xb8;
	[tilespmem:$0x19640] =	vst v63  }
0xd8: {  	_ =	swait.ge [sflag:s19], $0x1400  }
0xd9: {  	[sflag:s19] =	ssyncset.done $0x0  }
0xda: {  	s23 =	simm.s32 @p0 $0x2;
	[sflag:s19] =	ssyncadd.s32 $0xFFFFEC00  }
0xdb: {  	_ =	swait.ge @p0 [sflag:s23], $0x1400  }
0xdc: {  	s24 =	simm.s32 @p0 $0x9BF0;
	[sflag:s23] =	ssyncset.done @p0 $0x0  }
0xdd: {  	s25 =	simm.s32 @p0 $0xB040;
	[sflag:s23] =	ssyncadd.s32 @p0 $0xFFFFEC00;
	s23 =	simm.s32 @p0 $0x50  }
0xde: {  	[spmem:s17] =	stream.indirect.scatter.add.f32 @p0 [tilespmem:s25], [sflag:$0x4], $0x40, s24, s23, $0xb8;
	[tilespmem:$0x19640] =	vst v63  }
0xdf: {  	s25 =	simm.s32 @p0 $0x4  }
0xe0: {  	_ =	swait.ge @p0 [sflag:s25], $0x1400  }
0xe1: {  	[sflag:s25] =	ssyncset.done @p0 $0x0  }
0xe2: {  	[sflag:s25] =	ssyncadd.s32 @p0 $0xFFFFEC00;
	s25 =	simm.s32 @p0 $0xC440  }
0xe3: {  	[spmem:s18] =	stream.indirect.scatter.add.f32 @p0 [tilespmem:s25], [sflag:$0x3], $0x10, s24, s23, $0xb8;
	[tilespmem:$0x19640] =	vst v63  }
0xe4: {  	s23 =	simm.s32 @p0 $0x3  }
0xe5: {  	_ =	swait.ge @p0 [sflag:s23], $0x500  }
0xe6: {  	[sflag:s23] =	ssyncset.done @p0 $0x0  }
0xe7: {  	[sflag:s23] =	ssyncadd.s32 @p0 $0xFFFFFB00;
	s23 =	simm.s32 @!p0 $0x9BA0  }
0xe8: {  	[spmem:s18] =	stream.indirect.scatter.add.f32 @!p0 [tilespmem:s22], [sflag:$0x4], $0x10, s23, s8, $0xb8;
	[tilespmem:$0x19640] =	vst v63  }
0xe9: {  	_ =	swait.ge @!p0 [sflag:s7], $0x500  }
0xea: {  	[sflag:s7] =	ssyncset.done @!p0 $0x0  }
0xeb: {  	s22 =	simm.s32 @!p0 $0x2;
	[sflag:s7] =	ssyncadd.s32 @!p0 $0xFFFFFB00  }
0xec: {  	_ =	swait.ge @!p0 [sflag:s22], $0x1400  }
0xed: {  	[sflag:s22] =	ssyncset.done @!p0 $0x0  }
0xee: {  	s23 =	simm.s32 @!p0 $0xB040;
	[sflag:s22] =	ssyncadd.s32 @!p0 $0xFFFFEC00;
	s22 =	simm.s32 @!p0 $0x9BF0  }
0xef: {  	[spmem:s17] =	stream.indirect.scatter.add.f32 @!p0 [tilespmem:s23], [sflag:$0x4], $0x40, s22, s8, $0xb8;
	[tilespmem:$0x19640] =	vst v63  }
0xf0: {  	_ =	swait.ge @!p0 [sflag:s7], $0x1400  }
0xf1: {  	[sflag:s7] =	ssyncset.done @!p0 $0x0  }
0xf2: {  	[sflag:s7] =	ssyncadd.s32 @!p0 $0xFFFFEC00  }
0xf3: {  	[bflag:$0x0] =	sbarrier.arrive $0xFFFF  }
0xf4: {  	[tilespmem:s10], [sflag:$0x3] =	stream.linear.gather [spmem:s30], $0x1400, $0x38;
	[tilespmem:$0x19640] =	vst v63  }
0xf5: {  	_ =	swait.ge [sflag:s11], $0x1400  }
0xf6: {  	[sflag:s11] =	ssyncset.done $0x0  }
0xf7: {  	s24 =	smov.u32 s30;
	s30 =	rddreg [dreg:$0x5];
	[sflag:s11] =	ssyncadd.s32 $0xFFFFEC00  }
0xf8: {  	[hbm4b:s30+s9] =	stream.linear.scatter [tilespmem:s10], [sflag:$0x3], $0x1400, $0x38;
	[tilespmem:$0x19640] =	vst v63  }
0xf9: {  	_ =	swait.ge [sflag:s11], $0x1400  }
0xfa: {  	[sflag:s11] =	ssyncset.done $0x0  }
0xfb: {  	[sflag:s11] =	ssyncadd.s32 $0xFFFFEC00  }
0xfc: {  	[tilespmem:s12], [sflag:$0x3] =	stream.linear.gather [spmem:s31], $0x500, $0x38;
	[tilespmem:$0x19640] =	vst v63  }
0xfd: {  	_ =	swait.ge [sflag:s11], $0x500  }
0xfe: {  	[sflag:s11] =	ssyncset.done $0x0  }
0xff: {  	s25 =	smov.u32 s31;
	s31 =	rddreg [dreg:$0xd];
	[sflag:s11] =	ssyncadd.s32 $0xFFFFFB00  }
0x100: {  	[hbm4b:s31+s9] =	stream.linear.scatter [tilespmem:s12], [sflag:$0x3], $0x500, $0x38;
	[tilespmem:$0x19640] =	vst v63  }
0x101: {  	_ =	swait.ge [sflag:s11], $0x500  }
0x102: {  	[sflag:s11] =	ssyncset.done $0x0  }
0x103: {  	[sflag:s11] =	ssyncadd.s32 $0xFFFFFB00  }
0x104: {  	[tilespmem:s10], [sflag:$0x3] =	stream.linear.gather [spmem:s16], $0x1400, $0x38;
	[tilespmem:$0x19640] =	vst v63  }
0x105: {  	_ =	swait.ge [sflag:s11], $0x1400  }
0x106: {  	[sflag:s11] =	ssyncset.done $0x0  }
0x107: {  	s8 =	rddreg [dreg:$0x6];
	[sflag:s11] =	ssyncadd.s32 $0xFFFFEC00  }
0x108: {  	[hbm4b:s8+s9] =	stream.linear.scatter [tilespmem:s10], [sflag:$0x3], $0x1400, $0x38;
	[tilespmem:$0x19640] =	vst v63  }
0x109: {  	_ =	swait.ge [sflag:s11], $0x1400  }
0x10a: {  	[sflag:s11] =	ssyncset.done $0x0  }
0x10b: {  	[sflag:s11] =	ssyncadd.s32 $0xFFFFEC00  }
0x10c: {  	[tilespmem:s12], [sflag:$0x3] =	stream.linear.gather [spmem:s0], $0x500, $0x38;
	[tilespmem:$0x19640] =	vst v63  }
0x10d: {  	_ =	swait.ge [sflag:s11], $0x500  }
0x10e: {  	[sflag:s11] =	ssyncset.done $0x0  }
0x10f: {  	s26 =	smov.u32 s16;
	s16 =	rddreg [dreg:$0xe];
	[sflag:s11] =	ssyncadd.s32 $0xFFFFFB00  }
0x110: {  	[hbm4b:s16+s9] =	stream.linear.scatter [tilespmem:s12], [sflag:$0x3], $0x500, $0x38;
	[tilespmem:$0x19640] =	vst v63  }
0x111: {  	_ =	swait.ge [sflag:s11], $0x500  }
0x112: {  	[sflag:s11] =	ssyncset.done $0x0  }
0x113: {  	[sflag:s11] =	ssyncadd.s32 $0xFFFFFB00  }
0x114: {  	[tilespmem:s10], [sflag:$0x3] =	stream.linear.gather [spmem:s1], $0x1400, $0x38;
	[tilespmem:$0x19640] =	vst v63  }
0x115: {  	_ =	swait.ge [sflag:s11], $0x1400  }
0x116: {  	[sflag:s11] =	ssyncset.done $0x0  }
0x117: {  	s22 =	rddreg [dreg:$0x7];
	[sflag:s11] =	ssyncadd.s32 $0xFFFFEC00  }
0x118: {  	[hbm4b:s22+s9] =	stream.linear.scatter [tilespmem:s10], [sflag:$0x3], $0x1400, $0x38;
	[tilespmem:$0x19640] =	vst v63  }
0x119: {  	_ =	swait.ge [sflag:s11], $0x1400  }
0x11a: {  	[sflag:s11] =	ssyncset.done $0x0  }
0x11b: {  	s23 =	rddreg [dreg:$0x15];
	[sflag:s11] =	ssyncadd.s32 $0xFFFFEC00  }
0x11c: {  	[tilespmem:s12], [sflag:$0x3] =	stream.linear.gather [spmem:s23], $0x500, $0x38;
	[tilespmem:$0x19640] =	vst v63  }
0x11d: {  	_ =	swait.ge [sflag:s11], $0x500  }
0x11e: {  	[sflag:s11] =	ssyncset.done $0x0  }
0x11f: {  	s30 =	rddreg [dreg:$0xf];
	[sflag:s11] =	ssyncadd.s32 $0xFFFFFB00  }
0x120: {  	[hbm4b:s30+s9] =	stream.linear.scatter [tilespmem:s12], [sflag:$0x3], $0x500, $0x38;
	[tilespmem:$0x19640] =	vst v63  }
0x121: {  	_ =	swait.ge [sflag:s11], $0x500  }
0x122: {  	[sflag:s11] =	ssyncset.done $0x0  }
0x123: {  	s31 =	rddreg [dreg:$0x16];
	[sflag:s11] =	ssyncadd.s32 $0xFFFFFB00  }
0x124: {  	[tilespmem:s10], [sflag:$0x3] =	stream.linear.gather [spmem:s31], $0x1400, $0x38;
	[tilespmem:$0x19640] =	vst v63  }
0x125: {  	_ =	swait.ge [sflag:s11], $0x1400  }
0x126: {  	[sflag:s11] =	ssyncset.done $0x0  }
0x127: {  	s29 =	smov.u32 s1;
	s1 =	rddreg [dreg:$0x8];
	[sflag:s11] =	ssyncadd.s32 $0xFFFFEC00  }
0x128: {  	[hbm4b:s1+s9] =	stream.linear.scatter [tilespmem:s10], [sflag:$0x3], $0x1400, $0x38;
	[tilespmem:$0x19640] =	vst v63  }
0x129: {  	_ =	swait.ge [sflag:s11], $0x1400  }
0x12a: {  	[sflag:s11] =	ssyncset.done $0x0  }
0x12b: {  	s7 =	rddreg [dreg:$0x17];
	[sflag:s11] =	ssyncadd.s32 $0xFFFFEC00  }
0x12c: {  	[tilespmem:s12], [sflag:$0x3] =	stream.linear.gather [spmem:s7], $0x500, $0x38;
	[tilespmem:$0x19640] =	vst v63  }
0x12d: {  	_ =	swait.ge [sflag:s11], $0x500  }
0x12e: {  	[sflag:s11] =	ssyncset.done $0x0  }
0x12f: {  	s8 =	rddreg [dreg:$0x10];
	[sflag:s11] =	ssyncadd.s32 $0xFFFFFB00  }
0x130: {  	[hbm4b:s8+s9] =	stream.linear.scatter [tilespmem:s12], [sflag:$0x3], $0x500, $0x38;
	[tilespmem:$0x19640] =	vst v63  }
0x131: {  	_ =	swait.ge [sflag:s11], $0x500  }
0x132: {  	[sflag:s11] =	ssyncset.done $0x0  }
0x133: {  	s16 =	rddreg [dreg:$0x18];
	[sflag:s11] =	ssyncadd.s32 $0xFFFFFB00  }
0x134: {  	[tilespmem:s10], [sflag:$0x3] =	stream.linear.gather [spmem:s16], $0x1400, $0x38;
	[tilespmem:$0x19640] =	vst v63  }
0x135: {  	_ =	swait.ge [sflag:s11], $0x1400  }
0x136: {  	[sflag:s11] =	ssyncset.done $0x0  }
0x137: {  	s22 =	rddreg [dreg:$0x9];
	[sflag:s11] =	ssyncadd.s32 $0xFFFFEC00  }
0x138: {  	[hbm4b:s22+s9] =	stream.linear.scatter [tilespmem:s10], [sflag:$0x3], $0x1400, $0x38;
	[tilespmem:$0x19640] =	vst v63  }
0x139: {  	_ =	swait.ge [sflag:s11], $0x1400  }
0x13a: {  	[sflag:s11] =	ssyncset.done $0x0  }
0x13b: {  	s23 =	rddreg [dreg:$0x19];
	[sflag:s11] =	ssyncadd.s32 $0xFFFFEC00  }
0x13c: {  	[tilespmem:s12], [sflag:$0x3] =	stream.linear.gather [spmem:s23], $0x500, $0x38;
	[tilespmem:$0x19640] =	vst v63  }
0x13d: {  	_ =	swait.ge [sflag:s11], $0x500  }
0x13e: {  	[sflag:s11] =	ssyncset.done $0x0  }
0x13f: {  	s30 =	rddreg [dreg:$0x11];
	[sflag:s11] =	ssyncadd.s32 $0xFFFFFB00  }
0x140: {  	[hbm4b:s30+s9] =	stream.linear.scatter [tilespmem:s12], [sflag:$0x3], $0x500, $0x38;
	[tilespmem:$0x19640] =	vst v63  }
0x141: {  	_ =	swait.ge [sflag:s11], $0x500  }
0x142: {  	[sflag:s11] =	ssyncset.done $0x0  }
0x143: {  	s31 =	rddreg [dreg:$0x1a];
	[sflag:s11] =	ssyncadd.s32 $0xFFFFFB00  }
0x144: {  	[tilespmem:s10], [sflag:$0x3] =	stream.linear.gather [spmem:s31], $0x1400, $0x38;
	[tilespmem:$0x19640] =	vst v63  }
0x145: {  	_ =	swait.ge [sflag:s11], $0x1400  }
0x146: {  	[sflag:s11] =	ssyncset.done $0x0  }
0x147: {  	s1 =	rddreg [dreg:$0xa];
	[sflag:s11] =	ssyncadd.s32 $0xFFFFEC00  }
0x148: {  	[hbm4b:s1+s9] =	stream.linear.scatter [tilespmem:s10], [sflag:$0x3], $0x1400, $0x38;
	[tilespmem:$0x19640] =	vst v63  }
0x149: {  	_ =	swait.ge [sflag:s11], $0x1400  }
0x14a: {  	[sflag:s11] =	ssyncset.done $0x0  }
0x14b: {  	s7 =	rddreg [dreg:$0x1b];
	[sflag:s11] =	ssyncadd.s32 $0xFFFFEC00  }
0x14c: {  	[tilespmem:s12], [sflag:$0x3] =	stream.linear.gather [spmem:s7], $0x500, $0x38;
	[tilespmem:$0x19640] =	vst v63  }
0x14d: {  	_ =	swait.ge [sflag:s11], $0x500  }
0x14e: {  	[sflag:s11] =	ssyncset.done $0x0  }
0x14f: {  	s8 =	rddreg [dreg:$0x12];
	[sflag:s11] =	ssyncadd.s32 $0xFFFFFB00  }
0x150: {  	[hbm4b:s8+s9] =	stream.linear.scatter [tilespmem:s12], [sflag:$0x3], $0x500, $0x38;
	[tilespmem:$0x19640] =	vst v63  }
0x151: {  	_ =	swait.ge [sflag:s11], $0x500  }
0x152: {  	[sflag:s11] =	ssyncset.done $0x0  }
0x153: {  	[sflag:s11] =	ssyncadd.s32 $0xFFFFFB00  }
0x154: {  	[tilespmem:s10], [sflag:$0x3] =	stream.linear.gather [spmem:s2], $0x1400, $0x38;
	[tilespmem:$0x19640] =	vst v63  }
0x155: {  	_ =	swait.ge [sflag:s11], $0x1400  }
0x156: {  	[sflag:s11] =	ssyncset.done $0x0  }
0x157: {  	s16 =	rddreg [dreg:$0xb];
	[sflag:s11] =	ssyncadd.s32 $0xFFFFEC00  }
0x158: {  	[hbm4b:s16+s9] =	stream.linear.scatter [tilespmem:s10], [sflag:$0x3], $0x1400, $0x38;
	[tilespmem:$0x19640] =	vst v63  }
0x159: {  	_ =	swait.ge [sflag:s11], $0x1400  }
0x15a: {  	[sflag:s11] =	ssyncset.done $0x0  }
0x15b: {  	[sflag:s11] =	ssyncadd.s32 $0xFFFFEC00  }
0x15c: {  	[tilespmem:s12], [sflag:$0x3] =	stream.linear.gather [spmem:s3], $0x500, $0x38;
	[tilespmem:$0x19640] =	vst v63  }
0x15d: {  	_ =	swait.ge [sflag:s11], $0x500  }
0x15e: {  	[sflag:s11] =	ssyncset.done $0x0  }
0x15f: {  	s22 =	rddreg [dreg:$0x13];
	[sflag:s11] =	ssyncadd.s32 $0xFFFFFB00  }
0x160: {  	[hbm4b:s22+s9] =	stream.linear.scatter [tilespmem:s12], [sflag:$0x3], $0x500, $0x38;
	[tilespmem:$0x19640] =	vst v63  }
0x161: {  	_ =	swait.ge [sflag:s11], $0x500  }
0x162: {  	[sflag:s11] =	ssyncset.done $0x0  }
0x163: {  	[sflag:s11] =	ssyncadd.s32 $0xFFFFFB00  }
0x164: {  	[tilespmem:s10], [sflag:$0x3] =	stream.linear.gather [spmem:s4], $0x1400, $0x38;
	[tilespmem:$0x19640] =	vst v63  }
0x165: {  	_ =	swait.ge [sflag:s11], $0x1400  }
0x166: {  	[sflag:s11] =	ssyncset.done $0x0  }
0x167: {  	s23 =	rddreg [dreg:$0xc];
	[sflag:s11] =	ssyncadd.s32 $0xFFFFEC00  }
0x168: {  	[hbm4b:s23+s9] =	stream.linear.scatter [tilespmem:s10], [sflag:$0x3], $0x1400, $0x38;
	[tilespmem:$0x19640] =	vst v63  }
0x169: {  	_ =	swait.ge [sflag:s11], $0x1400  }
0x16a: {  	[sflag:s11] =	ssyncset.done $0x0  }
0x16b: {  	[sflag:s11] =	ssyncadd.s32 $0xFFFFEC00  }
0x16c: {  	[tilespmem:s12], [sflag:$0x3] =	stream.linear.gather [spmem:s5], $0x500, $0x38;
	[tilespmem:$0x19640] =	vst v63  }
0x16d: {  	_ =	swait.ge [sflag:s11], $0x500  }
0x16e: {  	[sflag:s11] =	ssyncset.done $0x0  }
0x16f: {  	s30 =	rddreg [dreg:$0x14];
	[sflag:s11] =	ssyncadd.s32 $0xFFFFFB00  }
0x170: {  	[hbm4b:s30+s9] =	stream.linear.scatter [tilespmem:s12], [sflag:$0x3], $0x500, $0x38;
	[tilespmem:$0x19640] =	vst v63  }
0x171: {  	_ =	swait.ge [sflag:s11], $0x500  }
0x172: {  	s6 =	sadd.s32 $0x1, s6;
	s31 =	rddreg [dreg:$0x1e]  }
0x173: {  	p2 =	sne.s32 s6, s31  }
.Ltmp3:
0x174: {  	_ = 	snop;
	(pc) =	sbr.rel @p2 .LBB2_1-.Ltmp3, $3  }
0x175: {  	_ =	sdelay $0x1  }
0x176: {  	[sflag:s11] =	ssyncset.done $0x0  }
0x177: {  	s28 =	smov.u32 s0;
	[sflag:s11] =	ssyncadd.s32 $0xFFFFFB00  }
0x178: {  	_ =	sfence.sel $0x180000  }
0x179: {  	[bflag:$0x0] =	sbarrier.arrive $0xFFFF  }
0x17a: {  	_ =	strace $0x90000047  }
0x17b: {  	s0 =	stileid.u32;
	[bflag:$0x2] =	sbarrier.arrive $0xFFFF  }
0x17c: {  	p0 =	sne.s32 s0, $0x0;
	s0 =	rddreg [dreg:$0x4]  }
0x17d: {  	s0 =	sadd.s32 @!p0 $0x100000, s0  }
0x17e: {  	[sflag:s0] =	ssyncadd.tile.s32 @!p0 $0x1;
	_ =	shalt  }
.Lfunc_end2:
_tile_overlayer_lowered:
.L_overlay_start_2:
0x17f: {  	(tag) =	ssettag $0x2  }
0x180: {  	s0 =	rddreg [dreg:$0x0];
	s2 =	stileid.u32  }
0x181: {  	s1 =	rddreg [dreg:$0x1];
	p0 =	sne.s32 s2, $0x0  }
0x182: {  	s3 =	rddreg [dreg:$0x2];
	[bflag:$0x3] =	sbarrier.arrive $0xFFFF;
	s2 =	simm.s32 @!p0 $0x1C03  }
0x183: {  	[timem:s3], [sflag:s2] =	dma.local @!p0 [hbm:s0], s1  }
0x184: {  	s0 =	simm.s32 @!p0 $0x3  }
0x185: {  	_ =	swait.ge @!p0 [sflag:s0], s1  }
0x186: {  	s1 =	ssub.s32 @!p0 $0x0, s1;
	[sflag:s0] =	ssyncset.done @!p0 $0x0  }
0x187: {  	[sflag:s0] =	ssyncadd.s32 @!p0 s1  }
0x188: {  	[bflag:$0x3] =	sbarrier.arrive $0xFFFF  }
0x189: {  	_ =	shalt  }

// kernel: kernel.9.cloned.1.call-start
scs
__scs_entry_jumppad:
0x0: {  	(pc) =	sbr.rel $0x88, $3  }
0x1: {  	(tag) =	ssettag $0x0;
	lr =	simm.s32 $0x1  }
0x2: {  	[smem:$0x3F99] =	sst lr;
	_ =	strace $0xD0000000  }
0x3: {  	_ = 	snop  }
0x4: {  	_ = 	snop  }
0x5: {  	_ = 	snop  }
0x6: {  	_ = 	snop  }
0x7: {  	_ = 	snop  }
__scs_overlays_trampoline_lowered:
0x8: {  	[smem:$0x3FA8] =	sst s0  }
0x9: {  	[smem:$0x3FA9] =	sst s1  }
0xa: {  	[smem:$0x3FAA] =	sst s2  }
0xb: {  	[smem:$0x3FAB] =	sst s3  }
0xc: {  	[smem:$0x3FAC] =	sst s4  }
0xd: {  	[smem:$0x3FAD] =	sst s5  }
0xe: {  	[smem:$0x3FAE] =	sst s6  }
0xf: {  	[smem:$0x3FAF] =	sst s7  }
0x10: {  	[smem:$0x3FB0] =	sst s8  }
0x11: {  	[smem:$0x3FB1] =	sst s9;
	s0 =	simm.s32 @!p0 $0x0  }
0x12: {  	s1 =	sld [smem:$0x3F97];
	s0 =	simm.s32 @p0 $0x1  }
0x13: {  	[smem:$0x3FB2] =	sst s0;
	s0 =	simm.s32 @!p1 $0x0  }
0x14: {  	s2 =	sld [smem:$0x3F96];
	s0 =	simm.s32 @p1 $0x1  }
0x15: {  	[smem:$0x3FB3] =	sst s0;
	s0 =	simm.s32 @!p2 $0x0  }
0x16: {  	s3 =	sld [smem:$0x3FDB];
	s0 =	simm.s32 @p2 $0x1  }
0x17: {  	s4 =	simm.s32 $0x1BF5;
	[smem:$0x3FB5] =	sst s0  }
0x18: {  	s0 =	sld [smem:$0x3F98];
	_ =	swait.ge [sflag:s4], $0x0  }
0x19: {  	s7 =	sld [smem:$0x3F99]  }
0x1a: {  	s8 =	sadd.s32 $0xFFFFE003, lr  }
0x1b: {  	s9 =	sadd.s32 $0xFFFFFEF7, lr;
	s5 =	simm.s32 $0xFFFFFFFF;
	p2 =	slt.u32 s8, $0xFFFFF086  }
0x1c: {  	p1 =	slt.u32 s9, $0xF7A;
	s5 =	simm.s32 @!p2 $0x0  }
0x1d: {  	s5 =	simm.s32 @p1 $0x1;
	p0 =	seq.s32 s7, s2  }
0x1e: {  	s7 =	smul.u32 @!p0 $0xF7A, s2;
	p2 =	seq.s32 @!p0 s5, $0x0  }
0x1f: {  	s9 =	smul.u32 $0xF7A, s1;
	s8 =	simm.s32 @!p0 $0x1BF5;
	p2 =	por !p2, p0  }
0x20: {  	[sflag:s8] =	ssyncset.s32 @!p0 $0xFFFFF086;
	s6 =	sadd.s32 @!p0 s3, s7;
	s7 =	simm.s32 @!p0 $0x108  }
0x21: {  	s3 =	sadd.s32 s3, s9;
	s6 =	sadd.s32 @!p0 $0x88, s6;
	s7 =	simm.s32 @p2 $0x1082  }
0x22: {  	[simem:s7], [sflag:s8] =	dma.local @!p0 [hbm:s6], $0xF7A  }
0x23: {  	s9 =	sor.u32 $0xD0000000, s2;
	s6 =	simm.s32 $0x108;
	_ =	swait.ge @!p0 [sflag:s8], $0x0  }
0x24: {  	s3 =	sadd.s32 $0x88, s3;
	s6 =	simm.s32 @!p1 $0x1082;
	[sflag:s4] =	ssyncset.s32 $0xFFFFF086  }
0x25: {  	[simem:s6], [sflag:s4] =	dma.local [hbm:s3], $0xF7A  }
0x26: {  	[smem:$0x3F99] =	sst s1;
	(tag) =	ssettag s2;
	_ =	strace s9  }
0x27: {  	s1 =	sld [smem:$0x3FA9]  }
0x28: {  	s2 =	sld [smem:$0x3FAA]  }
0x29: {  	s4 =	sld [smem:$0x3FAC]  }
0x2a: {  	p0 =	seq.s32 s5, $0x0;
	s5 =	sld [smem:$0x3FAD]  }
0x2b: {  	s6 =	sld [smem:$0x3FAE]  }
0x2c: {  	s7 =	sld [smem:$0x3FAF]  }
0x2d: {  	s3 =	simm.s32 $0x108;
	s8 =	sld [smem:$0x3FB0]  }
0x2e: {  	s3 =	simm.s32 @!p0 $0x1082;
	s9 =	sld [smem:$0x3FB1]  }
0x2f: {  	lr =	sadd.s32 s0, s3;
	s0 =	sld [smem:$0x3FA8]  }
0x30: {  	s3 =	sld [smem:$0x3FAB]  }
0x31: {  	[smem:$0x3FB4] =	sst s10  }
0x32: {  	s10 =	sld [smem:$0x3FB2];
	_ =	sdelay $0x3  }
0x33: {  	p0 =	seq.s32 s10, $0x1;
	s10 =	sld [smem:$0x3FB4];
	_ =	sdelay $0x3  }
0x34: {  	[smem:$0x3FB4] =	sst s10  }
0x35: {  	s10 =	sld [smem:$0x3FB3];
	_ =	sdelay $0x3  }
0x36: {  	p1 =	seq.s32 s10, $0x1;
	s10 =	sld [smem:$0x3FB4];
	_ =	sdelay $0x3  }
0x37: {  	[smem:$0x3FB4] =	sst s10  }
0x38: {  	s10 =	sld [smem:$0x3FB5]  }
0x39: {  	_ = 	snop;
	(pc) =	sbr.ind lr, $3  }
0x3a: {  	_ = 	snop  }
0x3b: {  	_ = 	snop  }
0x3c: {  	p2 =	seq.s32 s10, $0x1;
	s10 =	sld [smem:$0x3FB4]  }
0x3d: {  	_ =	shalt  }
0x3e: {  	_ =	shalt  }
0x3f: {  	_ =	shalt  }
0x40: {  	_ =	shalt  }
0x41: {  	_ =	shalt  }
0x42: {  	_ =	shalt  }
0x43: {  	_ =	shalt  }
0x44: {  	_ =	shalt  }
0x45: {  	_ =	shalt  }
0x46: {  	_ =	shalt  }
0x47: {  	_ =	shalt  }
0x48: {  	_ =	shalt  }
0x49: {  	_ =	shalt  }
0x4a: {  	_ =	shalt  }
0x4b: {  	_ =	shalt  }
0x4c: {  	_ =	shalt  }
0x4d: {  	_ =	shalt  }
0x4e: {  	_ =	shalt  }
0x4f: {  	_ =	shalt  }
0x50: {  	_ =	shalt  }
0x51: {  	_ =	shalt  }
0x52: {  	_ =	shalt  }
0x53: {  	_ =	shalt  }
0x54: {  	_ =	shalt  }
0x55: {  	_ =	shalt  }
0x56: {  	_ =	shalt  }
0x57: {  	_ =	shalt  }
0x58: {  	_ =	shalt  }
0x59: {  	_ =	shalt  }
0x5a: {  	_ =	shalt  }
0x5b: {  	_ =	shalt  }
0x5c: {  	_ =	shalt  }
0x5d: {  	_ =	shalt  }
0x5e: {  	_ =	shalt  }
0x5f: {  	_ =	shalt  }
0x60: {  	_ =	shalt  }
0x61: {  	_ =	shalt  }
0x62: {  	_ =	shalt  }
0x63: {  	_ =	shalt  }
0x64: {  	_ =	shalt  }
0x65: {  	_ =	shalt  }
0x66: {  	_ =	shalt  }
0x67: {  	_ =	shalt  }
0x68: {  	_ =	shalt  }
0x69: {  	_ =	shalt  }
0x6a: {  	_ =	shalt  }
0x6b: {  	_ =	shalt  }
0x6c: {  	_ =	shalt  }
0x6d: {  	_ =	shalt  }
0x6e: {  	_ =	shalt  }
0x6f: {  	_ =	shalt  }
0x70: {  	_ =	shalt  }
0x71: {  	_ =	shalt  }
0x72: {  	_ =	shalt  }
0x73: {  	_ =	shalt  }
0x74: {  	_ =	shalt  }
0x75: {  	_ =	shalt  }
0x76: {  	_ =	shalt  }
0x77: {  	_ =	shalt  }
0x78: {  	_ =	shalt  }
0x79: {  	_ =	shalt  }
0x7a: {  	_ =	shalt  }
0x7b: {  	_ =	shalt  }
0x7c: {  	_ =	shalt  }
0x7d: {  	_ =	shalt  }
0x7e: {  	_ =	shalt  }
0x7f: {  	_ =	shalt  }
0x80: {  	_ =	shalt  }
0x81: {  	_ =	shalt  }
0x82: {  	_ =	shalt  }
0x83: {  	_ =	shalt  }
0x84: {  	_ =	shalt  }
0x85: {  	_ =	shalt  }
0x86: {  	_ =	shalt  }
0x87: {  	_ =	shalt  }
.Lfunc_end0:
.L_simem_size_0:
called_computation.1_lowered:
.L_overlay_start_0:
0x88: {  	s2 =	sld [smem:$0x3FD9]  }
0x89: {  	s3 =	sld [smem:$0x3FFE];
	_ =	sdelay $0x1  }
0x8a: {  	s1 =	srdreg.scid  }
0x8b: {  	s0 =	sand.u32 $0x1, s1  }
0x8c: {  	s16 =	sshll.u32 s0, $0xA;
	s2 =	sadd.s32 s3, s2  }
0x8d: {  	s2 =	sadd.s32 s2, s16  }
0x8e: {  	[smem:$0x3FC0] =	sst s2  }
0x8f: {  	_ = 	snop  }
0x90: {  	(tm) =	ssettm $0x1  }
0x91: {  	s17 =	sld [smem:$0x3FFB];
	_ =	sdelay $0x3  }
0x92: {  	_ =	strace s17  }
0x93: {  	s2 =	sld [smem:$0x3FFC];
	_ =	sdelay $0x3  }
0x94: {  	_ =	strace s2  }
0x95: {  	s2 =	sld [smem:$0x3FFD];
	_ =	sdelay $0x3  }
0x96: {  	_ =	strace s2  }
0x97: {  	_ =	strace $0x8FFFFFFF  }
0x98: {  	s18 =	sld [smem:$0x3FDB];
	_ =	sdelay $0x1  }
0x99: {  	s19 =	simm.s32 $_scs_section_size  }
0x9a: {  	s4 =	simm.s32 $_size__tile_overlayer_lowered;
	s5 =	simm.s32 $_tile_overlayer_lowered  }
0x9b: {  	s22 =	simm.s32 $0x1BFF;
	s21 =	sshll.u32 s5, $0x1;
	s2 =	sadd.s32 s19, s18  }
0x9c: {  	s6 =	simm.s32 $0x0;
	s20 =	sshll.u32 s4, $0x1;
	s4 =	sadd.s32 s21, s2  }
0x9d: {  	[timem:s6], [sflag:s22] =	dma.local [hbm:s4], s20  }
0x9e: {  	_ =	swait.ge [sflag:s22], s20  }
0x9f: {  	s3 =	ssub.s32 $0x0, s20;
	[sflag:s22] =	ssyncset.done $0x0  }
0xa0: {  	[sflag:s22] =	ssyncadd.s32 s3;
	_ =	sdelay $0x1  }
0xa1: {  	s23 =	simm.s32 $0x1B8B  }
0xa2: {  	_ =	swait.ge [sflag:s23], $0x1  }
0xa3: {  	[sflag:s23] =	ssyncset.done $0x0  }
0xa4: {  	s25 =	simm.s32 $0x1B8E;
	s24 =	sld [smem:$0x3FFE];
	[sflag:s23] =	ssyncadd.s32 $0xFFFFFFFF  }
0xa5: {  	s26 =	simm.s32 $execute0_lowered;
	[smem:$0x3FD2] =	sst s25  }
0xa6: {  	s4 =	sshll.u32 s26, $0x1;
	_ =	strace $0x80000049;
	[dreg:$0x1] =	wrdreg $0xFFFFFFFF  }
0xa7: {  	s28 =	simm.s32 $_size_execute0_lowered;
	s2 =	sadd.s32 s2, s4;
	[dreg:$0x0] =	wrdreg $0x0  }
0xa8: {  	s4 =	sshll.u32 s28, $0x1;
	[dreg:$0x2] =	wrdreg s2  }
0xa9: {  	[dreg:$0x3] =	wrdreg s4  }
0xaa: {  	[dreg:$0x4] =	wrdreg $0xC0  }
0xab: {  	_ =	task [dreg:s6], $0x5FFFF  }
0xac: {  	[dreg:$0x1] =	wrdreg $0xFFFFFFFF  }
0xad: {  	[dreg:$0x0] =	wrdreg $0x60  }
0xae: {  	[dreg:$0x2] =	wrdreg s24  }
0xaf: {  	[dreg:$0x3] =	wrdreg $0x6C200  }
0xb0: {  	[dreg:$0x4] =	wrdreg $0x9  }
0xb1: {  	_ =	task.clear_ibuf [dreg:s6], $0x5FFFF;
	_ =	strace $0x90000049  }
0xb2: {  	s29 =	simm.s32 $0x9;
	_ =	strace $0x8000004B  }
0xb3: {  	_ =	swait.ge [sflag:s29], $0x1  }
0xb4: {  	[sflag:s29] =	ssyncadd.s32 $0xFFFFFFFF  }
0xb5: {  	_ =	strace $0x9000004B  }
0xb6: {  	_ =	sfence  }
0xb7: {  	s30 =	sld [smem:$0x0];
	_ =	sdelay $0x2  }
0xb8: {  	s31 =	sshll.u32 s1, $0xD;
	s1 =	sshrl.u32 s1, $0x2  }
0xb9: {  	s3 =	sand.u32 $0x4000, s31;
	s1 =	sadd.s32 s1, s30  }
0xba: {  	s0 =	sor.u32 s3, s0;
	s1 =	sshll.u32 s1, $0x11  }
0xbb: {  	s0 =	sor.u32 s1, s0  }
0xbc: {  	s0 =	sadd.s32 $0x8F2B, s0  }
0xbd: {  	[sflag:s0] =	ssyncadd.remote.s32 $0x1  }
0xbe: {  	_ =	sfence.sel $0xFFFF  }
0xbf: {  	[dreg:$0x0] =	wrdreg $0xFFFFFFFF;
	(pc) =	sbr.abs _section_cstart, $3  }
0xc0: {  	[dreg:$0x1] =	wrdreg $0xFFFFFFFF  }
0xc1: {  	_ =	task.clear_ibuf [dreg:s6], $0x2FFFF;
	_ =	strace $0x9FFFFFFF  }
0xc2: {  	(tm) =	ssettm $0x7FFFFFFF  }
0xc3: {  	_ =	shalt  }
tec
execute0_lowered:
.L_overlay_start_1:
0x0: {  	(tag) =	ssettag $0x1  }
0x1: {  	s1 =	rddreg [dreg:$0x0]  }
0x2: {  	s0 =	srdreg.scid;
	s2 =	rddreg [dreg:$0x1]  }
0x3: {  	s7 =	stileid.u32;
	s3 =	simm.s32 $0x0;
	s28 =	simm.s32 $0x50  }
0x4: {  	s29 =	simm.s32 $0x1;
	s30 =	simm.s32 $0x5D20;
	s31 =	simm.s32 $0x2  }
0x5: {  	s0 =	sand.u32 $0x1, s0;
	[smem:$0x7FF] =	sst s3;
	s14 =	smul.u32 $0x7800, s7  }
0x6: {  	s4 =	sshll.u32 s0, $0x4;
	_ =	strace $0x8000004A;
	s6 =	ssub.s32 $0x2, s0  }
0x7: {  	s0 =	smul.u32 $0x78000, s0;
	s4 =	sor.u32 s7, s4;
	s25 =	sshrl.u32 s6, $0x1  }
0x8: {  	s16 =	sadd.s32 $0xF00, s14;
	s17 =	sadd.s32 $0x1E00, s14;
	s18 =	sadd.s32 $0x2D00, s14  }
0x9: {  	s19 =	sadd.s32 $0x3C00, s14;
	s20 =	sadd.s32 $0x4B00, s14;
	s21 =	sadd.s32 $0x5A00, s14  }
0xa: {  	s22 =	sadd.s32 $0x6900, s14;
	s5 =	smul.u32 $0x4E2, s4;
	s4 =	sadd.s32 $0x15400, s1  }
0xb: {  	s23 =	ssub.s32 s6, s25;
	s6 =	sadd.s32 s16, s2;
	s7 =	sadd.s32 s17, s2  }
0xc: {  	s8 =	sadd.s32 s18, s2;
	s9 =	sadd.s32 s19, s2;
	s10 =	sadd.s32 s20, s2  }
0xd: {  	s11 =	sadd.s32 s21, s2;
	s12 =	sadd.s32 s22, s2;
	s24 =	sadd.s32 s14, s0  }
0xe: {  	s16 =	sadd.s32 s0, s16;
	s17 =	sadd.s32 s0, s17;
	s18 =	sadd.s32 s0, s18  }
0xf: {  	s19 =	sadd.s32 s0, s19;
	s20 =	sadd.s32 s0, s20;
	s21 =	sadd.s32 s0, s21  }
0x10: {  	s0 =	sadd.s32 s0, s22;
	s25 =	simm.s32 $0x3;
	s26 =	sshrl.u32 s24, $0x3  }
0x11: {  	s16 =	sshrl.u32 s16, $0x3;
	s17 =	sshrl.u32 s17, $0x3;
	s18 =	sshrl.u32 s18, $0x3  }
0x12: {  	s19 =	sshrl.u32 s19, $0x3;
	s20 =	sshrl.u32 s20, $0x3;
	s21 =	sshrl.u32 s21, $0x3  }
0x13: {  	s0 =	sshrl.u32 s0, $0x3;
	s23 =	smax.u32 s23, $0x1;
	s24 =	simm.s32 $0x4E20  }
0x14: {  	s15 =	sadd.s32 s5, s1;
	s1 =	sadd.s32 $0x24000, s1;
	s5 =	sadd.s32 s14, s2  }
0x15: {  	s13 =	sadd.s32 $0xB600, s15;
	s14 =	sadd.s32 $0x1800, s15;
	s15 =	sadd.s32 s1, s26  }
0x16: {  	s16 =	sadd.s32 s1, s16;
	s17 =	sadd.s32 s1, s17;
	s18 =	sadd.s32 s1, s18  }
0x17: {  	s19 =	sadd.s32 s1, s19;
	s20 =	sadd.s32 s1, s20;
	s21 =	sadd.s32 s1, s21  }
0x18: {  	v0 =	vimm.f32 $0.0e+00;
	s22 =	sadd.s32 s1, s0;
	s1 =	simm.s32 $0x0;
	[dreg:$0x3] =	wrdreg s13  }
.LBB2_1:
0x19: {  	s26 =	simm.s32 $0xC0;
	s0 =	simm.s32 $0x0  }
.LBB2_2:
0x1a: {  	p0 =	sne.s32 s26, $0x3B40;
	[tilespmem:s0+$0x4E40] =	vst v0;
	s13 =	smov.u32 s26;
	s26 =	sadd.s32 $0xC0, s26  }
.Ltmp0:
0x1b: {  	[tilespmem:s0+$0x4E20] =	vst v0;
	(pc) =	sbr.rel @p0 .LBB2_2-.Ltmp0, $2  }
0x1c: {  	[tilespmem:s0+$0x4E30] =	vst v0;
	_ =	sdelay $0x2  }
0x1d: {  	s0 =	sshra.s32 s13, $0x2  }
0x1e: {  	[tilespmem:s0+$0x4E40] =	vst v0  }
0x1f: {  	[tilespmem:s0+$0x4E20] =	vst v0  }
0x20: {  	[tilespmem:s0+$0x4E30] =	vst v0  }
0x21: {  	[spmem:s5] =	stream.linear.scatter [tilespmem:s24], [sflag:$0x3], $0xF00, $0x38;
	[tilespmem:$0xE420] =	vst v63  }
0x22: {  	_ =	swait.ge [sflag:s25], $0xF00  }
0x23: {  	[sflag:s25] =	ssyncset.done $0x0  }
0x24: {  	[sflag:s25] =	ssyncadd.s32 $0xFFFFF100  }
0x25: {  	[spmem:s6] =	stream.linear.scatter [tilespmem:s24], [sflag:$0x3], $0xF00, $0x38;
	[tilespmem:$0xE420] =	vst v63  }
0x26: {  	_ =	swait.ge [sflag:s25], $0xF00  }
0x27: {  	[sflag:s25] =	ssyncset.done $0x0  }
0x28: {  	[sflag:s25] =	ssyncadd.s32 $0xFFFFF100  }
0x29: {  	[spmem:s7] =	stream.linear.scatter [tilespmem:s24], [sflag:$0x3], $0xF00, $0x38;
	[tilespmem:$0xE420] =	vst v63  }
0x2a: {  	_ =	swait.ge [sflag:s25], $0xF00  }
0x2b: {  	[sflag:s25] =	ssyncset.done $0x0  }
0x2c: {  	[sflag:s25] =	ssyncadd.s32 $0xFFFFF100  }
0x2d: {  	[spmem:s8] =	stream.linear.scatter [tilespmem:s24], [sflag:$0x3], $0xF00, $0x38;
	[tilespmem:$0xE420] =	vst v63  }
0x2e: {  	_ =	swait.ge [sflag:s25], $0xF00  }
0x2f: {  	[sflag:s25] =	ssyncset.done $0x0  }
0x30: {  	[sflag:s25] =	ssyncadd.s32 $0xFFFFF100  }
0x31: {  	[spmem:s9] =	stream.linear.scatter [tilespmem:s24], [sflag:$0x3], $0xF00, $0x38;
	[tilespmem:$0xE420] =	vst v63  }
0x32: {  	_ =	swait.ge [sflag:s25], $0xF00  }
0x33: {  	[sflag:s25] =	ssyncset.done $0x0  }
0x34: {  	[sflag:s25] =	ssyncadd.s32 $0xFFFFF100  }
0x35: {  	[spmem:s10] =	stream.linear.scatter [tilespmem:s24], [sflag:$0x3], $0xF00, $0x38;
	[tilespmem:$0xE420] =	vst v63  }
0x36: {  	_ =	swait.ge [sflag:s25], $0xF00  }
0x37: {  	[sflag:s25] =	ssyncset.done $0x0  }
0x38: {  	[sflag:s25] =	ssyncadd.s32 $0xFFFFF100  }
0x39: {  	[spmem:s11] =	stream.linear.scatter [tilespmem:s24], [sflag:$0x3], $0xF00, $0x38;
	[tilespmem:$0xE420] =	vst v63  }
0x3a: {  	_ =	swait.ge [sflag:s25], $0xF00  }
0x3b: {  	[sflag:s25] =	ssyncset.done $0x0  }
0x3c: {  	[sflag:s25] =	ssyncadd.s32 $0xFFFFF100  }
0x3d: {  	[spmem:s12] =	stream.linear.scatter [tilespmem:s24], [sflag:$0x3], $0xF00, $0x38;
	[tilespmem:$0xE420] =	vst v63  }
0x3e: {  	_ =	swait.ge [sflag:s25], $0xF00  }
0x3f: {  	[sflag:s25] =	ssyncset.done $0x0  }
0x40: {  	[sflag:s25] =	ssyncadd.s32 $0xFFFFF100  }
0x41: {  	[bflag:$0x0] =	sbarrier.arrive $0xFFFF  }
0x42: {  	s0 =	simm.s32 $0x0;
	s13 =	rddreg [dreg:$0x3]  }
0x43: {  	[tilespmem:s0], [sflag:$0x3] =	stream.linear.gather [hbm4b:s13+s0], $0x2710, $0x38;
	[tilespmem:$0xE420] =	vst v63  }
0x44: {  	_ =	swait.ge [sflag:s25], $0x2710  }
0x45: {  	[sflag:s25] =	ssyncset.done $0x0  }
0x46: {  	s26 =	simm.s32 $0x2710;
	[sflag:s25] =	ssyncadd.s32 $0xFFFFD8F0  }
0x47: {  	[tilespmem:s26], [sflag:$0x3] =	stream.linear.gather [hbm4b:s14+s0], $0x2710, $0x38;
	[tilespmem:$0xE420] =	vst v63  }
0x48: {  	_ =	swait.ge [sflag:s25], $0x2710  }
0x49: {  	[sflag:s25] =	ssyncset.done $0x0  }
0x4a: {  	[sflag:s25] =	ssyncadd.s32 $0xFFFFD8F0  }
0x4b: {  	[tilespmem:s24], [sflag:$0x1] =	stream.indirect.gather [hbm4b:s4+s28], $0x30, s0, s28, $0xb8;
	[tilespmem:$0xE420] =	vst v63  }
0x4c: {  	_ =	swait.ge [sflag:s29], $0xF00  }
0x4d: {  	[sflag:s29] =	ssyncset.done $0x0  }
0x4e: {  	s13 =	simm.s32 $0x50;
	[sflag:s29] =	ssyncadd.s32 $0xFFFFF100  }
0x4f: {  	[tilespmem:s30], [sflag:$0x2] =	stream.indirect.gather [hbm4b:s4+s28], $0x30, s13, s28, $0xb8;
	[tilespmem:$0xE420] =	vst v63  }
0x50: {  	s26 =	simm.s32 $0x2710  }
0x51: {  	[spmem:s2] =	stream.indirect.scatter.add.f32 [tilespmem:s24], [sflag:$0x3], $0x30, s26, s28, $0xb8;
	[tilespmem:$0xE420] =	vst v63  }
0x52: {  	_ =	swait.ge [sflag:s25], $0xF00  }
0x53: {  	[sflag:s25] =	ssyncset.done $0x0  }
0x54: {  	[sflag:s25] =	ssyncadd.s32 $0xFFFFF100  }
0x55: {  	_ =	swait.ge [sflag:s31], $0xF00  }
0x56: {  	[sflag:s31] =	ssyncset.done $0x0  }
0x57: {  	s13 =	simm.s32 $0xA0;
	[sflag:s31] =	ssyncadd.s32 $0xFFFFF100  }
0x58: {  	[tilespmem:s24], [sflag:$0x1] =	stream.indirect.gather [hbm4b:s4+s28], $0x30, s13, s28, $0xb8;
	[tilespmem:$0xE420] =	vst v63  }
0x59: {  	s26 =	simm.s32 $0x2760  }
0x5a: {  	[spmem:s2] =	stream.indirect.scatter.add.f32 [tilespmem:s30], [sflag:$0x3], $0x30, s26, s28, $0xb8;
	[tilespmem:$0xE420] =	vst v63  }
0x5b: {  	_ =	swait.ge [sflag:s25], $0xF00  }
0x5c: {  	s26 =	simm.s32 $0x280;
	[sflag:s25] =	ssyncset.done $0x0  }
.LBB2_4:
0x5d: {  	p0 =	sne.s32 s26, $0x9880  }
0x5e: {  	[sflag:s25] =	ssyncadd.s32 $0xFFFFF100;
	s0 =	smov.u32 s26;
	s26 =	sadd.s32 $0x280, s26  }
0x5f: {  	_ = 	snop  }
0x60: {  	_ =	swait.ge [sflag:s29], $0xF00  }
0x61: {  	s0 =	sshra.s32 s0, $0x2;
	[sflag:s29] =	ssyncset.done $0x0  }
0x62: {  	s13 =	sadd.s32 $0x50, s0;
	[sflag:s29] =	ssyncadd.s32 $0xFFFFF100  }
0x63: {  	[tilespmem:s30], [sflag:$0x2] =	stream.indirect.gather [hbm4b:s4+s28], $0x30, s13, s28, $0xb8;
	[tilespmem:$0xE420] =	vst v63  }
0x64: {  	s13 =	sadd.s32 $0x2710, s0  }
0x65: {  	[spmem:s2] =	stream.indirect.scatter.add.f32 [tilespmem:s24], [sflag:$0x3], $0x30, s13, s28, $0xb8;
	[tilespmem:$0xE420] =	vst v63  }
0x66: {  	_ =	swait.ge [sflag:s25], $0xF00  }
0x67: {  	[sflag:s25] =	ssyncset.done $0x0  }
0x68: {  	[sflag:s25] =	ssyncadd.s32 $0xFFFFF100  }
0x69: {  	_ =	swait.ge [sflag:s31], $0xF00  }
0x6a: {  	[sflag:s31] =	ssyncset.done $0x0  }
0x6b: {  	s13 =	sadd.s32 $0xA0, s0;
	[sflag:s31] =	ssyncadd.s32 $0xFFFFF100  }
0x6c: {  	[tilespmem:s24], [sflag:$0x1] =	stream.indirect.gather [hbm4b:s4+s28], $0x30, s13, s28, $0xb8;
	[tilespmem:$0xE420] =	vst v63  }
.Ltmp1:
0x6d: {  	_ = 	snop;
	(pc) =	sbr.rel @p0 .LBB2_4-.Ltmp1, $4  }
0x6e: {  	s0 =	sadd.s32 $0x2760, s0  }
0x6f: {  	[spmem:s2] =	stream.indirect.scatter.add.f32 [tilespmem:s30], [sflag:$0x3], $0x30, s0, s28, $0xb8;
	[tilespmem:$0xE420] =	vst v63  }
0x70: {  	_ =	swait.ge [sflag:s25], $0xF00  }
0x71: {  	[sflag:s25] =	ssyncset.done $0x0  }
0x72: {  	[sflag:s25] =	ssyncadd.s32 $0xFFFFF100  }
0x73: {  	_ =	swait.ge [sflag:s29], $0xF00  }
0x74: {  	[sflag:s29] =	ssyncset.done $0x0  }
0x75: {  	s0 =	simm.s32 $0x4DD0;
	[sflag:s29] =	ssyncadd.s32 $0xFFFFF100  }
0x76: {  	[spmem:s2] =	stream.indirect.scatter.add.f32 [tilespmem:s24], [sflag:$0x3], $0x30, s0, s28, $0xb8;
	[tilespmem:$0xE420] =	vst v63  }
0x77: {  	_ =	swait.ge [sflag:s25], $0xF00  }
0x78: {  	[sflag:s25] =	ssyncset.done $0x0  }
0x79: {  	[sflag:s25] =	ssyncadd.s32 $0xFFFFF100  }
0x7a: {  	[bflag:$0x0] =	sbarrier.arrive $0xFFFF  }
0x7b: {  	[tilespmem:s24], [sflag:$0x3] =	stream.linear.gather [spmem:s5], $0xF00, $0x38;
	[tilespmem:$0xE420] =	vst v63  }
0x7c: {  	_ =	swait.ge [sflag:s25], $0xF00  }
0x7d: {  	[sflag:s25] =	ssyncset.done $0x0  }
0x7e: {  	[sflag:s25] =	ssyncadd.s32 $0xFFFFF100  }
0x7f: {  	[hbm4b:s15+s3] =	stream.linear.scatter [tilespmem:s24], [sflag:$0x3], $0xF00, $0x38;
	[tilespmem:$0xE420] =	vst v63  }
0x80: {  	_ =	swait.ge [sflag:s25], $0xF00  }
0x81: {  	[sflag:s25] =	ssyncset.done $0x0  }
0x82: {  	[sflag:s25] =	ssyncadd.s32 $0xFFFFF100  }
0x83: {  	[tilespmem:s24], [sflag:$0x3] =	stream.linear.gather [spmem:s6], $0xF00, $0x38;
	[tilespmem:$0xE420] =	vst v63  }
0x84: {  	_ =	swait.ge [sflag:s25], $0xF00  }
0x85: {  	[sflag:s25] =	ssyncset.done $0x0  }
0x86: {  	[sflag:s25] =	ssyncadd.s32 $0xFFFFF100  }
0x87: {  	[hbm4b:s16+s3] =	stream.linear.scatter [tilespmem:s24], [sflag:$0x3], $0xF00, $0x38;
	[tilespmem:$0xE420] =	vst v63  }
0x88: {  	_ =	swait.ge [sflag:s25], $0xF00  }
0x89: {  	[sflag:s25] =	ssyncset.done $0x0  }
0x8a: {  	[sflag:s25] =	ssyncadd.s32 $0xFFFFF100  }
0x8b: {  	[tilespmem:s24], [sflag:$0x3] =	stream.linear.gather [spmem:s7], $0xF00, $0x38;
	[tilespmem:$0xE420] =	vst v63  }
0x8c: {  	_ =	swait.ge [sflag:s25], $0xF00  }
0x8d: {  	[sflag:s25] =	ssyncset.done $0x0  }
0x8e: {  	[sflag:s25] =	ssyncadd.s32 $0xFFFFF100  }
0x8f: {  	[hbm4b:s17+s3] =	stream.linear.scatter [tilespmem:s24], [sflag:$0x3], $0xF00, $0x38;
	[tilespmem:$0xE420] =	vst v63  }
0x90: {  	_ =	swait.ge [sflag:s25], $0xF00  }
0x91: {  	[sflag:s25] =	ssyncset.done $0x0  }
0x92: {  	[sflag:s25] =	ssyncadd.s32 $0xFFFFF100  }
0x93: {  	[tilespmem:s24], [sflag:$0x3] =	stream.linear.gather [spmem:s8], $0xF00, $0x38;
	[tilespmem:$0xE420] =	vst v63  }
0x94: {  	_ =	swait.ge [sflag:s25], $0xF00  }
0x95: {  	[sflag:s25] =	ssyncset.done $0x0  }
0x96: {  	[sflag:s25] =	ssyncadd.s32 $0xFFFFF100  }
0x97: {  	[hbm4b:s18+s3] =	stream.linear.scatter [tilespmem:s24], [sflag:$0x3], $0xF00, $0x38;
	[tilespmem:$0xE420] =	vst v63  }
0x98: {  	_ =	swait.ge [sflag:s25], $0xF00  }
0x99: {  	[sflag:s25] =	ssyncset.done $0x0  }
0x9a: {  	[sflag:s25] =	ssyncadd.s32 $0xFFFFF100  }
0x9b: {  	[tilespmem:s24], [sflag:$0x3] =	stream.linear.gather [spmem:s9], $0xF00, $0x38;
	[tilespmem:$0xE420] =	vst v63  }
0x9c: {  	_ =	swait.ge [sflag:s25], $0xF00  }
0x9d: {  	[sflag:s25] =	ssyncset.done $0x0  }
0x9e: {  	[sflag:s25] =	ssyncadd.s32 $0xFFFFF100  }
0x9f: {  	[hbm4b:s19+s3] =	stream.linear.scatter [tilespmem:s24], [sflag:$0x3], $0xF00, $0x38;
	[tilespmem:$0xE420] =	vst v63  }
0xa0: {  	_ =	swait.ge [sflag:s25], $0xF00  }
0xa1: {  	[sflag:s25] =	ssyncset.done $0x0  }
0xa2: {  	[sflag:s25] =	ssyncadd.s32 $0xFFFFF100  }
0xa3: {  	[tilespmem:s24], [sflag:$0x3] =	stream.linear.gather [spmem:s10], $0xF00, $0x38;
	[tilespmem:$0xE420] =	vst v63  }
0xa4: {  	_ =	swait.ge [sflag:s25], $0xF00  }
0xa5: {  	[sflag:s25] =	ssyncset.done $0x0  }
0xa6: {  	[sflag:s25] =	ssyncadd.s32 $0xFFFFF100  }
0xa7: {  	[hbm4b:s20+s3] =	stream.linear.scatter [tilespmem:s24], [sflag:$0x3], $0xF00, $0x38;
	[tilespmem:$0xE420] =	vst v63  }
0xa8: {  	_ =	swait.ge [sflag:s25], $0xF00  }
0xa9: {  	[sflag:s25] =	ssyncset.done $0x0  }
0xaa: {  	[sflag:s25] =	ssyncadd.s32 $0xFFFFF100  }
0xab: {  	[tilespmem:s24], [sflag:$0x3] =	stream.linear.gather [spmem:s11], $0xF00, $0x38;
	[tilespmem:$0xE420] =	vst v63  }
0xac: {  	_ =	swait.ge [sflag:s25], $0xF00  }
0xad: {  	[sflag:s25] =	ssyncset.done $0x0  }
0xae: {  	[sflag:s25] =	ssyncadd.s32 $0xFFFFF100  }
0xaf: {  	[hbm4b:s21+s3] =	stream.linear.scatter [tilespmem:s24], [sflag:$0x3], $0xF00, $0x38;
	[tilespmem:$0xE420] =	vst v63  }
0xb0: {  	_ =	swait.ge [sflag:s25], $0xF00  }
0xb1: {  	[sflag:s25] =	ssyncset.done $0x0  }
0xb2: {  	[sflag:s25] =	ssyncadd.s32 $0xFFFFF100  }
0xb3: {  	[tilespmem:s24], [sflag:$0x3] =	stream.linear.gather [spmem:s12], $0xF00, $0x38;
	[tilespmem:$0xE420] =	vst v63  }
0xb4: {  	s1 =	sadd.s32 $0x1, s1;
	_ =	swait.ge [sflag:s25], $0xF00  }
0xb5: {  	p0 =	sne.s32 s1, s23;
	[sflag:s25] =	ssyncset.done $0x0  }
.Ltmp2:
0xb6: {  	[sflag:s25] =	ssyncadd.s32 $0xFFFFF100;
	(pc) =	sbr.rel @p0 .LBB2_1-.Ltmp2, $4  }
0xb7: {  	[hbm4b:s22+s3] =	stream.linear.scatter [tilespmem:s24], [sflag:$0x3], $0xF00, $0x38;
	[tilespmem:$0xE420] =	vst v63  }
0xb8: {  	_ =	swait.ge [sflag:s25], $0xF00  }
0xb9: {  	[sflag:s25] =	ssyncset.done $0x0  }
0xba: {  	[sflag:s25] =	ssyncadd.s32 $0xFFFFF100  }
0xbb: {  	_ =	sfence.sel $0x180000  }
0xbc: {  	[bflag:$0x0] =	sbarrier.arrive $0xFFFF  }
0xbd: {  	_ =	strace $0x9000004A  }
0xbe: {  	s0 =	stileid.u32;
	[bflag:$0x2] =	sbarrier.arrive $0xFFFF  }
0xbf: {  	p0 =	sne.s32 s0, $0x0;
	s0 =	rddreg [dreg:$0x2]  }
0xc0: {  	s0 =	sadd.s32 @!p0 $0x100000, s0  }
0xc1: {  	[sflag:s0] =	ssyncadd.tile.s32 @!p0 $0x1;
	_ =	shalt  }
.Lfunc_end2:
_tile_overlayer_lowered:
.L_overlay_start_2:
0xc2: {  	(tag) =	ssettag $0x2  }
0xc3: {  	s0 =	rddreg [dreg:$0x0];
	s2 =	stileid.u32  }
0xc4: {  	s1 =	rddreg [dreg:$0x1];
	p0 =	sne.s32 s2, $0x0  }
0xc5: {  	s3 =	rddreg [dreg:$0x2];
	[bflag:$0x3] =	sbarrier.arrive $0xFFFF;
	s2 =	simm.s32 @!p0 $0x1C03  }
0xc6: {  	[timem:s3], [sflag:s2] =	dma.local @!p0 [hbm:s0], s1  }
0xc7: {  	s0 =	simm.s32 @!p0 $0x3  }
0xc8: {  	_ =	swait.ge @!p0 [sflag:s0], s1  }
0xc9: {  	s1 =	ssub.s32 @!p0 $0x0, s1;
	[sflag:s0] =	ssyncset.done @!p0 $0x0  }
0xca: {  	[sflag:s0] =	ssyncadd.s32 @!p0 s1  }
0xcb: {  	[bflag:$0x3] =	sbarrier.arrive $0xFFFF  }
0xcc: {  	_ =	shalt  }

</sc_bundles>
